<compile_context>
chip_gen: v7x
topology: tpu7x:2x2x1
jax: 0.10.2.dev20260603
libtpu: 0.0.44.dev20260713+nightly
codegen_flags: <defaults>
</compile_context>

<pallas_src>
import functools

import jax
import jax.numpy as jnp
from jax import lax
from jax.experimental import pallas as pl
from jax.experimental.pallas import tpu as pltpu
from jax.experimental.pallas import tpu_sc as plsc

N = 320000
D = 128
S = 10000
SP = 10240
NC = 2
NS = 16
DC = D // NC
CHUNK = 256
SUB = 128
UNITS = N // CHUNK
TRIPS = UNITS // NS
EXTRA = UNITS - TRIPS * NS
ZROWS = SP // NS


def _sc_segment_mean(rawret, labels2d):
    mesh = plsc.VectorSubcoreMesh(core_axis_name="c", subcore_axis_name="s")

    @functools.partial(
        pl.kernel,
        out_type=jax.ShapeDtypeStruct((SP, D), jnp.float32),
        mesh=mesh,
        compiler_params=pltpu.CompilerParams(use_tc_tiling_on_sc=False,
                                             needs_layout_passes=False),
        scratch_types=[
            pltpu.VMEM((2, CHUNK, DC), jnp.float32),
            pltpu.VMEM((2 * TRIPS + 2, SUB), jnp.int32),
            pltpu.VMEM((SUB, DC), jnp.float32),
            pltpu.VMEM((SP,), jnp.float32),
            pltpu.VMEM((NS // 2, ZROWS), jnp.float32),
            pltpu.VMEM((ZROWS,), jnp.float32),
            pltpu.VMEM_SHARED((SP, DC), jnp.float32),
            pltpu.VMEM_SHARED((NS, SP), jnp.float32),
            pltpu.SemaphoreType.DMA,
            pltpu.SemaphoreType.DMA,
            pltpu.SemaphoreType.DMA,
            pltpu.SemaphoreType.DMA,
        ],
    )
    def seg_mean(raw_hbm, lbl_hbm, out_hbm, rows_v, lblbuf, stage, hist,
                 cslot, csum, acc_sh, cnt_sh, sem0, sem1, lsem0, lsem1):
        c = lax.axis_index("c")
        s = lax.axis_index("s")
        col0 = c * DC
        sems = (sem0, sem1)

        zero16 = jnp.zeros((16,), jnp.float32)
        one16 = jnp.ones((16,), jnp.float32)

        @pl.loop(0, SUB)
        def _(i):
            @pl.loop(0, DC // 16)
            def _(j):
                stage[i, pl.ds(j * 16, 16)] = zero16

        @pl.loop(0, SP // 16)
        def _(i):
            hist[pl.ds(i * 16, 16)] = zero16

        zrow = s * ZROWS
        for b in range(ZROWS // SUB):
            pltpu.sync_copy(stage, acc_sh.at[pl.ds(zrow + b * SUB, SUB)])
        plsc.subcore_barrier()

        my_first = TRIPS * s

        def rows_src(u):
            return raw_hbm.at[pl.ds(u * CHUNK, CHUNK), pl.ds(col0, DC)]

        lbl_main_src = lbl_hbm.at[pl.ds(2 * my_first, 2 * TRIPS)]
        lbl_main_dst = lblbuf.at[pl.ds(0, 2 * TRIPS)]
        pltpu.async_copy(lbl_main_src, lbl_main_dst, lsem0)

        lbl_x_src = lbl_hbm.at[pl.ds(2 * (TRIPS * NS + s), 2)]
        lbl_x_dst = lblbuf.at[pl.ds(2 * TRIPS, 2)]

        @pl.when(s < EXTRA)
        def _():
            pltpu.async_copy(lbl_x_src, lbl_x_dst, lsem1)

        def dma_in(u, b):
            pltpu.async_copy(rows_src(u), rows_v.at[b], sems[b])

        def dma_wait(u, b):
            pltpu.make_async_copy(rows_src(u), rows_v.at[b], sems[b]).wait()

        def hist_upd(t):
            for j in range(CHUNK // SUB):
                for k in range(SUB // 16):
                    v = lblbuf[2 * t + j, pl.ds(k * 16, 16)]
                    plsc.addupdate_scatter(hist, [v], one16)

        def scatter(t, b):
            for j in range(CHUNK // SUB):
                pltpu.sync_copy(rows_v.at[b].at[pl.ds(j * SUB, SUB)],
                                acc_sh.at[lblbuf.at[2 * t + j]], add=True)

        dma_in(my_first, 0)
        pltpu.make_async_copy(lbl_main_src, lbl_main_dst, lsem0).wait()

        @pl.loop(0, TRIPS // 2)
        def _(o):
            for b in range(2):
                t = 2 * o + b
                u = my_first + t

                dma_wait(u, b)

                @pl.when(t + 1 < TRIPS)
                def _():
                    dma_in(u + 1, 1 - b)

                hist_upd(t)
                scatter(t, b)

        @pl.when(s < EXTRA)
        def _():
            pltpu.make_async_copy(lbl_x_src, lbl_x_dst, lsem1).wait()
            u = TRIPS * NS + s
            pltpu.sync_copy(rows_src(u), rows_v.at[0])
            hist_upd(TRIPS)
            scatter(TRIPS, 0)

        pltpu.sync_copy(hist, cnt_sh.at[s])

        plsc.subcore_barrier()

        @pl.loop(0, ZROWS // 16)
        def _(r):
            csum[pl.ds(r * 16, 16)] = zero16

        for h in range(2):
            for t in range(NS // 2):
                pltpu.sync_copy(
                    cnt_sh.at[h * (NS // 2) + t].at[pl.ds(zrow, ZROWS)],
                    cslot.at[t])

            @pl.loop(0, ZROWS // 16)
            def _(r):
                acc = cslot[0, pl.ds(r * 16, 16)]
                for t in range(1, NS // 2):
                    acc = acc + cslot[t, pl.ds(r * 16, 16)]
                csum[pl.ds(r * 16, 16)] = csum[pl.ds(r * 16, 16)] + acc

        for b in range(ZROWS // SUB):
            pltpu.sync_copy(acc_sh.at[pl.ds(zrow + b * SUB, SUB)], stage)

            @pl.loop(0, SUB)
            def _(i):
                g = jnp.full((16,), b * SUB, jnp.int32) + i
                cnt = plsc.load_gather(csum, [g])
                r = one16 / jnp.maximum(cnt, one16)

                @pl.loop(0, DC // 16)
                def _(j):
                    stage[i, pl.ds(j * 16, 16)] = (
                        stage[i, pl.ds(j * 16, 16)] * r)

            pltpu.sync_copy(
                stage,
                out_hbm.at[pl.ds(zrow + b * SUB, SUB), pl.ds(col0, DC)])

    return seg_mean(rawret, labels2d)


def kernel(rawret, labels):
    labels2d = labels.reshape(N // 128, 128)
    means = _sc_segment_mean(rawret, labels2d)
    return means[:S]

# --- scband reference (transcript-rebuilt; emitter-appended) ---
"""Pipeline reference for scband-downprompt-86225763435115 (READ-ONLY COPY).

The authoritative reference and input builder live on the scoring server;
editing this copy changes nothing except your own understanding.
"""

import jax, jax.numpy as jnp
import numpy as np

N = 320000
D = 128
NUM_SEGMENTS = 10000

def setup_inputs(seed: int = 0) -> dict:
    key = jax.random.key(seed)
    k1, k2 = jax.random.split(key)
    rawret = jax.random.normal(k1, (N, D), dtype=jnp.float32)
    labels = jnp.sort(jax.random.randint(k2, (N,), 0, NUM_SEGMENTS, dtype=jnp.int32))
    return {"rawret": rawret, "labels": labels}

def reference(rawret, labels):
    # Faithful translation of averageemb: torch_scatter.scatter(src=rawret, index=labels, dim=0, reduce='mean')
    sums = jax.ops.segment_sum(rawret, labels, num_segments=NUM_SEGMENTS)
    counts = jax.ops.segment_sum(jnp.ones((rawret.shape[0],), dtype=jnp.float32), labels, num_segments=NUM_SEGMENTS)
    # torch_scatter 'mean' divides by count clamped to >= 1 (empty segments stay 0)
    counts = jnp.maximum(counts, 1.0)
    return sums / counts[:, None]

if __name__ == "__main__":
    import jax
    _d = setup_inputs()
    print(jax.jit(kernel)(*tuple(_d.values())))

</pallas_src>

<mosaic_0001>
#map = affine_map<(d0, d1) -> (0, 0)>
module attributes {stable_mosaic.version = 14 : i64} {
  func.func @seg_mean(%arg0: i32, %arg1: i32, %arg2: memref<320000x128xf32, #tpu.memory_space<hbm>>, %arg3: memref<2500x128xi32, #tpu.memory_space<hbm>>, %arg4: memref<10240x128xf32, #tpu.memory_space<hbm>>, %arg5: memref<2x256x64xf32, #tpu.memory_space<vmem>>, %arg6: memref<158x128xi32, #tpu.memory_space<vmem>>, %arg7: memref<128x64xf32, #tpu.memory_space<vmem>>, %arg8: memref<10240xf32, #tpu.memory_space<vmem>>, %arg9: memref<8x640xf32, #tpu.memory_space<vmem>>, %arg10: memref<640xf32, #tpu.memory_space<vmem>>, %arg11: memref<10240x64xf32, #tpu.memory_space<vmem_shared>>, %arg12: memref<16x10240xf32, #tpu.memory_space<vmem_shared>>, %arg13: memref<!tpu.dma_semaphore, #tpu.memory_space<semaphore_mem>>, %arg14: memref<!tpu.dma_semaphore, #tpu.memory_space<semaphore_mem>>, %arg15: memref<!tpu.dma_semaphore, #tpu.memory_space<semaphore_mem>>, %arg16: memref<!tpu.dma_semaphore, #tpu.memory_space<semaphore_mem>>) attributes {dimension_semantics = [#tpu.dimension_semantics<core_parallel>, #tpu.dimension_semantics<subcore_parallel>], iteration_bounds = array<i64: 2, 16>, scalar_prefetch = 0 : i64, scratch_operands = 12 : i64, tpu.core_type = #tpu.core_type<sc_vector_subcore>, window_params = [{transform_indices = #map}, {transform_indices = #map}, {transform_indices = #map}]} {
    %mul3A = arith.constant 64 : i32
    %mul3A_0 = arith.muli %arg0, %mul3A : i32
    %broadcast_in_dim3A = arith.constant 0.000000e+00 : f32
    %broadcast_in_dim3A_1 = vector.broadcast %broadcast_in_dim3A : f32 to vector<16xf32>
    %broadcast_in_dim3A_2 = arith.constant 1.000000e+00 : f32
    %broadcast_in_dim3A_3 = vector.broadcast %broadcast_in_dim3A_2 : f32 to vector<16xf32>
    %scan3A = arith.constant 0 : i32
    %scan3A_4 = arith.constant 128 : i32
    %scan3A_5 = arith.addi %scan3A, %scan3A_4 : i32
    %scan3A_6 = arith.constant 1 : i32
    scf.for %scan3A_167 = %scan3A to %scan3A_5 step %scan3A_6  : i32 {
      %mul3A_168 = arith.constant 1 : i32
      %mul3A_169 = arith.muli %scan3A_167, %mul3A_168 : i32
      %add3A_170 = arith.constant 0 : i32
      %add3A_171 = arith.addi %add3A_170, %mul3A_169 : i32
      %scan3A_172 = arith.constant 0 : i32
      %scan3A_173 = arith.constant 4 : i32
      %scan3A_174 = arith.addi %scan3A_172, %scan3A_173 : i32
      %scan3A_175 = arith.constant 1 : i32
      scf.for %scan3A_177 = %scan3A_172 to %scan3A_174 step %scan3A_175  : i32 {
        %mul3A_178 = arith.constant 1 : i32
        %mul3A_179 = arith.muli %scan3A_177, %mul3A_178 : i32
        %add3A_180 = arith.constant 0 : i32
        %add3A_181 = arith.addi %add3A_180, %mul3A_179 : i32
        %mul3A_182 = arith.constant 16 : i32
        %mul3A_183 = arith.muli %add3A_181, %mul3A_182 : i32
        %swap3A = arith.index_cast %add3A_171 : i32 to index
        %swap3A_184 = arith.index_cast %mul3A_183 : i32 to index
        %swap3A_185 = tpu.vector_load %arg7[%swap3A, %swap3A_184] {strides = array<i32>} : memref<128x64xf32, #tpu.memory_space<vmem>>, vector<16xf32>,
        tpu.vector_store %arg7[%swap3A, %swap3A_184], %broadcast_in_dim3A_1 {strides = array<i32>} : memref<128x64xf32, #tpu.memory_space<vmem>>, vector<16xf32>,
      }
      %scan3A_176 = arith.constant 4 : i32
    }
    %scan3A_7 = arith.constant 128 : i32
    %scan3A_8 = arith.constant 0 : i32
    %scan3A_9 = arith.constant 640 : i32
    %scan3A_10 = arith.addi %scan3A_8, %scan3A_9 : i32
    %scan3A_11 = arith.constant 1 : i32
    scf.for %scan3A_167 = %scan3A_8 to %scan3A_10 step %scan3A_11  : i32 {
      %mul3A_168 = arith.constant 1 : i32
      %mul3A_169 = arith.muli %scan3A_167, %mul3A_168 : i32
      %add3A_170 = arith.constant 0 : i32
      %add3A_171 = arith.addi %add3A_170, %mul3A_169 : i32
      %mul3A_172 = arith.constant 16 : i32
      %mul3A_173 = arith.muli %add3A_171, %mul3A_172 : i32
      %swap3A = arith.index_cast %mul3A_173 : i32 to index
      %swap3A_174 = tpu.vector_load %arg8[%swap3A] {strides = array<i32>} : memref<10240xf32, #tpu.memory_space<vmem>>, vector<16xf32>,
      tpu.vector_store %arg8[%swap3A], %broadcast_in_dim3A_1 {strides = array<i32>} : memref<10240xf32, #tpu.memory_space<vmem>>, vector<16xf32>,
    }
    %scan3A_12 = arith.constant 640 : i32
    %mul3A_13 = arith.constant 640 : i32
    %mul3A_14 = arith.muli %arg1, %mul3A_13 : i32
    %add3A = arith.constant 0 : i32
    %add3A_15 = arith.addi %mul3A_14, %add3A : i32
    "tpu.region"() ({
      %run_scoped3A_167 = tpu.sem_alloc : memref<!tpu.dma_semaphore, #tpu.memory_space<semaphore_mem>>
      %dma_start3A_168 = arith.constant 0 : i32
      %dma_start3A_169 = tpu.memref_slice %arg11[%add3A_15, %dma_start3A_168] : memref<10240x64xf32, #tpu.memory_space<vmem_shared>> -> memref<128x64xf32, #tpu.memory_space<vmem_shared>>
      %dma_start3A_170 = arith.constant 0 : i32
      %dma_start3A_171 = tpu.memref_slice %arg11[%add3A_15, %dma_start3A_170] : memref<10240x64xf32, #tpu.memory_space<vmem_shared>> -> memref<128x64xf32, #tpu.memory_space<vmem_shared>>
      tpu.enqueue_dma source(%arg7 : memref<128x64xf32, #tpu.memory_space<vmem>>) target(%dma_start3A_171 : memref<128x64xf32, #tpu.memory_space<vmem_shared>>) target_semaphore(%run_scoped3A_167 : memref<!tpu.dma_semaphore, #tpu.memory_space<semaphore_mem>>)
      %dma_wait3A_172 = arith.constant 0 : i32
      %dma_wait3A_173 = tpu.memref_slice %arg11[%add3A_15, %dma_wait3A_172] : memref<10240x64xf32, #tpu.memory_space<vmem_shared>> -> memref<128x64xf32, #tpu.memory_space<vmem_shared>>
      %dma_wait3A_174 = arith.constant 0 : i32
      %dma_wait3A_175 = tpu.memref_slice %arg11[%add3A_15, %dma_wait3A_174] : memref<10240x64xf32, #tpu.memory_space<vmem_shared>> -> memref<128x64xf32, #tpu.memory_space<vmem_shared>>
      tpu.wait_dma2 semaphore(%run_scoped3A_167 : memref<!tpu.dma_semaphore, #tpu.memory_space<semaphore_mem>>) src(%arg7 : memref<128x64xf32, #tpu.memory_space<vmem>>) dst(%dma_wait3A_175 : memref<128x64xf32, #tpu.memory_space<vmem_shared>>)
      tpu.yield
    }) : () -> ()
    %add3A_16 = arith.constant 128 : i32
    %add3A_17 = arith.addi %mul3A_14, %add3A_16 : i32
    "tpu.region"() ({
      %run_scoped3A_167 = tpu.sem_alloc : memref<!tpu.dma_semaphore, #tpu.memory_space<semaphore_mem>>
      %dma_start3A_168 = arith.constant 0 : i32
      %dma_start3A_169 = tpu.memref_slice %arg11[%add3A_17, %dma_start3A_168] : memref<10240x64xf32, #tpu.memory_space<vmem_shared>> -> memref<128x64xf32, #tpu.memory_space<vmem_shared>>
      %dma_start3A_170 = arith.constant 0 : i32
      %dma_start3A_171 = tpu.memref_slice %arg11[%add3A_17, %dma_start3A_170] : memref<10240x64xf32, #tpu.memory_space<vmem_shared>> -> memref<128x64xf32, #tpu.memory_space<vmem_shared>>
      tpu.enqueue_dma source(%arg7 : memref<128x64xf32, #tpu.memory_space<vmem>>) target(%dma_start3A_171 : memref<128x64xf32, #tpu.memory_space<vmem_shared>>) target_semaphore(%run_scoped3A_167 : memref<!tpu.dma_semaphore, #tpu.memory_space<semaphore_mem>>)
      %dma_wait3A_172 = arith.constant 0 : i32
      %dma_wait3A_173 = tpu.memref_slice %arg11[%add3A_17, %dma_wait3A_172] : memref<10240x64xf32, #tpu.memory_space<vmem_shared>> -> memref<128x64xf32, #tpu.memory_space<vmem_shared>>
      %dma_wait3A_174 = arith.constant 0 : i32
      %dma_wait3A_175 = tpu.memref_slice %arg11[%add3A_17, %dma_wait3A_174] : memref<10240x64xf32, #tpu.memory_space<vmem_shared>> -> memref<128x64xf32, #tpu.memory_space<vmem_shared>>
      tpu.wait_dma2 semaphore(%run_scoped3A_167 : memref<!tpu.dma_semaphore, #tpu.memory_space<semaphore_mem>>) src(%arg7 : memref<128x64xf32, #tpu.memory_space<vmem>>) dst(%dma_wait3A_175 : memref<128x64xf32, #tpu.memory_space<vmem_shared>>)
      tpu.yield
    }) : () -> ()
    %add3A_18 = arith.constant 256 : i32
    %add3A_19 = arith.addi %mul3A_14, %add3A_18 : i32
    "tpu.region"() ({
      %run_scoped3A_167 = tpu.sem_alloc : memref<!tpu.dma_semaphore, #tpu.memory_space<semaphore_mem>>
      %dma_start3A_168 = arith.constant 0 : i32
      %dma_start3A_169 = tpu.memref_slice %arg11[%add3A_19, %dma_start3A_168] : memref<10240x64xf32, #tpu.memory_space<vmem_shared>> -> memref<128x64xf32, #tpu.memory_space<vmem_shared>>
      %dma_start3A_170 = arith.constant 0 : i32
      %dma_start3A_171 = tpu.memref_slice %arg11[%add3A_19, %dma_start3A_170] : memref<10240x64xf32, #tpu.memory_space<vmem_shared>> -> memref<128x64xf32, #tpu.memory_space<vmem_shared>>
      tpu.enqueue_dma source(%arg7 : memref<128x64xf32, #tpu.memory_space<vmem>>) target(%dma_start3A_171 : memref<128x64xf32, #tpu.memory_space<vmem_shared>>) target_semaphore(%run_scoped3A_167 : memref<!tpu.dma_semaphore, #tpu.memory_space<semaphore_mem>>)
      %dma_wait3A_172 = arith.constant 0 : i32
      %dma_wait3A_173 = tpu.memref_slice %arg11[%add3A_19, %dma_wait3A_172] : memref<10240x64xf32, #tpu.memory_space<vmem_shared>> -> memref<128x64xf32, #tpu.memory_space<vmem_shared>>
      %dma_wait3A_174 = arith.constant 0 : i32
      %dma_wait3A_175 = tpu.memref_slice %arg11[%add3A_19, %dma_wait3A_174] : memref<10240x64xf32, #tpu.memory_space<vmem_shared>> -> memref<128x64xf32, #tpu.memory_space<vmem_shared>>
      tpu.wait_dma2 semaphore(%run_scoped3A_167 : memref<!tpu.dma_semaphore, #tpu.memory_space<semaphore_mem>>) src(%arg7 : memref<128x64xf32, #tpu.memory_space<vmem>>) dst(%dma_wait3A_175 : memref<128x64xf32, #tpu.memory_space<vmem_shared>>)
      tpu.yield
    }) : () -> ()
    %add3A_20 = arith.constant 384 : i32
    %add3A_21 = arith.addi %mul3A_14, %add3A_20 : i32
    "tpu.region"() ({
      %run_scoped3A_167 = tpu.sem_alloc : memref<!tpu.dma_semaphore, #tpu.memory_space<semaphore_mem>>
      %dma_start3A_168 = arith.constant 0 : i32
      %dma_start3A_169 = tpu.memref_slice %arg11[%add3A_21, %dma_start3A_168] : memref<10240x64xf32, #tpu.memory_space<vmem_shared>> -> memref<128x64xf32, #tpu.memory_space<vmem_shared>>
      %dma_start3A_170 = arith.constant 0 : i32
      %dma_start3A_171 = tpu.memref_slice %arg11[%add3A_21, %dma_start3A_170] : memref<10240x64xf32, #tpu.memory_space<vmem_shared>> -> memref<128x64xf32, #tpu.memory_space<vmem_shared>>
      tpu.enqueue_dma source(%arg7 : memref<128x64xf32, #tpu.memory_space<vmem>>) target(%dma_start3A_171 : memref<128x64xf32, #tpu.memory_space<vmem_shared>>) target_semaphore(%run_scoped3A_167 : memref<!tpu.dma_semaphore, #tpu.memory_space<semaphore_mem>>)
      %dma_wait3A_172 = arith.constant 0 : i32
      %dma_wait3A_173 = tpu.memref_slice %arg11[%add3A_21, %dma_wait3A_172] : memref<10240x64xf32, #tpu.memory_space<vmem_shared>> -> memref<128x64xf32, #tpu.memory_space<vmem_shared>>
      %dma_wait3A_174 = arith.constant 0 : i32
      %dma_wait3A_175 = tpu.memref_slice %arg11[%add3A_21, %dma_wait3A_174] : memref<10240x64xf32, #tpu.memory_space<vmem_shared>> -> memref<128x64xf32, #tpu.memory_space<vmem_shared>>
      tpu.wait_dma2 semaphore(%run_scoped3A_167 : memref<!tpu.dma_semaphore, #tpu.memory_space<semaphore_mem>>) src(%arg7 : memref<128x64xf32, #tpu.memory_space<vmem>>) dst(%dma_wait3A_175 : memref<128x64xf32, #tpu.memory_space<vmem_shared>>)
      tpu.yield
    }) : () -> ()
    %add3A_22 = arith.constant 512 : i32
    %add3A_23 = arith.addi %mul3A_14, %add3A_22 : i32
    "tpu.region"() ({
      %run_scoped3A_167 = tpu.sem_alloc : memref<!tpu.dma_semaphore, #tpu.memory_space<semaphore_mem>>
      %dma_start3A_168 = arith.constant 0 : i32
      %dma_start3A_169 = tpu.memref_slice %arg11[%add3A_23, %dma_start3A_168] : memref<10240x64xf32, #tpu.memory_space<vmem_shared>> -> memref<128x64xf32, #tpu.memory_space<vmem_shared>>
      %dma_start3A_170 = arith.constant 0 : i32
      %dma_start3A_171 = tpu.memref_slice %arg11[%add3A_23, %dma_start3A_170] : memref<10240x64xf32, #tpu.memory_space<vmem_shared>> -> memref<128x64xf32, #tpu.memory_space<vmem_shared>>
      tpu.enqueue_dma source(%arg7 : memref<128x64xf32, #tpu.memory_space<vmem>>) target(%dma_start3A_171 : memref<128x64xf32, #tpu.memory_space<vmem_shared>>) target_semaphore(%run_scoped3A_167 : memref<!tpu.dma_semaphore, #tpu.memory_space<semaphore_mem>>)
      %dma_wait3A_172 = arith.constant 0 : i32
      %dma_wait3A_173 = tpu.memref_slice %arg11[%add3A_23, %dma_wait3A_172] : memref<10240x64xf32, #tpu.memory_space<vmem_shared>> -> memref<128x64xf32, #tpu.memory_space<vmem_shared>>
      %dma_wait3A_174 = arith.constant 0 : i32
      %dma_wait3A_175 = tpu.memref_slice %arg11[%add3A_23, %dma_wait3A_174] : memref<10240x64xf32, #tpu.memory_space<vmem_shared>> -> memref<128x64xf32, #tpu.memory_space<vmem_shared>>
      tpu.wait_dma2 semaphore(%run_scoped3A_167 : memref<!tpu.dma_semaphore, #tpu.memory_space<semaphore_mem>>) src(%arg7 : memref<128x64xf32, #tpu.memory_space<vmem>>) dst(%dma_wait3A_175 : memref<128x64xf32, #tpu.memory_space<vmem_shared>>)
      tpu.yield
    }) : () -> ()
    %barrier3A = arith.constant 0 : index
    tpu.barrier barrier_id(%barrier3A)
    %mul3A_24 = arith.constant 78 : i32
    %mul3A_25 = arith.muli %mul3A_24, %arg1 : i32
    %mul3A_26 = arith.constant 2 : i32
    %mul3A_27 = arith.muli %mul3A_26, %mul3A_25 : i32
    %dma_start3A = arith.constant 0 : i32
    %dma_start3A_28 = arith.constant 0 : i32
    %dma_start3A_29 = tpu.memref_slice %arg6[%dma_start3A, %dma_start3A_28] : memref<158x128xi32, #tpu.memory_space<vmem>> -> memref<156x128xi32, #tpu.memory_space<vmem>>
    %dma_start3A_30 = arith.constant 0 : i32
    %dma_start3A_31 = tpu.memref_slice %arg3[%mul3A_27, %dma_start3A_30] : memref<2500x128xi32, #tpu.memory_space<hbm>> -> memref<156x128xi32, #tpu.memory_space<hbm>>
    %dma_start3A_32 = arith.constant 0 : i32
    %dma_start3A_33 = arith.constant 0 : i32
    %dma_start3A_34 = tpu.memref_slice %arg6[%dma_start3A_32, %dma_start3A_33] : memref<158x128xi32, #tpu.memory_space<vmem>> -> memref<156x128xi32, #tpu.memory_space<vmem>>
    %dma_start3A_35 = arith.constant 0 : i32
    %dma_start3A_36 = tpu.memref_slice %arg3[%mul3A_27, %dma_start3A_35] : memref<2500x128xi32, #tpu.memory_space<hbm>> -> memref<156x128xi32, #tpu.memory_space<hbm>>
    tpu.enqueue_dma source(%dma_start3A_36 : memref<156x128xi32, #tpu.memory_space<hbm>>) target(%dma_start3A_34 : memref<156x128xi32, #tpu.memory_space<vmem>>) target_semaphore(%arg15 : memref<!tpu.dma_semaphore, #tpu.memory_space<semaphore_mem>>)
    %add3A_37 = arith.constant 1248 : i32
    %add3A_38 = arith.addi %add3A_37, %arg1 : i32
    %mul3A_39 = arith.constant 2 : i32
    %mul3A_40 = arith.muli %mul3A_39, %add3A_38 : i32
    %lt3A = arith.constant 2 : i32
    %lt3A_41 = arith.cmpi slt, %arg1, %lt3A : i32
    %convert_element_type3A = arith.extui %lt3A_41 : i1 to i32
    %cond3A = arith.constant 0 : i32
    %cond3A_42 = arith.cmpi ne, %convert_element_type3A, %cond3A : i32
    scf.if %cond3A_42 {
      %dma_start3A_167 = arith.constant 156 : i32
      %dma_start3A_168 = arith.constant 0 : i32
      %dma_start3A_169 = tpu.memref_slice %arg6[%dma_start3A_167, %dma_start3A_168] : memref<158x128xi32, #tpu.memory_space<vmem>> -> memref<2x128xi32, #tpu.memory_space<vmem>>
      %dma_start3A_170 = arith.constant 0 : i32
      %dma_start3A_171 = tpu.memref_slice %arg3[%mul3A_40, %dma_start3A_170] : memref<2500x128xi32, #tpu.memory_space<hbm>> -> memref<2x128xi32, #tpu.memory_space<hbm>>
      %dma_start3A_172 = arith.constant 156 : i32
      %dma_start3A_173 = arith.constant 0 : i32
      %dma_start3A_174 = tpu.memref_slice %arg6[%dma_start3A_172, %dma_start3A_173] : memref<158x128xi32, #tpu.memory_space<vmem>> -> memref<2x128xi32, #tpu.memory_space<vmem>>
      %dma_start3A_175 = arith.constant 0 : i32
      %dma_start3A_176 = tpu.memref_slice %arg3[%mul3A_40, %dma_start3A_175] : memref<2500x128xi32, #tpu.memory_space<hbm>> -> memref<2x128xi32, #tpu.memory_space<hbm>>
      tpu.enqueue_dma source(%dma_start3A_176 : memref<2x128xi32, #tpu.memory_space<hbm>>) target(%dma_start3A_174 : memref<2x128xi32, #tpu.memory_space<vmem>>) target_semaphore(%arg16 : memref<!tpu.dma_semaphore, #tpu.memory_space<semaphore_mem>>)
    } else {
    }
    %mul3A_43 = arith.constant 256 : i32
    %mul3A_44 = arith.muli %mul3A_25, %mul3A_43 : i32
    %dma_start3A_45 = arith.constant 0 : i32
    %dma_start3A_46 = arith.constant 0 : i32
    %dma_start3A_47 = arith.constant 0 : i32
    %dma_start3A_48 = tpu.memref_slice %arg5[%dma_start3A_45, %dma_start3A_46, %dma_start3A_47] : memref<2x256x64xf32, #tpu.memory_space<vmem>> -> memref<1x256x64xf32, #tpu.memory_space<vmem>>
    %dma_start3A_49 = tpu.memref_squeeze %dma_start3A_48 : memref<1x256x64xf32, #tpu.memory_space<vmem>> -> memref<256x64xf32, #tpu.memory_space<vmem>>
    %dma_start3A_50 = tpu.memref_slice %arg2[%mul3A_44, %mul3A_0] : memref<320000x128xf32, #tpu.memory_space<hbm>> -> memref<256x64xf32, #tpu.memory_space<hbm>>
    %dma_start3A_51 = arith.constant 0 : i32
    %dma_start3A_52 = arith.constant 0 : i32
    %dma_start3A_53 = tpu.memref_slice %arg5[%dma_start3A_45, %dma_start3A_51, %dma_start3A_52] : memref<2x256x64xf32, #tpu.memory_space<vmem>> -> memref<1x256x64xf32, #tpu.memory_space<vmem>>
    %dma_start3A_54 = tpu.memref_squeeze %dma_start3A_53 : memref<1x256x64xf32, #tpu.memory_space<vmem>> -> memref<256x64xf32, #tpu.memory_space<vmem>>
    %dma_start3A_55 = tpu.memref_slice %arg2[%mul3A_44, %mul3A_0] : memref<320000x128xf32, #tpu.memory_space<hbm>> -> memref<256x64xf32, #tpu.memory_space<hbm>>
    tpu.enqueue_dma source(%dma_start3A_55 : memref<256x64xf32, #tpu.memory_space<hbm>>) target(%dma_start3A_54 : memref<256x64xf32, #tpu.memory_space<vmem>>) target_semaphore(%arg13 : memref<!tpu.dma_semaphore, #tpu.memory_space<semaphore_mem>>)
    %dma_wait3A = arith.constant 0 : i32
    %dma_wait3A_56 = arith.constant 0 : i32
    %dma_wait3A_57 = tpu.memref_slice %arg6[%dma_wait3A, %dma_wait3A_56] : memref<158x128xi32, #tpu.memory_space<vmem>> -> memref<156x128xi32, #tpu.memory_space<vmem>>
    %dma_wait3A_58 = arith.constant 0 : i32
    %dma_wait3A_59 = tpu.memref_slice %arg3[%mul3A_27, %dma_wait3A_58] : memref<2500x128xi32, #tpu.memory_space<hbm>> -> memref<156x128xi32, #tpu.memory_space<hbm>>
    %dma_wait3A_60 = arith.constant 0 : i32
    %dma_wait3A_61 = arith.constant 0 : i32
    %dma_wait3A_62 = tpu.memref_slice %arg6[%dma_wait3A_60, %dma_wait3A_61] : memref<158x128xi32, #tpu.memory_space<vmem>> -> memref<156x128xi32, #tpu.memory_space<vmem>>
    %dma_wait3A_63 = arith.constant 0 : i32
    %dma_wait3A_64 = tpu.memref_slice %arg3[%mul3A_27, %dma_wait3A_63] : memref<2500x128xi32, #tpu.memory_space<hbm>> -> memref<156x128xi32, #tpu.memory_space<hbm>>
    tpu.wait_dma2 semaphore(%arg15 : memref<!tpu.dma_semaphore, #tpu.memory_space<semaphore_mem>>) src(%dma_wait3A_64 : memref<156x128xi32, #tpu.memory_space<hbm>>) dst(%dma_wait3A_62 : memref<156x128xi32, #tpu.memory_space<vmem>>)
    %scan3A_65 = arith.constant 0 : i32
    %scan3A_66 = arith.constant 39 : i32
    %scan3A_67 = arith.addi %scan3A_65, %scan3A_66 : i32
    %scan3A_68 = arith.constant 1 : i32
    scf.for %scan3A_167 = %scan3A_65 to %scan3A_67 step %scan3A_68  : i32 {
      %mul3A_168 = arith.constant 1 : i32
      %mul3A_169 = arith.muli %scan3A_167, %mul3A_168 : i32
      %add3A_170 = arith.constant 0 : i32
      %add3A_171 = arith.addi %add3A_170, %mul3A_169 : i32
      %mul3A_172 = arith.constant 2 : i32
      %mul3A_173 = arith.muli %mul3A_172, %add3A_171 : i32
      %add3A_174 = arith.constant 0 : i32
      %add3A_175 = arith.addi %mul3A_173, %add3A_174 : i32
      %add3A_176 = arith.addi %mul3A_25, %add3A_175 : i32
      %mul3A_177 = arith.constant 256 : i32
      %mul3A_178 = arith.muli %add3A_176, %mul3A_177 : i32
      %dma_wait3A_179 = arith.constant 0 : i32
      %dma_wait3A_180 = arith.constant 0 : i32
      %dma_wait3A_181 = arith.constant 0 : i32
      %dma_wait3A_182 = tpu.memref_slice %arg5[%dma_wait3A_179, %dma_wait3A_180, %dma_wait3A_181] : memref<2x256x64xf32, #tpu.memory_space<vmem>> -> memref<1x256x64xf32, #tpu.memory_space<vmem>>
      %dma_wait3A_183 = tpu.memref_squeeze %dma_wait3A_182 : memref<1x256x64xf32, #tpu.memory_space<vmem>> -> memref<256x64xf32, #tpu.memory_space<vmem>>
      %dma_wait3A_184 = tpu.memref_slice %arg2[%mul3A_178, %mul3A_0] : memref<320000x128xf32, #tpu.memory_space<hbm>> -> memref<256x64xf32, #tpu.memory_space<hbm>>
      %dma_wait3A_185 = arith.constant 0 : i32
      %dma_wait3A_186 = arith.constant 0 : i32
      %dma_wait3A_187 = tpu.memref_slice %arg5[%dma_wait3A_179, %dma_wait3A_185, %dma_wait3A_186] : memref<2x256x64xf32, #tpu.memory_space<vmem>> -> memref<1x256x64xf32, #tpu.memory_space<vmem>>
      %dma_wait3A_188 = tpu.memref_squeeze %dma_wait3A_187 : memref<1x256x64xf32, #tpu.memory_space<vmem>> -> memref<256x64xf32, #tpu.memory_space<vmem>>
      %dma_wait3A_189 = tpu.memref_slice %arg2[%mul3A_178, %mul3A_0] : memref<320000x128xf32, #tpu.memory_space<hbm>> -> memref<256x64xf32, #tpu.memory_space<hbm>>
      tpu.wait_dma2 semaphore(%arg13 : memref<!tpu.dma_semaphore, #tpu.memory_space<semaphore_mem>>) src(%dma_wait3A_189 : memref<256x64xf32, #tpu.memory_space<hbm>>) dst(%dma_wait3A_188 : memref<256x64xf32, #tpu.memory_space<vmem>>)
      %add3A_190 = arith.constant 1 : i32
      %add3A_191 = arith.addi %add3A_175, %add3A_190 : i32
      %lt3A_192 = arith.constant 78 : i32
      %lt3A_193 = arith.cmpi slt, %add3A_191, %lt3A_192 : i32
      %convert_element_type3A_194 = arith.extui %lt3A_193 : i1 to i32
      %cond3A_195 = arith.constant 0 : i32
      %cond3A_196 = arith.cmpi ne, %convert_element_type3A_194, %cond3A_195 : i32
      scf.if %cond3A_196 {
        %add3A_465 = arith.constant 1 : i32
        %add3A_466 = arith.addi %add3A_176, %add3A_465 : i32
        %mul3A_467 = arith.constant 256 : i32
        %mul3A_468 = arith.muli %add3A_466, %mul3A_467 : i32
        %dma_start3A_469 = arith.constant 1 : i32
        %dma_start3A_470 = arith.constant 0 : i32
        %dma_start3A_471 = arith.constant 0 : i32
        %dma_start3A_472 = tpu.memref_slice %arg5[%dma_start3A_469, %dma_start3A_470, %dma_start3A_471] : memref<2x256x64xf32, #tpu.memory_space<vmem>> -> memref<1x256x64xf32, #tpu.memory_space<vmem>>
        %dma_start3A_473 = tpu.memref_squeeze %dma_start3A_472 : memref<1x256x64xf32, #tpu.memory_space<vmem>> -> memref<256x64xf32, #tpu.memory_space<vmem>>
        %dma_start3A_474 = tpu.memref_slice %arg2[%mul3A_468, %mul3A_0] : memref<320000x128xf32, #tpu.memory_space<hbm>> -> memref<256x64xf32, #tpu.memory_space<hbm>>
        %dma_start3A_475 = arith.constant 0 : i32
        %dma_start3A_476 = arith.constant 0 : i32
        %dma_start3A_477 = tpu.memref_slice %arg5[%dma_start3A_469, %dma_start3A_475, %dma_start3A_476] : memref<2x256x64xf32, #tpu.memory_space<vmem>> -> memref<1x256x64xf32, #tpu.memory_space<vmem>>
        %dma_start3A_478 = tpu.memref_squeeze %dma_start3A_477 : memref<1x256x64xf32, #tpu.memory_space<vmem>> -> memref<256x64xf32, #tpu.memory_space<vmem>>
        %dma_start3A_479 = tpu.memref_slice %arg2[%mul3A_468, %mul3A_0] : memref<320000x128xf32, #tpu.memory_space<hbm>> -> memref<256x64xf32, #tpu.memory_space<hbm>>
        tpu.enqueue_dma source(%dma_start3A_479 : memref<256x64xf32, #tpu.memory_space<hbm>>) target(%dma_start3A_478 : memref<256x64xf32, #tpu.memory_space<vmem>>) target_semaphore(%arg14 : memref<!tpu.dma_semaphore, #tpu.memory_space<semaphore_mem>>)
      } else {
      }
      %mul3A_197 = arith.constant 2 : i32
      %mul3A_198 = arith.muli %mul3A_197, %add3A_175 : i32
      %add3A_199 = arith.constant 0 : i32
      %add3A_200 = arith.addi %mul3A_198, %add3A_199 : i32
      %get3A = arith.index_cast %add3A_200 : i32 to index
      %get3A_201 = arith.constant 0 : index
      %get3A_202 = tpu.vector_load %arg6[%get3A, %get3A_201] {strides = array<i32>} : memref<158x128xi32, #tpu.memory_space<vmem>>, vector<16xi32>,
      tpu.vector_store_idx %arg8[%get3A_202], %broadcast_in_dim3A_3 {add = true} : memref<10240xf32, #tpu.memory_space<vmem>>[vector<16xi32>], vector<16xf32>,
      %mul3A_203 = arith.constant 2 : i32
      %mul3A_204 = arith.muli %mul3A_203, %add3A_175 : i32
      %add3A_205 = arith.constant 0 : i32
      %add3A_206 = arith.addi %mul3A_204, %add3A_205 : i32
      %get3A_207 = arith.index_cast %add3A_206 : i32 to index
      %get3A_208 = arith.constant 16 : index
      %get3A_209 = tpu.vector_load %arg6[%get3A_207, %get3A_208] {strides = array<i32>} : memref<158x128xi32, #tpu.memory_space<vmem>>, vector<16xi32>,
      tpu.vector_store_idx %arg8[%get3A_209], %broadcast_in_dim3A_3 {add = true} : memref<10240xf32, #tpu.memory_space<vmem>>[vector<16xi32>], vector<16xf32>,
      %mul3A_210 = arith.constant 2 : i32
      %mul3A_211 = arith.muli %mul3A_210, %add3A_175 : i32
      %add3A_212 = arith.constant 0 : i32
      %add3A_213 = arith.addi %mul3A_211, %add3A_212 : i32
      %get3A_214 = arith.index_cast %add3A_213 : i32 to index
      %get3A_215 = arith.constant 32 : index
      %get3A_216 = tpu.vector_load %arg6[%get3A_214, %get3A_215] {strides = array<i32>} : memref<158x128xi32, #tpu.memory_space<vmem>>, vector<16xi32>,
      tpu.vector_store_idx %arg8[%get3A_216], %broadcast_in_dim3A_3 {add = true} : memref<10240xf32, #tpu.memory_space<vmem>>[vector<16xi32>], vector<16xf32>,
      %mul3A_217 = arith.constant 2 : i32
      %mul3A_218 = arith.muli %mul3A_217, %add3A_175 : i32
      %add3A_219 = arith.constant 0 : i32
      %add3A_220 = arith.addi %mul3A_218, %add3A_219 : i32
      %get3A_221 = arith.index_cast %add3A_220 : i32 to index
      %get3A_222 = arith.constant 48 : index
      %get3A_223 = tpu.vector_load %arg6[%get3A_221, %get3A_222] {strides = array<i32>} : memref<158x128xi32, #tpu.memory_space<vmem>>, vector<16xi32>,
      tpu.vector_store_idx %arg8[%get3A_223], %broadcast_in_dim3A_3 {add = true} : memref<10240xf32, #tpu.memory_space<vmem>>[vector<16xi32>], vector<16xf32>,
      %mul3A_224 = arith.constant 2 : i32
      %mul3A_225 = arith.muli %mul3A_224, %add3A_175 : i32
      %add3A_226 = arith.constant 0 : i32
      %add3A_227 = arith.addi %mul3A_225, %add3A_226 : i32
      %get3A_228 = arith.index_cast %add3A_227 : i32 to index
      %get3A_229 = arith.constant 64 : index
      %get3A_230 = tpu.vector_load %arg6[%get3A_228, %get3A_229] {strides = array<i32>} : memref<158x128xi32, #tpu.memory_space<vmem>>, vector<16xi32>,
      tpu.vector_store_idx %arg8[%get3A_230], %broadcast_in_dim3A_3 {add = true} : memref<10240xf32, #tpu.memory_space<vmem>>[vector<16xi32>], vector<16xf32>,
      %mul3A_231 = arith.constant 2 : i32
      %mul3A_232 = arith.muli %mul3A_231, %add3A_175 : i32
      %add3A_233 = arith.constant 0 : i32
      %add3A_234 = arith.addi %mul3A_232, %add3A_233 : i32
      %get3A_235 = arith.index_cast %add3A_234 : i32 to index
      %get3A_236 = arith.constant 80 : index
      %get3A_237 = tpu.vector_load %arg6[%get3A_235, %get3A_236] {strides = array<i32>} : memref<158x128xi32, #tpu.memory_space<vmem>>, vector<16xi32>,
      tpu.vector_store_idx %arg8[%get3A_237], %broadcast_in_dim3A_3 {add = true} : memref<10240xf32, #tpu.memory_space<vmem>>[vector<16xi32>], vector<16xf32>,
      %mul3A_238 = arith.constant 2 : i32
      %mul3A_239 = arith.muli %mul3A_238, %add3A_175 : i32
      %add3A_240 = arith.constant 0 : i32
      %add3A_241 = arith.addi %mul3A_239, %add3A_240 : i32
      %get3A_242 = arith.index_cast %add3A_241 : i32 to index
      %get3A_243 = arith.constant 96 : index
      %get3A_244 = tpu.vector_load %arg6[%get3A_242, %get3A_243] {strides = array<i32>} : memref<158x128xi32, #tpu.memory_space<vmem>>, vector<16xi32>,
      tpu.vector_store_idx %arg8[%get3A_244], %broadcast_in_dim3A_3 {add = true} : memref<10240xf32, #tpu.memory_space<vmem>>[vector<16xi32>], vector<16xf32>,
      %mul3A_245 = arith.constant 2 : i32
      %mul3A_246 = arith.muli %mul3A_245, %add3A_175 : i32
      %add3A_247 = arith.constant 0 : i32
      %add3A_248 = arith.addi %mul3A_246, %add3A_247 : i32
      %get3A_249 = arith.index_cast %add3A_248 : i32 to index
      %get3A_250 = arith.constant 112 : index
      %get3A_251 = tpu.vector_load %arg6[%get3A_249, %get3A_250] {strides = array<i32>} : memref<158x128xi32, #tpu.memory_space<vmem>>, vector<16xi32>,
      tpu.vector_store_idx %arg8[%get3A_251], %broadcast_in_dim3A_3 {add = true} : memref<10240xf32, #tpu.memory_space<vmem>>[vector<16xi32>], vector<16xf32>,
      %mul3A_252 = arith.constant 2 : i32
      %mul3A_253 = arith.muli %mul3A_252, %add3A_175 : i32
      %add3A_254 = arith.constant 1 : i32
      %add3A_255 = arith.addi %mul3A_253, %add3A_254 : i32
      %get3A_256 = arith.index_cast %add3A_255 : i32 to index
      %get3A_257 = arith.constant 0 : index
      %get3A_258 = tpu.vector_load %arg6[%get3A_256, %get3A_257] {strides = array<i32>} : memref<158x128xi32, #tpu.memory_space<vmem>>, vector<16xi32>,
      tpu.vector_store_idx %arg8[%get3A_258], %broadcast_in_dim3A_3 {add = true} : memref<10240xf32, #tpu.memory_space<vmem>>[vector<16xi32>], vector<16xf32>,
      %mul3A_259 = arith.constant 2 : i32
      %mul3A_260 = arith.muli %mul3A_259, %add3A_175 : i32
      %add3A_261 = arith.constant 1 : i32
      %add3A_262 = arith.addi %mul3A_260, %add3A_261 : i32
      %get3A_263 = arith.index_cast %add3A_262 : i32 to index
      %get3A_264 = arith.constant 16 : index
      %get3A_265 = tpu.vector_load %arg6[%get3A_263, %get3A_264] {strides = array<i32>} : memref<158x128xi32, #tpu.memory_space<vmem>>, vector<16xi32>,
      tpu.vector_store_idx %arg8[%get3A_265], %broadcast_in_dim3A_3 {add = true} : memref<10240xf32, #tpu.memory_space<vmem>>[vector<16xi32>], vector<16xf32>,
      %mul3A_266 = arith.constant 2 : i32
      %mul3A_267 = arith.muli %mul3A_266, %add3A_175 : i32
      %add3A_268 = arith.constant 1 : i32
      %add3A_269 = arith.addi %mul3A_267, %add3A_268 : i32
      %get3A_270 = arith.index_cast %add3A_269 : i32 to index
      %get3A_271 = arith.constant 32 : index
      %get3A_272 = tpu.vector_load %arg6[%get3A_270, %get3A_271] {strides = array<i32>} : memref<158x128xi32, #tpu.memory_space<vmem>>, vector<16xi32>,
      tpu.vector_store_idx %arg8[%get3A_272], %broadcast_in_dim3A_3 {add = true} : memref<10240xf32, #tpu.memory_space<vmem>>[vector<16xi32>], vector<16xf32>,
      %mul3A_273 = arith.constant 2 : i32
      %mul3A_274 = arith.muli %mul3A_273, %add3A_175 : i32
      %add3A_275 = arith.constant 1 : i32
      %add3A_276 = arith.addi %mul3A_274, %add3A_275 : i32
      %get3A_277 = arith.index_cast %add3A_276 : i32 to index
      %get3A_278 = arith.constant 48 : index
      %get3A_279 = tpu.vector_load %arg6[%get3A_277, %get3A_278] {strides = array<i32>} : memref<158x128xi32, #tpu.memory_space<vmem>>, vector<16xi32>,
      tpu.vector_store_idx %arg8[%get3A_279], %broadcast_in_dim3A_3 {add = true} : memref<10240xf32, #tpu.memory_space<vmem>>[vector<16xi32>], vector<16xf32>,
      %mul3A_280 = arith.constant 2 : i32
      %mul3A_281 = arith.muli %mul3A_280, %add3A_175 : i32
      %add3A_282 = arith.constant 1 : i32
      %add3A_283 = arith.addi %mul3A_281, %add3A_282 : i32
      %get3A_284 = arith.index_cast %add3A_283 : i32 to index
      %get3A_285 = arith.constant 64 : index
      %get3A_286 = tpu.vector_load %arg6[%get3A_284, %get3A_285] {strides = array<i32>} : memref<158x128xi32, #tpu.memory_space<vmem>>, vector<16xi32>,
      tpu.vector_store_idx %arg8[%get3A_286], %broadcast_in_dim3A_3 {add = true} : memref<10240xf32, #tpu.memory_space<vmem>>[vector<16xi32>], vector<16xf32>,
      %mul3A_287 = arith.constant 2 : i32
      %mul3A_288 = arith.muli %mul3A_287, %add3A_175 : i32
      %add3A_289 = arith.constant 1 : i32
      %add3A_290 = arith.addi %mul3A_288, %add3A_289 : i32
      %get3A_291 = arith.index_cast %add3A_290 : i32 to index
      %get3A_292 = arith.constant 80 : index
      %get3A_293 = tpu.vector_load %arg6[%get3A_291, %get3A_292] {strides = array<i32>} : memref<158x128xi32, #tpu.memory_space<vmem>>, vector<16xi32>,
      tpu.vector_store_idx %arg8[%get3A_293], %broadcast_in_dim3A_3 {add = true} : memref<10240xf32, #tpu.memory_space<vmem>>[vector<16xi32>], vector<16xf32>,
      %mul3A_294 = arith.constant 2 : i32
      %mul3A_295 = arith.muli %mul3A_294, %add3A_175 : i32
      %add3A_296 = arith.constant 1 : i32
      %add3A_297 = arith.addi %mul3A_295, %add3A_296 : i32
      %get3A_298 = arith.index_cast %add3A_297 : i32 to index
      %get3A_299 = arith.constant 96 : index
      %get3A_300 = tpu.vector_load %arg6[%get3A_298, %get3A_299] {strides = array<i32>} : memref<158x128xi32, #tpu.memory_space<vmem>>, vector<16xi32>,
      tpu.vector_store_idx %arg8[%get3A_300], %broadcast_in_dim3A_3 {add = true} : memref<10240xf32, #tpu.memory_space<vmem>>[vector<16xi32>], vector<16xf32>,
      %mul3A_301 = arith.constant 2 : i32
      %mul3A_302 = arith.muli %mul3A_301, %add3A_175 : i32
      %add3A_303 = arith.constant 1 : i32
      %add3A_304 = arith.addi %mul3A_302, %add3A_303 : i32
      %get3A_305 = arith.index_cast %add3A_304 : i32 to index
      %get3A_306 = arith.constant 112 : index
      %get3A_307 = tpu.vector_load %arg6[%get3A_305, %get3A_306] {strides = array<i32>} : memref<158x128xi32, #tpu.memory_space<vmem>>, vector<16xi32>,
      tpu.vector_store_idx %arg8[%get3A_307], %broadcast_in_dim3A_3 {add = true} : memref<10240xf32, #tpu.memory_space<vmem>>[vector<16xi32>], vector<16xf32>,
      %mul3A_308 = arith.constant 2 : i32
      %mul3A_309 = arith.muli %mul3A_308, %add3A_175 : i32
      %add3A_310 = arith.constant 0 : i32
      %add3A_311 = arith.addi %mul3A_309, %add3A_310 : i32
      %run_scoped3A_312 = arith.constant 0 : i32
      "tpu.region"() ({
        %run_scoped3A_465 = tpu.sem_alloc : memref<!tpu.dma_semaphore, #tpu.memory_space<semaphore_mem>>
        %dma_start3A_466 = arith.constant 0 : i32
        %dma_start3A_467 = arith.constant 0 : i32
        %dma_start3A_468 = tpu.memref_slice %arg5[%run_scoped3A_312, %dma_start3A_466, %dma_start3A_467] : memref<2x256x64xf32, #tpu.memory_space<vmem>> -> memref<1x256x64xf32, #tpu.memory_space<vmem>>
        %dma_start3A_469 = tpu.memref_squeeze %dma_start3A_468 : memref<1x256x64xf32, #tpu.memory_space<vmem>> -> memref<256x64xf32, #tpu.memory_space<vmem>>
        %dma_start3A_470 = arith.constant 0 : i32
        %dma_start3A_471 = arith.constant 0 : i32
        %dma_start3A_472 = tpu.memref_slice %dma_start3A_469[%dma_start3A_470, %dma_start3A_471] : memref<256x64xf32, #tpu.memory_space<vmem>> -> memref<128x64xf32, #tpu.memory_space<vmem>>
        %dma_start3A_473 = arith.constant 0 : i32
        %dma_start3A_474 = tpu.memref_slice %arg6[%add3A_311, %dma_start3A_473] : memref<158x128xi32, #tpu.memory_space<vmem>> -> memref<1x128xi32, #tpu.memory_space<vmem>>
        %dma_start3A_475 = tpu.memref_squeeze %dma_start3A_474 : memref<1x128xi32, #tpu.memory_space<vmem>> -> memref<128xi32, #tpu.memory_space<vmem>>
        %dma_start3A_476 = arith.constant 0 : i32
        %dma_start3A_477 = arith.constant 0 : i32
        %dma_start3A_478 = tpu.memref_slice %arg11[%dma_start3A_476, %dma_start3A_477] : memref<10240x64xf32, #tpu.memory_space<vmem_shared>> -> memref<10240x64xf32, #tpu.memory_space<vmem_shared>>
        tpu.enqueue_indirect_dma source(%dma_start3A_472 : memref<128x64xf32, #tpu.memory_space<vmem>>) target(%dma_start3A_478 : memref<10240x64xf32, #tpu.memory_space<vmem_shared>>) offsets(%dma_start3A_475 : memref<128xi32, #tpu.memory_space<vmem>>) semaphore(%run_scoped3A_465 : memref<!tpu.dma_semaphore, #tpu.memory_space<semaphore_mem>>) {add = true}
        %dma_wait3A_479 = arith.constant 0 : i32
        %dma_wait3A_480 = arith.constant 0 : i32
        %dma_wait3A_481 = tpu.memref_slice %arg5[%run_scoped3A_312, %dma_wait3A_479, %dma_wait3A_480] : memref<2x256x64xf32, #tpu.memory_space<vmem>> -> memref<1x256x64xf32, #tpu.memory_space<vmem>>
        %dma_wait3A_482 = tpu.memref_squeeze %dma_wait3A_481 : memref<1x256x64xf32, #tpu.memory_space<vmem>> -> memref<256x64xf32, #tpu.memory_space<vmem>>
        %dma_wait3A_483 = arith.constant 0 : i32
        %dma_wait3A_484 = arith.constant 0 : i32
        %dma_wait3A_485 = tpu.memref_slice %dma_wait3A_482[%dma_wait3A_483, %dma_wait3A_484] : memref<256x64xf32, #tpu.memory_space<vmem>> -> memref<128x64xf32, #tpu.memory_space<vmem>>
        %dma_wait3A_486 = arith.constant 0 : i32
        %dma_wait3A_487 = tpu.memref_slice %arg6[%add3A_311, %dma_wait3A_486] : memref<158x128xi32, #tpu.memory_space<vmem>> -> memref<1x128xi32, #tpu.memory_space<vmem>>
        %dma_wait3A_488 = tpu.memref_squeeze %dma_wait3A_487 : memref<1x128xi32, #tpu.memory_space<vmem>> -> memref<128xi32, #tpu.memory_space<vmem>>
        %dma_wait3A_489 = arith.constant 0 : i32
        %dma_wait3A_490 = arith.constant 0 : i32
        %dma_wait3A_491 = tpu.memref_slice %arg11[%dma_wait3A_489, %dma_wait3A_490] : memref<10240x64xf32, #tpu.memory_space<vmem_shared>> -> memref<10240x64xf32, #tpu.memory_space<vmem_shared>>
        tpu.wait_indirect_dma semaphore(%run_scoped3A_465 : memref<!tpu.dma_semaphore, #tpu.memory_space<semaphore_mem>>) src(%dma_wait3A_485 : memref<128x64xf32, #tpu.memory_space<vmem>>) dst(%dma_wait3A_491 : memref<10240x64xf32, #tpu.memory_space<vmem_shared>>)
        tpu.yield
      }) : () -> ()
      %mul3A_313 = arith.constant 2 : i32
      %mul3A_314 = arith.muli %mul3A_313, %add3A_175 : i32
      %add3A_315 = arith.constant 1 : i32
      %add3A_316 = arith.addi %mul3A_314, %add3A_315 : i32
      %run_scoped3A_317 = arith.constant 0 : i32
      "tpu.region"() ({
        %run_scoped3A_465 = tpu.sem_alloc : memref<!tpu.dma_semaphore, #tpu.memory_space<semaphore_mem>>
        %dma_start3A_466 = arith.constant 0 : i32
        %dma_start3A_467 = arith.constant 0 : i32
        %dma_start3A_468 = tpu.memref_slice %arg5[%run_scoped3A_317, %dma_start3A_466, %dma_start3A_467] : memref<2x256x64xf32, #tpu.memory_space<vmem>> -> memref<1x256x64xf32, #tpu.memory_space<vmem>>
        %dma_start3A_469 = tpu.memref_squeeze %dma_start3A_468 : memref<1x256x64xf32, #tpu.memory_space<vmem>> -> memref<256x64xf32, #tpu.memory_space<vmem>>
        %dma_start3A_470 = arith.constant 128 : i32
        %dma_start3A_471 = arith.constant 0 : i32
        %dma_start3A_472 = tpu.memref_slice %dma_start3A_469[%dma_start3A_470, %dma_start3A_471] : memref<256x64xf32, #tpu.memory_space<vmem>> -> memref<128x64xf32, #tpu.memory_space<vmem>>
        %dma_start3A_473 = arith.constant 0 : i32
        %dma_start3A_474 = tpu.memref_slice %arg6[%add3A_316, %dma_start3A_473] : memref<158x128xi32, #tpu.memory_space<vmem>> -> memref<1x128xi32, #tpu.memory_space<vmem>>
        %dma_start3A_475 = tpu.memref_squeeze %dma_start3A_474 : memref<1x128xi32, #tpu.memory_space<vmem>> -> memref<128xi32, #tpu.memory_space<vmem>>
        %dma_start3A_476 = arith.constant 0 : i32
        %dma_start3A_477 = arith.constant 0 : i32
        %dma_start3A_478 = tpu.memref_slice %arg11[%dma_start3A_476, %dma_start3A_477] : memref<10240x64xf32, #tpu.memory_space<vmem_shared>> -> memref<10240x64xf32, #tpu.memory_space<vmem_shared>>
        tpu.enqueue_indirect_dma source(%dma_start3A_472 : memref<128x64xf32, #tpu.memory_space<vmem>>) target(%dma_start3A_478 : memref<10240x64xf32, #tpu.memory_space<vmem_shared>>) offsets(%dma_start3A_475 : memref<128xi32, #tpu.memory_space<vmem>>) semaphore(%run_scoped3A_465 : memref<!tpu.dma_semaphore, #tpu.memory_space<semaphore_mem>>) {add = true}
        %dma_wait3A_479 = arith.constant 0 : i32
        %dma_wait3A_480 = arith.constant 0 : i32
        %dma_wait3A_481 = tpu.memref_slice %arg5[%run_scoped3A_317, %dma_wait3A_479, %dma_wait3A_480] : memref<2x256x64xf32, #tpu.memory_space<vmem>> -> memref<1x256x64xf32, #tpu.memory_space<vmem>>
        %dma_wait3A_482 = tpu.memref_squeeze %dma_wait3A_481 : memref<1x256x64xf32, #tpu.memory_space<vmem>> -> memref<256x64xf32, #tpu.memory_space<vmem>>
        %dma_wait3A_483 = arith.constant 128 : i32
        %dma_wait3A_484 = arith.constant 0 : i32
        %dma_wait3A_485 = tpu.memref_slice %dma_wait3A_482[%dma_wait3A_483, %dma_wait3A_484] : memref<256x64xf32, #tpu.memory_space<vmem>> -> memref<128x64xf32, #tpu.memory_space<vmem>>
        %dma_wait3A_486 = arith.constant 0 : i32
        %dma_wait3A_487 = tpu.memref_slice %arg6[%add3A_316, %dma_wait3A_486] : memref<158x128xi32, #tpu.memory_space<vmem>> -> memref<1x128xi32, #tpu.memory_space<vmem>>
        %dma_wait3A_488 = tpu.memref_squeeze %dma_wait3A_487 : memref<1x128xi32, #tpu.memory_space<vmem>> -> memref<128xi32, #tpu.memory_space<vmem>>
        %dma_wait3A_489 = arith.constant 0 : i32
        %dma_wait3A_490 = arith.constant 0 : i32
        %dma_wait3A_491 = tpu.memref_slice %arg11[%dma_wait3A_489, %dma_wait3A_490] : memref<10240x64xf32, #tpu.memory_space<vmem_shared>> -> memref<10240x64xf32, #tpu.memory_space<vmem_shared>>
        tpu.wait_indirect_dma semaphore(%run_scoped3A_465 : memref<!tpu.dma_semaphore, #tpu.memory_space<semaphore_mem>>) src(%dma_wait3A_485 : memref<128x64xf32, #tpu.memory_space<vmem>>) dst(%dma_wait3A_491 : memref<10240x64xf32, #tpu.memory_space<vmem_shared>>)
        tpu.yield
      }) : () -> ()
      %mul3A_318 = arith.constant 2 : i32
      %mul3A_319 = arith.muli %mul3A_318, %add3A_171 : i32
      %add3A_320 = arith.constant 1 : i32
      %add3A_321 = arith.addi %mul3A_319, %add3A_320 : i32
      %add3A_322 = arith.addi %mul3A_25, %add3A_321 : i32
      %mul3A_323 = arith.constant 256 : i32
      %mul3A_324 = arith.muli %add3A_322, %mul3A_323 : i32
      %dma_wait3A_325 = arith.constant 1 : i32
      %dma_wait3A_326 = arith.constant 0 : i32
      %dma_wait3A_327 = arith.constant 0 : i32
      %dma_wait3A_328 = tpu.memref_slice %arg5[%dma_wait3A_325, %dma_wait3A_326, %dma_wait3A_327] : memref<2x256x64xf32, #tpu.memory_space<vmem>> -> memref<1x256x64xf32, #tpu.memory_space<vmem>>
      %dma_wait3A_329 = tpu.memref_squeeze %dma_wait3A_328 : memref<1x256x64xf32, #tpu.memory_space<vmem>> -> memref<256x64xf32, #tpu.memory_space<vmem>>
      %dma_wait3A_330 = tpu.memref_slice %arg2[%mul3A_324, %mul3A_0] : memref<320000x128xf32, #tpu.memory_space<hbm>> -> memref<256x64xf32, #tpu.memory_space<hbm>>
      %dma_wait3A_331 = arith.constant 0 : i32
      %dma_wait3A_332 = arith.constant 0 : i32
      %dma_wait3A_333 = tpu.memref_slice %arg5[%dma_wait3A_325, %dma_wait3A_331, %dma_wait3A_332] : memref<2x256x64xf32, #tpu.memory_space<vmem>> -> memref<1x256x64xf32, #tpu.memory_space<vmem>>
      %dma_wait3A_334 = tpu.memref_squeeze %dma_wait3A_333 : memref<1x256x64xf32, #tpu.memory_space<vmem>> -> memref<256x64xf32, #tpu.memory_space<vmem>>
      %dma_wait3A_335 = tpu.memref_slice %arg2[%mul3A_324, %mul3A_0] : memref<320000x128xf32, #tpu.memory_space<hbm>> -> memref<256x64xf32, #tpu.memory_space<hbm>>
      tpu.wait_dma2 semaphore(%arg14 : memref<!tpu.dma_semaphore, #tpu.memory_space<semaphore_mem>>) src(%dma_wait3A_335 : memref<256x64xf32, #tpu.memory_space<hbm>>) dst(%dma_wait3A_334 : memref<256x64xf32, #tpu.memory_space<vmem>>)
      %add3A_336 = arith.constant 1 : i32
      %add3A_337 = arith.addi %add3A_321, %add3A_336 : i32
      %lt3A_338 = arith.constant 78 : i32
      %lt3A_339 = arith.cmpi slt, %add3A_337, %lt3A_338 : i32
      %convert_element_type3A_340 = arith.extui %lt3A_339 : i1 to i32
      %cond3A_341 = arith.constant 0 : i32
      %cond3A_342 = arith.cmpi ne, %convert_element_type3A_340, %cond3A_341 : i32
      scf.if %cond3A_342 {
        %add3A_465 = arith.constant 1 : i32
        %add3A_466 = arith.addi %add3A_322, %add3A_465 : i32
        %mul3A_467 = arith.constant 256 : i32
        %mul3A_468 = arith.muli %add3A_466, %mul3A_467 : i32
        %dma_start3A_469 = arith.constant 0 : i32
        %dma_start3A_470 = arith.constant 0 : i32
        %dma_start3A_471 = arith.constant 0 : i32
        %dma_start3A_472 = tpu.memref_slice %arg5[%dma_start3A_469, %dma_start3A_470, %dma_start3A_471] : memref<2x256x64xf32, #tpu.memory_space<vmem>> -> memref<1x256x64xf32, #tpu.memory_space<vmem>>
        %dma_start3A_473 = tpu.memref_squeeze %dma_start3A_472 : memref<1x256x64xf32, #tpu.memory_space<vmem>> -> memref<256x64xf32, #tpu.memory_space<vmem>>
        %dma_start3A_474 = tpu.memref_slice %arg2[%mul3A_468, %mul3A_0] : memref<320000x128xf32, #tpu.memory_space<hbm>> -> memref<256x64xf32, #tpu.memory_space<hbm>>
        %dma_start3A_475 = arith.constant 0 : i32
        %dma_start3A_476 = arith.constant 0 : i32
        %dma_start3A_477 = tpu.memref_slice %arg5[%dma_start3A_469, %dma_start3A_475, %dma_start3A_476] : memref<2x256x64xf32, #tpu.memory_space<vmem>> -> memref<1x256x64xf32, #tpu.memory_space<vmem>>
        %dma_start3A_478 = tpu.memref_squeeze %dma_start3A_477 : memref<1x256x64xf32, #tpu.memory_space<vmem>> -> memref<256x64xf32, #tpu.memory_space<vmem>>
        %dma_start3A_479 = tpu.memref_slice %arg2[%mul3A_468, %mul3A_0] : memref<320000x128xf32, #tpu.memory_space<hbm>> -> memref<256x64xf32, #tpu.memory_space<hbm>>
        tpu.enqueue_dma source(%dma_start3A_479 : memref<256x64xf32, #tpu.memory_space<hbm>>) target(%dma_start3A_478 : memref<256x64xf32, #tpu.memory_space<vmem>>) target_semaphore(%arg13 : memref<!tpu.dma_semaphore, #tpu.memory_space<semaphore_mem>>)
      } else {
      }
      %mul3A_343 = arith.constant 2 : i32
      %mul3A_344 = arith.muli %mul3A_343, %add3A_321 : i32
      %add3A_345 = arith.constant 0 : i32
      %add3A_346 = arith.addi %mul3A_344, %add3A_345 : i32
      %get3A_347 = arith.index_cast %add3A_346 : i32 to index
      %get3A_348 = arith.constant 0 : index
      %get3A_349 = tpu.vector_load %arg6[%get3A_347, %get3A_348] {strides = array<i32>} : memref<158x128xi32, #tpu.memory_space<vmem>>, vector<16xi32>,
      tpu.vector_store_idx %arg8[%get3A_349], %broadcast_in_dim3A_3 {add = true} : memref<10240xf32, #tpu.memory_space<vmem>>[vector<16xi32>], vector<16xf32>,
      %mul3A_350 = arith.constant 2 : i32
      %mul3A_351 = arith.muli %mul3A_350, %add3A_321 : i32
      %add3A_352 = arith.constant 0 : i32
      %add3A_353 = arith.addi %mul3A_351, %add3A_352 : i32
      %get3A_354 = arith.index_cast %add3A_353 : i32 to index
      %get3A_355 = arith.constant 16 : index
      %get3A_356 = tpu.vector_load %arg6[%get3A_354, %get3A_355] {strides = array<i32>} : memref<158x128xi32, #tpu.memory_space<vmem>>, vector<16xi32>,
      tpu.vector_store_idx %arg8[%get3A_356], %broadcast_in_dim3A_3 {add = true} : memref<10240xf32, #tpu.memory_space<vmem>>[vector<16xi32>], vector<16xf32>,
      %mul3A_357 = arith.constant 2 : i32
      %mul3A_358 = arith.muli %mul3A_357, %add3A_321 : i32
      %add3A_359 = arith.constant 0 : i32
      %add3A_360 = arith.addi %mul3A_358, %add3A_359 : i32
      %get3A_361 = arith.index_cast %add3A_360 : i32 to index
      %get3A_362 = arith.constant 32 : index
      %get3A_363 = tpu.vector_load %arg6[%get3A_361, %get3A_362] {strides = array<i32>} : memref<158x128xi32, #tpu.memory_space<vmem>>, vector<16xi32>,
      tpu.vector_store_idx %arg8[%get3A_363], %broadcast_in_dim3A_3 {add = true} : memref<10240xf32, #tpu.memory_space<vmem>>[vector<16xi32>], vector<16xf32>,
      %mul3A_364 = arith.constant 2 : i32
      %mul3A_365 = arith.muli %mul3A_364, %add3A_321 : i32
      %add3A_366 = arith.constant 0 : i32
      %add3A_367 = arith.addi %mul3A_365, %add3A_366 : i32
      %get3A_368 = arith.index_cast %add3A_367 : i32 to index
      %get3A_369 = arith.constant 48 : index
      %get3A_370 = tpu.vector_load %arg6[%get3A_368, %get3A_369] {strides = array<i32>} : memref<158x128xi32, #tpu.memory_space<vmem>>, vector<16xi32>,
      tpu.vector_store_idx %arg8[%get3A_370], %broadcast_in_dim3A_3 {add = true} : memref<10240xf32, #tpu.memory_space<vmem>>[vector<16xi32>], vector<16xf32>,
      %mul3A_371 = arith.constant 2 : i32
      %mul3A_372 = arith.muli %mul3A_371, %add3A_321 : i32
      %add3A_373 = arith.constant 0 : i32
      %add3A_374 = arith.addi %mul3A_372, %add3A_373 : i32
      %get3A_375 = arith.index_cast %add3A_374 : i32 to index
      %get3A_376 = arith.constant 64 : index
      %get3A_377 = tpu.vector_load %arg6[%get3A_375, %get3A_376] {strides = array<i32>} : memref<158x128xi32, #tpu.memory_space<vmem>>, vector<16xi32>,
      tpu.vector_store_idx %arg8[%get3A_377], %broadcast_in_dim3A_3 {add = true} : memref<10240xf32, #tpu.memory_space<vmem>>[vector<16xi32>], vector<16xf32>,
      %mul3A_378 = arith.constant 2 : i32
      %mul3A_379 = arith.muli %mul3A_378, %add3A_321 : i32
      %add3A_380 = arith.constant 0 : i32
      %add3A_381 = arith.addi %mul3A_379, %add3A_380 : i32
      %get3A_382 = arith.index_cast %add3A_381 : i32 to index
      %get3A_383 = arith.constant 80 : index
      %get3A_384 = tpu.vector_load %arg6[%get3A_382, %get3A_383] {strides = array<i32>} : memref<158x128xi32, #tpu.memory_space<vmem>>, vector<16xi32>,
      tpu.vector_store_idx %arg8[%get3A_384], %broadcast_in_dim3A_3 {add = true} : memref<10240xf32, #tpu.memory_space<vmem>>[vector<16xi32>], vector<16xf32>,
      %mul3A_385 = arith.constant 2 : i32
      %mul3A_386 = arith.muli %mul3A_385, %add3A_321 : i32
      %add3A_387 = arith.constant 0 : i32
      %add3A_388 = arith.addi %mul3A_386, %add3A_387 : i32
      %get3A_389 = arith.index_cast %add3A_388 : i32 to index
      %get3A_390 = arith.constant 96 : index
      %get3A_391 = tpu.vector_load %arg6[%get3A_389, %get3A_390] {strides = array<i32>} : memref<158x128xi32, #tpu.memory_space<vmem>>, vector<16xi32>,
      tpu.vector_store_idx %arg8[%get3A_391], %broadcast_in_dim3A_3 {add = true} : memref<10240xf32, #tpu.memory_space<vmem>>[vector<16xi32>], vector<16xf32>,
      %mul3A_392 = arith.constant 2 : i32
      %mul3A_393 = arith.muli %mul3A_392, %add3A_321 : i32
      %add3A_394 = arith.constant 0 : i32
      %add3A_395 = arith.addi %mul3A_393, %add3A_394 : i32
      %get3A_396 = arith.index_cast %add3A_395 : i32 to index
      %get3A_397 = arith.constant 112 : index
      %get3A_398 = tpu.vector_load %arg6[%get3A_396, %get3A_397] {strides = array<i32>} : memref<158x128xi32, #tpu.memory_space<vmem>>, vector<16xi32>,
      tpu.vector_store_idx %arg8[%get3A_398], %broadcast_in_dim3A_3 {add = true} : memref<10240xf32, #tpu.memory_space<vmem>>[vector<16xi32>], vector<16xf32>,
      %mul3A_399 = arith.constant 2 : i32
      %mul3A_400 = arith.muli %mul3A_399, %add3A_321 : i32
      %add3A_401 = arith.constant 1 : i32
      %add3A_402 = arith.addi %mul3A_400, %add3A_401 : i32
      %get3A_403 = arith.index_cast %add3A_402 : i32 to index
      %get3A_404 = arith.constant 0 : index
      %get3A_405 = tpu.vector_load %arg6[%get3A_403, %get3A_404] {strides = array<i32>} : memref<158x128xi32, #tpu.memory_space<vmem>>, vector<16xi32>,
      tpu.vector_store_idx %arg8[%get3A_405], %broadcast_in_dim3A_3 {add = true} : memref<10240xf32, #tpu.memory_space<vmem>>[vector<16xi32>], vector<16xf32>,
      %mul3A_406 = arith.constant 2 : i32
      %mul3A_407 = arith.muli %mul3A_406, %add3A_321 : i32
      %add3A_408 = arith.constant 1 : i32
      %add3A_409 = arith.addi %mul3A_407, %add3A_408 : i32
      %get3A_410 = arith.index_cast %add3A_409 : i32 to index
      %get3A_411 = arith.constant 16 : index
      %get3A_412 = tpu.vector_load %arg6[%get3A_410, %get3A_411] {strides = array<i32>} : memref<158x128xi32, #tpu.memory_space<vmem>>, vector<16xi32>,
      tpu.vector_store_idx %arg8[%get3A_412], %broadcast_in_dim3A_3 {add = true} : memref<10240xf32, #tpu.memory_space<vmem>>[vector<16xi32>], vector<16xf32>,
      %mul3A_413 = arith.constant 2 : i32
      %mul3A_414 = arith.muli %mul3A_413, %add3A_321 : i32
      %add3A_415 = arith.constant 1 : i32
      %add3A_416 = arith.addi %mul3A_414, %add3A_415 : i32
      %get3A_417 = arith.index_cast %add3A_416 : i32 to index
      %get3A_418 = arith.constant 32 : index
      %get3A_419 = tpu.vector_load %arg6[%get3A_417, %get3A_418] {strides = array<i32>} : memref<158x128xi32, #tpu.memory_space<vmem>>, vector<16xi32>,
      tpu.vector_store_idx %arg8[%get3A_419], %broadcast_in_dim3A_3 {add = true} : memref<10240xf32, #tpu.memory_space<vmem>>[vector<16xi32>], vector<16xf32>,
      %mul3A_420 = arith.constant 2 : i32
      %mul3A_421 = arith.muli %mul3A_420, %add3A_321 : i32
      %add3A_422 = arith.constant 1 : i32
      %add3A_423 = arith.addi %mul3A_421, %add3A_422 : i32
      %get3A_424 = arith.index_cast %add3A_423 : i32 to index
      %get3A_425 = arith.constant 48 : index
      %get3A_426 = tpu.vector_load %arg6[%get3A_424, %get3A_425] {strides = array<i32>} : memref<158x128xi32, #tpu.memory_space<vmem>>, vector<16xi32>,
      tpu.vector_store_idx %arg8[%get3A_426], %broadcast_in_dim3A_3 {add = true} : memref<10240xf32, #tpu.memory_space<vmem>>[vector<16xi32>], vector<16xf32>,
      %mul3A_427 = arith.constant 2 : i32
      %mul3A_428 = arith.muli %mul3A_427, %add3A_321 : i32
      %add3A_429 = arith.constant 1 : i32
      %add3A_430 = arith.addi %mul3A_428, %add3A_429 : i32
      %get3A_431 = arith.index_cast %add3A_430 : i32 to index
      %get3A_432 = arith.constant 64 : index
      %get3A_433 = tpu.vector_load %arg6[%get3A_431, %get3A_432] {strides = array<i32>} : memref<158x128xi32, #tpu.memory_space<vmem>>, vector<16xi32>,
      tpu.vector_store_idx %arg8[%get3A_433], %broadcast_in_dim3A_3 {add = true} : memref<10240xf32, #tpu.memory_space<vmem>>[vector<16xi32>], vector<16xf32>,
      %mul3A_434 = arith.constant 2 : i32
      %mul3A_435 = arith.muli %mul3A_434, %add3A_321 : i32
      %add3A_436 = arith.constant 1 : i32
      %add3A_437 = arith.addi %mul3A_435, %add3A_436 : i32
      %get3A_438 = arith.index_cast %add3A_437 : i32 to index
      %get3A_439 = arith.constant 80 : index
      %get3A_440 = tpu.vector_load %arg6[%get3A_438, %get3A_439] {strides = array<i32>} : memref<158x128xi32, #tpu.memory_space<vmem>>, vector<16xi32>,
      tpu.vector_store_idx %arg8[%get3A_440], %broadcast_in_dim3A_3 {add = true} : memref<10240xf32, #tpu.memory_space<vmem>>[vector<16xi32>], vector<16xf32>,
      %mul3A_441 = arith.constant 2 : i32
      %mul3A_442 = arith.muli %mul3A_441, %add3A_321 : i32
      %add3A_443 = arith.constant 1 : i32
      %add3A_444 = arith.addi %mul3A_442, %add3A_443 : i32
      %get3A_445 = arith.index_cast %add3A_444 : i32 to index
      %get3A_446 = arith.constant 96 : index
      %get3A_447 = tpu.vector_load %arg6[%get3A_445, %get3A_446] {strides = array<i32>} : memref<158x128xi32, #tpu.memory_space<vmem>>, vector<16xi32>,
      tpu.vector_store_idx %arg8[%get3A_447], %broadcast_in_dim3A_3 {add = true} : memref<10240xf32, #tpu.memory_space<vmem>>[vector<16xi32>], vector<16xf32>,
      %mul3A_448 = arith.constant 2 : i32
      %mul3A_449 = arith.muli %mul3A_448, %add3A_321 : i32
      %add3A_450 = arith.constant 1 : i32
      %add3A_451 = arith.addi %mul3A_449, %add3A_450 : i32
      %get3A_452 = arith.index_cast %add3A_451 : i32 to index
      %get3A_453 = arith.constant 112 : index
      %get3A_454 = tpu.vector_load %arg6[%get3A_452, %get3A_453] {strides = array<i32>} : memref<158x128xi32, #tpu.memory_space<vmem>>, vector<16xi32>,
      tpu.vector_store_idx %arg8[%get3A_454], %broadcast_in_dim3A_3 {add = true} : memref<10240xf32, #tpu.memory_space<vmem>>[vector<16xi32>], vector<16xf32>,
      %mul3A_455 = arith.constant 2 : i32
      %mul3A_456 = arith.muli %mul3A_455, %add3A_321 : i32
      %add3A_457 = arith.constant 0 : i32
      %add3A_458 = arith.addi %mul3A_456, %add3A_457 : i32
      %run_scoped3A_459 = arith.constant 1 : i32
      "tpu.region"() ({
        %run_scoped3A_465 = tpu.sem_alloc : memref<!tpu.dma_semaphore, #tpu.memory_space<semaphore_mem>>
        %dma_start3A_466 = arith.constant 0 : i32
        %dma_start3A_467 = arith.constant 0 : i32
        %dma_start3A_468 = tpu.memref_slice %arg5[%run_scoped3A_459, %dma_start3A_466, %dma_start3A_467] : memref<2x256x64xf32, #tpu.memory_space<vmem>> -> memref<1x256x64xf32, #tpu.memory_space<vmem>>
        %dma_start3A_469 = tpu.memref_squeeze %dma_start3A_468 : memref<1x256x64xf32, #tpu.memory_space<vmem>> -> memref<256x64xf32, #tpu.memory_space<vmem>>
        %dma_start3A_470 = arith.constant 0 : i32
        %dma_start3A_471 = arith.constant 0 : i32
        %dma_start3A_472 = tpu.memref_slice %dma_start3A_469[%dma_start3A_470, %dma_start3A_471] : memref<256x64xf32, #tpu.memory_space<vmem>> -> memref<128x64xf32, #tpu.memory_space<vmem>>
        %dma_start3A_473 = arith.constant 0 : i32
        %dma_start3A_474 = tpu.memref_slice %arg6[%add3A_458, %dma_start3A_473] : memref<158x128xi32, #tpu.memory_space<vmem>> -> memref<1x128xi32, #tpu.memory_space<vmem>>
        %dma_start3A_475 = tpu.memref_squeeze %dma_start3A_474 : memref<1x128xi32, #tpu.memory_space<vmem>> -> memref<128xi32, #tpu.memory_space<vmem>>
        %dma_start3A_476 = arith.constant 0 : i32
        %dma_start3A_477 = arith.constant 0 : i32
        %dma_start3A_478 = tpu.memref_slice %arg11[%dma_start3A_476, %dma_start3A_477] : memref<10240x64xf32, #tpu.memory_space<vmem_shared>> -> memref<10240x64xf32, #tpu.memory_space<vmem_shared>>
        tpu.enqueue_indirect_dma source(%dma_start3A_472 : memref<128x64xf32, #tpu.memory_space<vmem>>) target(%dma_start3A_478 : memref<10240x64xf32, #tpu.memory_space<vmem_shared>>) offsets(%dma_start3A_475 : memref<128xi32, #tpu.memory_space<vmem>>) semaphore(%run_scoped3A_465 : memref<!tpu.dma_semaphore, #tpu.memory_space<semaphore_mem>>) {add = true}
        %dma_wait3A_479 = arith.constant 0 : i32
        %dma_wait3A_480 = arith.constant 0 : i32
        %dma_wait3A_481 = tpu.memref_slice %arg5[%run_scoped3A_459, %dma_wait3A_479, %dma_wait3A_480] : memref<2x256x64xf32, #tpu.memory_space<vmem>> -> memref<1x256x64xf32, #tpu.memory_space<vmem>>
        %dma_wait3A_482 = tpu.memref_squeeze %dma_wait3A_481 : memref<1x256x64xf32, #tpu.memory_space<vmem>> -> memref<256x64xf32, #tpu.memory_space<vmem>>
        %dma_wait3A_483 = arith.constant 0 : i32
        %dma_wait3A_484 = arith.constant 0 : i32
        %dma_wait3A_485 = tpu.memref_slice %dma_wait3A_482[%dma_wait3A_483, %dma_wait3A_484] : memref<256x64xf32, #tpu.memory_space<vmem>> -> memref<128x64xf32, #tpu.memory_space<vmem>>
        %dma_wait3A_486 = arith.constant 0 : i32
        %dma_wait3A_487 = tpu.memref_slice %arg6[%add3A_458, %dma_wait3A_486] : memref<158x128xi32, #tpu.memory_space<vmem>> -> memref<1x128xi32, #tpu.memory_space<vmem>>
        %dma_wait3A_488 = tpu.memref_squeeze %dma_wait3A_487 : memref<1x128xi32, #tpu.memory_space<vmem>> -> memref<128xi32, #tpu.memory_space<vmem>>
        %dma_wait3A_489 = arith.constant 0 : i32
        %dma_wait3A_490 = arith.constant 0 : i32
        %dma_wait3A_491 = tpu.memref_slice %arg11[%dma_wait3A_489, %dma_wait3A_490] : memref<10240x64xf32, #tpu.memory_space<vmem_shared>> -> memref<10240x64xf32, #tpu.memory_space<vmem_shared>>
        tpu.wait_indirect_dma semaphore(%run_scoped3A_465 : memref<!tpu.dma_semaphore, #tpu.memory_space<semaphore_mem>>) src(%dma_wait3A_485 : memref<128x64xf32, #tpu.memory_space<vmem>>) dst(%dma_wait3A_491 : memref<10240x64xf32, #tpu.memory_space<vmem_shared>>)
        tpu.yield
      }) : () -> ()
      %mul3A_460 = arith.constant 2 : i32
      %mul3A_461 = arith.muli %mul3A_460, %add3A_321 : i32
      %add3A_462 = arith.constant 1 : i32
      %add3A_463 = arith.addi %mul3A_461, %add3A_462 : i32
      %run_scoped3A_464 = arith.constant 1 : i32
      "tpu.region"() ({
        %run_scoped3A_465 = tpu.sem_alloc : memref<!tpu.dma_semaphore, #tpu.memory_space<semaphore_mem>>
        %dma_start3A_466 = arith.constant 0 : i32
        %dma_start3A_467 = arith.constant 0 : i32
        %dma_start3A_468 = tpu.memref_slice %arg5[%run_scoped3A_464, %dma_start3A_466, %dma_start3A_467] : memref<2x256x64xf32, #tpu.memory_space<vmem>> -> memref<1x256x64xf32, #tpu.memory_space<vmem>>
        %dma_start3A_469 = tpu.memref_squeeze %dma_start3A_468 : memref<1x256x64xf32, #tpu.memory_space<vmem>> -> memref<256x64xf32, #tpu.memory_space<vmem>>
        %dma_start3A_470 = arith.constant 128 : i32
        %dma_start3A_471 = arith.constant 0 : i32
        %dma_start3A_472 = tpu.memref_slice %dma_start3A_469[%dma_start3A_470, %dma_start3A_471] : memref<256x64xf32, #tpu.memory_space<vmem>> -> memref<128x64xf32, #tpu.memory_space<vmem>>
        %dma_start3A_473 = arith.constant 0 : i32
        %dma_start3A_474 = tpu.memref_slice %arg6[%add3A_463, %dma_start3A_473] : memref<158x128xi32, #tpu.memory_space<vmem>> -> memref<1x128xi32, #tpu.memory_space<vmem>>
        %dma_start3A_475 = tpu.memref_squeeze %dma_start3A_474 : memref<1x128xi32, #tpu.memory_space<vmem>> -> memref<128xi32, #tpu.memory_space<vmem>>
        %dma_start3A_476 = arith.constant 0 : i32
        %dma_start3A_477 = arith.constant 0 : i32
        %dma_start3A_478 = tpu.memref_slice %arg11[%dma_start3A_476, %dma_start3A_477] : memref<10240x64xf32, #tpu.memory_space<vmem_shared>> -> memref<10240x64xf32, #tpu.memory_space<vmem_shared>>
        tpu.enqueue_indirect_dma source(%dma_start3A_472 : memref<128x64xf32, #tpu.memory_space<vmem>>) target(%dma_start3A_478 : memref<10240x64xf32, #tpu.memory_space<vmem_shared>>) offsets(%dma_start3A_475 : memref<128xi32, #tpu.memory_space<vmem>>) semaphore(%run_scoped3A_465 : memref<!tpu.dma_semaphore, #tpu.memory_space<semaphore_mem>>) {add = true}
        %dma_wait3A_479 = arith.constant 0 : i32
        %dma_wait3A_480 = arith.constant 0 : i32
        %dma_wait3A_481 = tpu.memref_slice %arg5[%run_scoped3A_464, %dma_wait3A_479, %dma_wait3A_480] : memref<2x256x64xf32, #tpu.memory_space<vmem>> -> memref<1x256x64xf32, #tpu.memory_space<vmem>>
        %dma_wait3A_482 = tpu.memref_squeeze %dma_wait3A_481 : memref<1x256x64xf32, #tpu.memory_space<vmem>> -> memref<256x64xf32, #tpu.memory_space<vmem>>
        %dma_wait3A_483 = arith.constant 128 : i32
        %dma_wait3A_484 = arith.constant 0 : i32
        %dma_wait3A_485 = tpu.memref_slice %dma_wait3A_482[%dma_wait3A_483, %dma_wait3A_484] : memref<256x64xf32, #tpu.memory_space<vmem>> -> memref<128x64xf32, #tpu.memory_space<vmem>>
        %dma_wait3A_486 = arith.constant 0 : i32
        %dma_wait3A_487 = tpu.memref_slice %arg6[%add3A_463, %dma_wait3A_486] : memref<158x128xi32, #tpu.memory_space<vmem>> -> memref<1x128xi32, #tpu.memory_space<vmem>>
        %dma_wait3A_488 = tpu.memref_squeeze %dma_wait3A_487 : memref<1x128xi32, #tpu.memory_space<vmem>> -> memref<128xi32, #tpu.memory_space<vmem>>
        %dma_wait3A_489 = arith.constant 0 : i32
        %dma_wait3A_490 = arith.constant 0 : i32
        %dma_wait3A_491 = tpu.memref_slice %arg11[%dma_wait3A_489, %dma_wait3A_490] : memref<10240x64xf32, #tpu.memory_space<vmem_shared>> -> memref<10240x64xf32, #tpu.memory_space<vmem_shared>>
        tpu.wait_indirect_dma semaphore(%run_scoped3A_465 : memref<!tpu.dma_semaphore, #tpu.memory_space<semaphore_mem>>) src(%dma_wait3A_485 : memref<128x64xf32, #tpu.memory_space<vmem>>) dst(%dma_wait3A_491 : memref<10240x64xf32, #tpu.memory_space<vmem_shared>>)
        tpu.yield
      }) : () -> ()
    }
    %scan3A_69 = arith.constant 39 : i32
    %lt3A_70 = arith.constant 2 : i32
    %lt3A_71 = arith.cmpi slt, %arg1, %lt3A_70 : i32
    %convert_element_type3A_72 = arith.extui %lt3A_71 : i1 to i32
    %cond3A_73 = arith.constant 0 : i32
    %cond3A_74 = arith.cmpi ne, %convert_element_type3A_72, %cond3A_73 : i32
    scf.if %cond3A_74 {
      %dma_wait3A_167 = arith.constant 156 : i32
      %dma_wait3A_168 = arith.constant 0 : i32
      %dma_wait3A_169 = tpu.memref_slice %arg6[%dma_wait3A_167, %dma_wait3A_168] : memref<158x128xi32, #tpu.memory_space<vmem>> -> memref<2x128xi32, #tpu.memory_space<vmem>>
      %dma_wait3A_170 = arith.constant 0 : i32
      %dma_wait3A_171 = tpu.memref_slice %arg3[%mul3A_40, %dma_wait3A_170] : memref<2500x128xi32, #tpu.memory_space<hbm>> -> memref<2x128xi32, #tpu.memory_space<hbm>>
      %dma_wait3A_172 = arith.constant 156 : i32
      %dma_wait3A_173 = arith.constant 0 : i32
      %dma_wait3A_174 = tpu.memref_slice %arg6[%dma_wait3A_172, %dma_wait3A_173] : memref<158x128xi32, #tpu.memory_space<vmem>> -> memref<2x128xi32, #tpu.memory_space<vmem>>
      %dma_wait3A_175 = arith.constant 0 : i32
      %dma_wait3A_176 = tpu.memref_slice %arg3[%mul3A_40, %dma_wait3A_175] : memref<2500x128xi32, #tpu.memory_space<hbm>> -> memref<2x128xi32, #tpu.memory_space<hbm>>
      tpu.wait_dma2 semaphore(%arg16 : memref<!tpu.dma_semaphore, #tpu.memory_space<semaphore_mem>>) src(%dma_wait3A_176 : memref<2x128xi32, #tpu.memory_space<hbm>>) dst(%dma_wait3A_174 : memref<2x128xi32, #tpu.memory_space<vmem>>)
      %add3A_177 = arith.constant 1248 : i32
      %add3A_178 = arith.addi %add3A_177, %arg1 : i32
      %mul3A_179 = arith.constant 256 : i32
      %mul3A_180 = arith.muli %add3A_178, %mul3A_179 : i32
      %run_scoped3A_181 = arith.constant 0 : i32
      "tpu.region"() ({
        %run_scoped3A_249 = tpu.sem_alloc : memref<!tpu.dma_semaphore, #tpu.memory_space<semaphore_mem>>
        %dma_start3A_250 = arith.constant 0 : i32
        %dma_start3A_251 = arith.constant 0 : i32
        %dma_start3A_252 = tpu.memref_slice %arg5[%run_scoped3A_181, %dma_start3A_250, %dma_start3A_251] : memref<2x256x64xf32, #tpu.memory_space<vmem>> -> memref<1x256x64xf32, #tpu.memory_space<vmem>>
        %dma_start3A_253 = tpu.memref_squeeze %dma_start3A_252 : memref<1x256x64xf32, #tpu.memory_space<vmem>> -> memref<256x64xf32, #tpu.memory_space<vmem>>
        %dma_start3A_254 = tpu.memref_slice %arg2[%mul3A_180, %mul3A_0] : memref<320000x128xf32, #tpu.memory_space<hbm>> -> memref<256x64xf32, #tpu.memory_space<hbm>>
        %dma_start3A_255 = arith.constant 0 : i32
        %dma_start3A_256 = arith.constant 0 : i32
        %dma_start3A_257 = tpu.memref_slice %arg5[%run_scoped3A_181, %dma_start3A_255, %dma_start3A_256] : memref<2x256x64xf32, #tpu.memory_space<vmem>> -> memref<1x256x64xf32, #tpu.memory_space<vmem>>
        %dma_start3A_258 = tpu.memref_squeeze %dma_start3A_257 : memref<1x256x64xf32, #tpu.memory_space<vmem>> -> memref<256x64xf32, #tpu.memory_space<vmem>>
        %dma_start3A_259 = tpu.memref_slice %arg2[%mul3A_180, %mul3A_0] : memref<320000x128xf32, #tpu.memory_space<hbm>> -> memref<256x64xf32, #tpu.memory_space<hbm>>
        tpu.enqueue_dma source(%dma_start3A_259 : memref<256x64xf32, #tpu.memory_space<hbm>>) target(%dma_start3A_258 : memref<256x64xf32, #tpu.memory_space<vmem>>) target_semaphore(%run_scoped3A_249 : memref<!tpu.dma_semaphore, #tpu.memory_space<semaphore_mem>>)
        %dma_wait3A_260 = arith.constant 0 : i32
        %dma_wait3A_261 = arith.constant 0 : i32
        %dma_wait3A_262 = tpu.memref_slice %arg5[%run_scoped3A_181, %dma_wait3A_260, %dma_wait3A_261] : memref<2x256x64xf32, #tpu.memory_space<vmem>> -> memref<1x256x64xf32, #tpu.memory_space<vmem>>
        %dma_wait3A_263 = tpu.memref_squeeze %dma_wait3A_262 : memref<1x256x64xf32, #tpu.memory_space<vmem>> -> memref<256x64xf32, #tpu.memory_space<vmem>>
        %dma_wait3A_264 = tpu.memref_slice %arg2[%mul3A_180, %mul3A_0] : memref<320000x128xf32, #tpu.memory_space<hbm>> -> memref<256x64xf32, #tpu.memory_space<hbm>>
        %dma_wait3A_265 = arith.constant 0 : i32
        %dma_wait3A_266 = arith.constant 0 : i32
        %dma_wait3A_267 = tpu.memref_slice %arg5[%run_scoped3A_181, %dma_wait3A_265, %dma_wait3A_266] : memref<2x256x64xf32, #tpu.memory_space<vmem>> -> memref<1x256x64xf32, #tpu.memory_space<vmem>>
        %dma_wait3A_268 = tpu.memref_squeeze %dma_wait3A_267 : memref<1x256x64xf32, #tpu.memory_space<vmem>> -> memref<256x64xf32, #tpu.memory_space<vmem>>
        %dma_wait3A_269 = tpu.memref_slice %arg2[%mul3A_180, %mul3A_0] : memref<320000x128xf32, #tpu.memory_space<hbm>> -> memref<256x64xf32, #tpu.memory_space<hbm>>
        tpu.wait_dma2 semaphore(%run_scoped3A_249 : memref<!tpu.dma_semaphore, #tpu.memory_space<semaphore_mem>>) src(%dma_wait3A_269 : memref<256x64xf32, #tpu.memory_space<hbm>>) dst(%dma_wait3A_268 : memref<256x64xf32, #tpu.memory_space<vmem>>)
        tpu.yield
      }) : () -> ()
      %get3A = arith.constant 156 : i32
      %get3A_182 = arith.index_cast %get3A : i32 to index
      %get3A_183 = arith.constant 0 : index
      %get3A_184 = tpu.vector_load %arg6[%get3A_182, %get3A_183] {strides = array<i32>} : memref<158x128xi32, #tpu.memory_space<vmem>>, vector<16xi32>,
      tpu.vector_store_idx %arg8[%get3A_184], %broadcast_in_dim3A_3 {add = true} : memref<10240xf32, #tpu.memory_space<vmem>>[vector<16xi32>], vector<16xf32>,
      %get3A_185 = arith.constant 156 : i32
      %get3A_186 = arith.index_cast %get3A_185 : i32 to index
      %get3A_187 = arith.constant 16 : index
      %get3A_188 = tpu.vector_load %arg6[%get3A_186, %get3A_187] {strides = array<i32>} : memref<158x128xi32, #tpu.memory_space<vmem>>, vector<16xi32>,
      tpu.vector_store_idx %arg8[%get3A_188], %broadcast_in_dim3A_3 {add = true} : memref<10240xf32, #tpu.memory_space<vmem>>[vector<16xi32>], vector<16xf32>,
      %get3A_189 = arith.constant 156 : i32
      %get3A_190 = arith.index_cast %get3A_189 : i32 to index
      %get3A_191 = arith.constant 32 : index
      %get3A_192 = tpu.vector_load %arg6[%get3A_190, %get3A_191] {strides = array<i32>} : memref<158x128xi32, #tpu.memory_space<vmem>>, vector<16xi32>,
      tpu.vector_store_idx %arg8[%get3A_192], %broadcast_in_dim3A_3 {add = true} : memref<10240xf32, #tpu.memory_space<vmem>>[vector<16xi32>], vector<16xf32>,
      %get3A_193 = arith.constant 156 : i32
      %get3A_194 = arith.index_cast %get3A_193 : i32 to index
      %get3A_195 = arith.constant 48 : index
      %get3A_196 = tpu.vector_load %arg6[%get3A_194, %get3A_195] {strides = array<i32>} : memref<158x128xi32, #tpu.memory_space<vmem>>, vector<16xi32>,
      tpu.vector_store_idx %arg8[%get3A_196], %broadcast_in_dim3A_3 {add = true} : memref<10240xf32, #tpu.memory_space<vmem>>[vector<16xi32>], vector<16xf32>,
      %get3A_197 = arith.constant 156 : i32
      %get3A_198 = arith.index_cast %get3A_197 : i32 to index
      %get3A_199 = arith.constant 64 : index
      %get3A_200 = tpu.vector_load %arg6[%get3A_198, %get3A_199] {strides = array<i32>} : memref<158x128xi32, #tpu.memory_space<vmem>>, vector<16xi32>,
      tpu.vector_store_idx %arg8[%get3A_200], %broadcast_in_dim3A_3 {add = true} : memref<10240xf32, #tpu.memory_space<vmem>>[vector<16xi32>], vector<16xf32>,
      %get3A_201 = arith.constant 156 : i32
      %get3A_202 = arith.index_cast %get3A_201 : i32 to index
      %get3A_203 = arith.constant 80 : index
      %get3A_204 = tpu.vector_load %arg6[%get3A_202, %get3A_203] {strides = array<i32>} : memref<158x128xi32, #tpu.memory_space<vmem>>, vector<16xi32>,
      tpu.vector_store_idx %arg8[%get3A_204], %broadcast_in_dim3A_3 {add = true} : memref<10240xf32, #tpu.memory_space<vmem>>[vector<16xi32>], vector<16xf32>,
      %get3A_205 = arith.constant 156 : i32
      %get3A_206 = arith.index_cast %get3A_205 : i32 to index
      %get3A_207 = arith.constant 96 : index
      %get3A_208 = tpu.vector_load %arg6[%get3A_206, %get3A_207] {strides = array<i32>} : memref<158x128xi32, #tpu.memory_space<vmem>>, vector<16xi32>,
      tpu.vector_store_idx %arg8[%get3A_208], %broadcast_in_dim3A_3 {add = true} : memref<10240xf32, #tpu.memory_space<vmem>>[vector<16xi32>], vector<16xf32>,
      %get3A_209 = arith.constant 156 : i32
      %get3A_210 = arith.index_cast %get3A_209 : i32 to index
      %get3A_211 = arith.constant 112 : index
      %get3A_212 = tpu.vector_load %arg6[%get3A_210, %get3A_211] {strides = array<i32>} : memref<158x128xi32, #tpu.memory_space<vmem>>, vector<16xi32>,
      tpu.vector_store_idx %arg8[%get3A_212], %broadcast_in_dim3A_3 {add = true} : memref<10240xf32, #tpu.memory_space<vmem>>[vector<16xi32>], vector<16xf32>,
      %get3A_213 = arith.constant 157 : i32
      %get3A_214 = arith.index_cast %get3A_213 : i32 to index
      %get3A_215 = arith.constant 0 : index
      %get3A_216 = tpu.vector_load %arg6[%get3A_214, %get3A_215] {strides = array<i32>} : memref<158x128xi32, #tpu.memory_space<vmem>>, vector<16xi32>,
      tpu.vector_store_idx %arg8[%get3A_216], %broadcast_in_dim3A_3 {add = true} : memref<10240xf32, #tpu.memory_space<vmem>>[vector<16xi32>], vector<16xf32>,
      %get3A_217 = arith.constant 157 : i32
      %get3A_218 = arith.index_cast %get3A_217 : i32 to index
      %get3A_219 = arith.constant 16 : index
      %get3A_220 = tpu.vector_load %arg6[%get3A_218, %get3A_219] {strides = array<i32>} : memref<158x128xi32, #tpu.memory_space<vmem>>, vector<16xi32>,
      tpu.vector_store_idx %arg8[%get3A_220], %broadcast_in_dim3A_3 {add = true} : memref<10240xf32, #tpu.memory_space<vmem>>[vector<16xi32>], vector<16xf32>,
      %get3A_221 = arith.constant 157 : i32
      %get3A_222 = arith.index_cast %get3A_221 : i32 to index
      %get3A_223 = arith.constant 32 : index
      %get3A_224 = tpu.vector_load %arg6[%get3A_222, %get3A_223] {strides = array<i32>} : memref<158x128xi32, #tpu.memory_space<vmem>>, vector<16xi32>,
      tpu.vector_store_idx %arg8[%get3A_224], %broadcast_in_dim3A_3 {add = true} : memref<10240xf32, #tpu.memory_space<vmem>>[vector<16xi32>], vector<16xf32>,
      %get3A_225 = arith.constant 157 : i32
      %get3A_226 = arith.index_cast %get3A_225 : i32 to index
      %get3A_227 = arith.constant 48 : index
      %get3A_228 = tpu.vector_load %arg6[%get3A_226, %get3A_227] {strides = array<i32>} : memref<158x128xi32, #tpu.memory_space<vmem>>, vector<16xi32>,
      tpu.vector_store_idx %arg8[%get3A_228], %broadcast_in_dim3A_3 {add = true} : memref<10240xf32, #tpu.memory_space<vmem>>[vector<16xi32>], vector<16xf32>,
      %get3A_229 = arith.constant 157 : i32
      %get3A_230 = arith.index_cast %get3A_229 : i32 to index
      %get3A_231 = arith.constant 64 : index
      %get3A_232 = tpu.vector_load %arg6[%get3A_230, %get3A_231] {strides = array<i32>} : memref<158x128xi32, #tpu.memory_space<vmem>>, vector<16xi32>,
      tpu.vector_store_idx %arg8[%get3A_232], %broadcast_in_dim3A_3 {add = true} : memref<10240xf32, #tpu.memory_space<vmem>>[vector<16xi32>], vector<16xf32>,
      %get3A_233 = arith.constant 157 : i32
      %get3A_234 = arith.index_cast %get3A_233 : i32 to index
      %get3A_235 = arith.constant 80 : index
      %get3A_236 = tpu.vector_load %arg6[%get3A_234, %get3A_235] {strides = array<i32>} : memref<158x128xi32, #tpu.memory_space<vmem>>, vector<16xi32>,
      tpu.vector_store_idx %arg8[%get3A_236], %broadcast_in_dim3A_3 {add = true} : memref<10240xf32, #tpu.memory_space<vmem>>[vector<16xi32>], vector<16xf32>,
      %get3A_237 = arith.constant 157 : i32
      %get3A_238 = arith.index_cast %get3A_237 : i32 to index
      %get3A_239 = arith.constant 96 : index
      %get3A_240 = tpu.vector_load %arg6[%get3A_238, %get3A_239] {strides = array<i32>} : memref<158x128xi32, #tpu.memory_space<vmem>>, vector<16xi32>,
      tpu.vector_store_idx %arg8[%get3A_240], %broadcast_in_dim3A_3 {add = true} : memref<10240xf32, #tpu.memory_space<vmem>>[vector<16xi32>], vector<16xf32>,
      %get3A_241 = arith.constant 157 : i32
      %get3A_242 = arith.index_cast %get3A_241 : i32 to index
      %get3A_243 = arith.constant 112 : index
      %get3A_244 = tpu.vector_load %arg6[%get3A_242, %get3A_243] {strides = array<i32>} : memref<158x128xi32, #tpu.memory_space<vmem>>, vector<16xi32>,
      tpu.vector_store_idx %arg8[%get3A_244], %broadcast_in_dim3A_3 {add = true} : memref<10240xf32, #tpu.memory_space<vmem>>[vector<16xi32>], vector<16xf32>,
      %run_scoped3A_245 = arith.constant 0 : i32
      %run_scoped3A_246 = arith.constant 156 : i32
      "tpu.region"() ({
        %run_scoped3A_249 = tpu.sem_alloc : memref<!tpu.dma_semaphore, #tpu.memory_space<semaphore_mem>>
        %dma_start3A_250 = arith.constant 0 : i32
        %dma_start3A_251 = arith.constant 0 : i32
        %dma_start3A_252 = tpu.memref_slice %arg5[%run_scoped3A_245, %dma_start3A_250, %dma_start3A_251] : memref<2x256x64xf32, #tpu.memory_space<vmem>> -> memref<1x256x64xf32, #tpu.memory_space<vmem>>
        %dma_start3A_253 = tpu.memref_squeeze %dma_start3A_252 : memref<1x256x64xf32, #tpu.memory_space<vmem>> -> memref<256x64xf32, #tpu.memory_space<vmem>>
        %dma_start3A_254 = arith.constant 0 : i32
        %dma_start3A_255 = arith.constant 0 : i32
        %dma_start3A_256 = tpu.memref_slice %dma_start3A_253[%dma_start3A_254, %dma_start3A_255] : memref<256x64xf32, #tpu.memory_space<vmem>> -> memref<128x64xf32, #tpu.memory_space<vmem>>
        %dma_start3A_257 = arith.constant 0 : i32
        %dma_start3A_258 = tpu.memref_slice %arg6[%run_scoped3A_246, %dma_start3A_257] : memref<158x128xi32, #tpu.memory_space<vmem>> -> memref<1x128xi32, #tpu.memory_space<vmem>>
        %dma_start3A_259 = tpu.memref_squeeze %dma_start3A_258 : memref<1x128xi32, #tpu.memory_space<vmem>> -> memref<128xi32, #tpu.memory_space<vmem>>
        %dma_start3A_260 = arith.constant 0 : i32
        %dma_start3A_261 = arith.constant 0 : i32
        %dma_start3A_262 = tpu.memref_slice %arg11[%dma_start3A_260, %dma_start3A_261] : memref<10240x64xf32, #tpu.memory_space<vmem_shared>> -> memref<10240x64xf32, #tpu.memory_space<vmem_shared>>
        tpu.enqueue_indirect_dma source(%dma_start3A_256 : memref<128x64xf32, #tpu.memory_space<vmem>>) target(%dma_start3A_262 : memref<10240x64xf32, #tpu.memory_space<vmem_shared>>) offsets(%dma_start3A_259 : memref<128xi32, #tpu.memory_space<vmem>>) semaphore(%run_scoped3A_249 : memref<!tpu.dma_semaphore, #tpu.memory_space<semaphore_mem>>) {add = true}
        %dma_wait3A_263 = arith.constant 0 : i32
        %dma_wait3A_264 = arith.constant 0 : i32
        %dma_wait3A_265 = tpu.memref_slice %arg5[%run_scoped3A_245, %dma_wait3A_263, %dma_wait3A_264] : memref<2x256x64xf32, #tpu.memory_space<vmem>> -> memref<1x256x64xf32, #tpu.memory_space<vmem>>
        %dma_wait3A_266 = tpu.memref_squeeze %dma_wait3A_265 : memref<1x256x64xf32, #tpu.memory_space<vmem>> -> memref<256x64xf32, #tpu.memory_space<vmem>>
        %dma_wait3A_267 = arith.constant 0 : i32
        %dma_wait3A_268 = arith.constant 0 : i32
        %dma_wait3A_269 = tpu.memref_slice %dma_wait3A_266[%dma_wait3A_267, %dma_wait3A_268] : memref<256x64xf32, #tpu.memory_space<vmem>> -> memref<128x64xf32, #tpu.memory_space<vmem>>
        %dma_wait3A_270 = arith.constant 0 : i32
        %dma_wait3A_271 = tpu.memref_slice %arg6[%run_scoped3A_246, %dma_wait3A_270] : memref<158x128xi32, #tpu.memory_space<vmem>> -> memref<1x128xi32, #tpu.memory_space<vmem>>
        %dma_wait3A_272 = tpu.memref_squeeze %dma_wait3A_271 : memref<1x128xi32, #tpu.memory_space<vmem>> -> memref<128xi32, #tpu.memory_space<vmem>>
        %dma_wait3A_273 = arith.constant 0 : i32
        %dma_wait3A_274 = arith.constant 0 : i32
        %dma_wait3A_275 = tpu.memref_slice %arg11[%dma_wait3A_273, %dma_wait3A_274] : memref<10240x64xf32, #tpu.memory_space<vmem_shared>> -> memref<10240x64xf32, #tpu.memory_space<vmem_shared>>
        tpu.wait_indirect_dma semaphore(%run_scoped3A_249 : memref<!tpu.dma_semaphore, #tpu.memory_space<semaphore_mem>>) src(%dma_wait3A_269 : memref<128x64xf32, #tpu.memory_space<vmem>>) dst(%dma_wait3A_275 : memref<10240x64xf32, #tpu.memory_space<vmem_shared>>)
        tpu.yield
      }) : () -> ()
      %run_scoped3A_247 = arith.constant 0 : i32
      %run_scoped3A_248 = arith.constant 157 : i32
      "tpu.region"() ({
        %run_scoped3A_249 = tpu.sem_alloc : memref<!tpu.dma_semaphore, #tpu.memory_space<semaphore_mem>>
        %dma_start3A_250 = arith.constant 0 : i32
        %dma_start3A_251 = arith.constant 0 : i32
        %dma_start3A_252 = tpu.memref_slice %arg5[%run_scoped3A_247, %dma_start3A_250, %dma_start3A_251] : memref<2x256x64xf32, #tpu.memory_space<vmem>> -> memref<1x256x64xf32, #tpu.memory_space<vmem>>
        %dma_start3A_253 = tpu.memref_squeeze %dma_start3A_252 : memref<1x256x64xf32, #tpu.memory_space<vmem>> -> memref<256x64xf32, #tpu.memory_space<vmem>>
        %dma_start3A_254 = arith.constant 128 : i32
        %dma_start3A_255 = arith.constant 0 : i32
        %dma_start3A_256 = tpu.memref_slice %dma_start3A_253[%dma_start3A_254, %dma_start3A_255] : memref<256x64xf32, #tpu.memory_space<vmem>> -> memref<128x64xf32, #tpu.memory_space<vmem>>
        %dma_start3A_257 = arith.constant 0 : i32
        %dma_start3A_258 = tpu.memref_slice %arg6[%run_scoped3A_248, %dma_start3A_257] : memref<158x128xi32, #tpu.memory_space<vmem>> -> memref<1x128xi32, #tpu.memory_space<vmem>>
        %dma_start3A_259 = tpu.memref_squeeze %dma_start3A_258 : memref<1x128xi32, #tpu.memory_space<vmem>> -> memref<128xi32, #tpu.memory_space<vmem>>
        %dma_start3A_260 = arith.constant 0 : i32
        %dma_start3A_261 = arith.constant 0 : i32
        %dma_start3A_262 = tpu.memref_slice %arg11[%dma_start3A_260, %dma_start3A_261] : memref<10240x64xf32, #tpu.memory_space<vmem_shared>> -> memref<10240x64xf32, #tpu.memory_space<vmem_shared>>
        tpu.enqueue_indirect_dma source(%dma_start3A_256 : memref<128x64xf32, #tpu.memory_space<vmem>>) target(%dma_start3A_262 : memref<10240x64xf32, #tpu.memory_space<vmem_shared>>) offsets(%dma_start3A_259 : memref<128xi32, #tpu.memory_space<vmem>>) semaphore(%run_scoped3A_249 : memref<!tpu.dma_semaphore, #tpu.memory_space<semaphore_mem>>) {add = true}
        %dma_wait3A_263 = arith.constant 0 : i32
        %dma_wait3A_264 = arith.constant 0 : i32
        %dma_wait3A_265 = tpu.memref_slice %arg5[%run_scoped3A_247, %dma_wait3A_263, %dma_wait3A_264] : memref<2x256x64xf32, #tpu.memory_space<vmem>> -> memref<1x256x64xf32, #tpu.memory_space<vmem>>
        %dma_wait3A_266 = tpu.memref_squeeze %dma_wait3A_265 : memref<1x256x64xf32, #tpu.memory_space<vmem>> -> memref<256x64xf32, #tpu.memory_space<vmem>>
        %dma_wait3A_267 = arith.constant 128 : i32
        %dma_wait3A_268 = arith.constant 0 : i32
        %dma_wait3A_269 = tpu.memref_slice %dma_wait3A_266[%dma_wait3A_267, %dma_wait3A_268] : memref<256x64xf32, #tpu.memory_space<vmem>> -> memref<128x64xf32, #tpu.memory_space<vmem>>
        %dma_wait3A_270 = arith.constant 0 : i32
        %dma_wait3A_271 = tpu.memref_slice %arg6[%run_scoped3A_248, %dma_wait3A_270] : memref<158x128xi32, #tpu.memory_space<vmem>> -> memref<1x128xi32, #tpu.memory_space<vmem>>
        %dma_wait3A_272 = tpu.memref_squeeze %dma_wait3A_271 : memref<1x128xi32, #tpu.memory_space<vmem>> -> memref<128xi32, #tpu.memory_space<vmem>>
        %dma_wait3A_273 = arith.constant 0 : i32
        %dma_wait3A_274 = arith.constant 0 : i32
        %dma_wait3A_275 = tpu.memref_slice %arg11[%dma_wait3A_273, %dma_wait3A_274] : memref<10240x64xf32, #tpu.memory_space<vmem_shared>> -> memref<10240x64xf32, #tpu.memory_space<vmem_shared>>
        tpu.wait_indirect_dma semaphore(%run_scoped3A_249 : memref<!tpu.dma_semaphore, #tpu.memory_space<semaphore_mem>>) src(%dma_wait3A_269 : memref<128x64xf32, #tpu.memory_space<vmem>>) dst(%dma_wait3A_275 : memref<10240x64xf32, #tpu.memory_space<vmem_shared>>)
        tpu.yield
      }) : () -> ()
    } else {
    }
    "tpu.region"() ({
      %run_scoped3A_167 = tpu.sem_alloc : memref<!tpu.dma_semaphore, #tpu.memory_space<semaphore_mem>>
      %dma_start3A_168 = arith.constant 0 : i32
      %dma_start3A_169 = tpu.memref_slice %arg12[%arg1, %dma_start3A_168] : memref<16x10240xf32, #tpu.memory_space<vmem_shared>> -> memref<1x10240xf32, #tpu.memory_space<vmem_shared>>
      %dma_start3A_170 = tpu.memref_squeeze %dma_start3A_169 : memref<1x10240xf32, #tpu.memory_space<vmem_shared>> -> memref<10240xf32, #tpu.memory_space<vmem_shared>>
      %dma_start3A_171 = arith.constant 0 : i32
      %dma_start3A_172 = tpu.memref_slice %arg12[%arg1, %dma_start3A_171] : memref<16x10240xf32, #tpu.memory_space<vmem_shared>> -> memref<1x10240xf32, #tpu.memory_space<vmem_shared>>
      %dma_start3A_173 = tpu.memref_squeeze %dma_start3A_172 : memref<1x10240xf32, #tpu.memory_space<vmem_shared>> -> memref<10240xf32, #tpu.memory_space<vmem_shared>>
      tpu.enqueue_dma source(%arg8 : memref<10240xf32, #tpu.memory_space<vmem>>) target(%dma_start3A_173 : memref<10240xf32, #tpu.memory_space<vmem_shared>>) target_semaphore(%run_scoped3A_167 : memref<!tpu.dma_semaphore, #tpu.memory_space<semaphore_mem>>)
      %dma_wait3A_174 = arith.constant 0 : i32
      %dma_wait3A_175 = tpu.memref_slice %arg12[%arg1, %dma_wait3A_174] : memref<16x10240xf32, #tpu.memory_space<vmem_shared>> -> memref<1x10240xf32, #tpu.memory_space<vmem_shared>>
      %dma_wait3A_176 = tpu.memref_squeeze %dma_wait3A_175 : memref<1x10240xf32, #tpu.memory_space<vmem_shared>> -> memref<10240xf32, #tpu.memory_space<vmem_shared>>
      %dma_wait3A_177 = arith.constant 0 : i32
      %dma_wait3A_178 = tpu.memref_slice %arg12[%arg1, %dma_wait3A_177] : memref<16x10240xf32, #tpu.memory_space<vmem_shared>> -> memref<1x10240xf32, #tpu.memory_space<vmem_shared>>
      %dma_wait3A_179 = tpu.memref_squeeze %dma_wait3A_178 : memref<1x10240xf32, #tpu.memory_space<vmem_shared>> -> memref<10240xf32, #tpu.memory_space<vmem_shared>>
      tpu.wait_dma2 semaphore(%run_scoped3A_167 : memref<!tpu.dma_semaphore, #tpu.memory_space<semaphore_mem>>) src(%arg8 : memref<10240xf32, #tpu.memory_space<vmem>>) dst(%dma_wait3A_179 : memref<10240xf32, #tpu.memory_space<vmem_shared>>)
      tpu.yield
    }) : () -> ()
    %barrier3A_75 = arith.constant 0 : index
    tpu.barrier barrier_id(%barrier3A_75)
    %scan3A_76 = arith.constant 0 : i32
    %scan3A_77 = arith.constant 40 : i32
    %scan3A_78 = arith.addi %scan3A_76, %scan3A_77 : i32
    %scan3A_79 = arith.constant 1 : i32
    scf.for %scan3A_167 = %scan3A_76 to %scan3A_78 step %scan3A_79  : i32 {
      %mul3A_168 = arith.constant 1 : i32
      %mul3A_169 = arith.muli %scan3A_167, %mul3A_168 : i32
      %add3A_170 = arith.constant 0 : i32
      %add3A_171 = arith.addi %add3A_170, %mul3A_169 : i32
      %mul3A_172 = arith.constant 16 : i32
      %mul3A_173 = arith.muli %add3A_171, %mul3A_172 : i32
      %swap3A = arith.index_cast %mul3A_173 : i32 to index
      %swap3A_174 = tpu.vector_load %arg10[%swap3A] {strides = array<i32>} : memref<640xf32, #tpu.memory_space<vmem>>, vector<16xf32>,
      tpu.vector_store %arg10[%swap3A], %broadcast_in_dim3A_1 {strides = array<i32>} : memref<640xf32, #tpu.memory_space<vmem>>, vector<16xf32>,
    }
    %scan3A_80 = arith.constant 40 : i32
    %run_scoped3A = arith.constant 0 : i32
    %run_scoped3A_81 = arith.constant 0 : i32
    "tpu.region"() ({
      %run_scoped3A_167 = tpu.sem_alloc : memref<!tpu.dma_semaphore, #tpu.memory_space<semaphore_mem>>
      %dma_start3A_168 = arith.constant 0 : i32
      %dma_start3A_169 = tpu.memref_slice %arg9[%run_scoped3A_81, %dma_start3A_168] : memref<8x640xf32, #tpu.memory_space<vmem>> -> memref<1x640xf32, #tpu.memory_space<vmem>>
      %dma_start3A_170 = tpu.memref_squeeze %dma_start3A_169 : memref<1x640xf32, #tpu.memory_space<vmem>> -> memref<640xf32, #tpu.memory_space<vmem>>
      %dma_start3A_171 = arith.constant 0 : i32
      %dma_start3A_172 = tpu.memref_slice %arg12[%run_scoped3A, %dma_start3A_171] : memref<16x10240xf32, #tpu.memory_space<vmem_shared>> -> memref<1x10240xf32, #tpu.memory_space<vmem_shared>>
      %dma_start3A_173 = tpu.memref_squeeze %dma_start3A_172 : memref<1x10240xf32, #tpu.memory_space<vmem_shared>> -> memref<10240xf32, #tpu.memory_space<vmem_shared>>
      %dma_start3A_174 = tpu.memref_slice %dma_start3A_173[%mul3A_14] : memref<10240xf32, #tpu.memory_space<vmem_shared>> -> memref<640xf32, #tpu.memory_space<vmem_shared>>
      %dma_start3A_175 = arith.constant 0 : i32
      %dma_start3A_176 = tpu.memref_slice %arg9[%run_scoped3A_81, %dma_start3A_175] : memref<8x640xf32, #tpu.memory_space<vmem>> -> memref<1x640xf32, #tpu.memory_space<vmem>>
      %dma_start3A_177 = tpu.memref_squeeze %dma_start3A_176 : memref<1x640xf32, #tpu.memory_space<vmem>> -> memref<640xf32, #tpu.memory_space<vmem>>
      %dma_start3A_178 = arith.constant 0 : i32
      %dma_start3A_179 = tpu.memref_slice %arg12[%run_scoped3A, %dma_start3A_178] : memref<16x10240xf32, #tpu.memory_space<vmem_shared>> -> memref<1x10240xf32, #tpu.memory_space<vmem_shared>>
      %dma_start3A_180 = tpu.memref_squeeze %dma_start3A_179 : memref<1x10240xf32, #tpu.memory_space<vmem_shared>> -> memref<10240xf32, #tpu.memory_space<vmem_shared>>
      %dma_start3A_181 = tpu.memref_slice %dma_start3A_180[%mul3A_14] : memref<10240xf32, #tpu.memory_space<vmem_shared>> -> memref<640xf32, #tpu.memory_space<vmem_shared>>
      tpu.enqueue_dma source(%dma_start3A_181 : memref<640xf32, #tpu.memory_space<vmem_shared>>) target(%dma_start3A_177 : memref<640xf32, #tpu.memory_space<vmem>>) target_semaphore(%run_scoped3A_167 : memref<!tpu.dma_semaphore, #tpu.memory_space<semaphore_mem>>)
      %dma_wait3A_182 = arith.constant 0 : i32
      %dma_wait3A_183 = tpu.memref_slice %arg9[%run_scoped3A_81, %dma_wait3A_182] : memref<8x640xf32, #tpu.memory_space<vmem>> -> memref<1x640xf32, #tpu.memory_space<vmem>>
      %dma_wait3A_184 = tpu.memref_squeeze %dma_wait3A_183 : memref<1x640xf32, #tpu.memory_space<vmem>> -> memref<640xf32, #tpu.memory_space<vmem>>
      %dma_wait3A_185 = arith.constant 0 : i32
      %dma_wait3A_186 = tpu.memref_slice %arg12[%run_scoped3A, %dma_wait3A_185] : memref<16x10240xf32, #tpu.memory_space<vmem_shared>> -> memref<1x10240xf32, #tpu.memory_space<vmem_shared>>
      %dma_wait3A_187 = tpu.memref_squeeze %dma_wait3A_186 : memref<1x10240xf32, #tpu.memory_space<vmem_shared>> -> memref<10240xf32, #tpu.memory_space<vmem_shared>>
      %dma_wait3A_188 = tpu.memref_slice %dma_wait3A_187[%mul3A_14] : memref<10240xf32, #tpu.memory_space<vmem_shared>> -> memref<640xf32, #tpu.memory_space<vmem_shared>>
      %dma_wait3A_189 = arith.constant 0 : i32
      %dma_wait3A_190 = tpu.memref_slice %arg9[%run_scoped3A_81, %dma_wait3A_189] : memref<8x640xf32, #tpu.memory_space<vmem>> -> memref<1x640xf32, #tpu.memory_space<vmem>>
      %dma_wait3A_191 = tpu.memref_squeeze %dma_wait3A_190 : memref<1x640xf32, #tpu.memory_space<vmem>> -> memref<640xf32, #tpu.memory_space<vmem>>
      %dma_wait3A_192 = arith.constant 0 : i32
      %dma_wait3A_193 = tpu.memref_slice %arg12[%run_scoped3A, %dma_wait3A_192] : memref<16x10240xf32, #tpu.memory_space<vmem_shared>> -> memref<1x10240xf32, #tpu.memory_space<vmem_shared>>
      %dma_wait3A_194 = tpu.memref_squeeze %dma_wait3A_193 : memref<1x10240xf32, #tpu.memory_space<vmem_shared>> -> memref<10240xf32, #tpu.memory_space<vmem_shared>>
      %dma_wait3A_195 = tpu.memref_slice %dma_wait3A_194[%mul3A_14] : memref<10240xf32, #tpu.memory_space<vmem_shared>> -> memref<640xf32, #tpu.memory_space<vmem_shared>>
      tpu.wait_dma2 semaphore(%run_scoped3A_167 : memref<!tpu.dma_semaphore, #tpu.memory_space<semaphore_mem>>) src(%dma_wait3A_195 : memref<640xf32, #tpu.memory_space<vmem_shared>>) dst(%dma_wait3A_191 : memref<640xf32, #tpu.memory_space<vmem>>)
      tpu.yield
    }) : () -> ()
    %run_scoped3A_82 = arith.constant 1 : i32
    %run_scoped3A_83 = arith.constant 1 : i32
    "tpu.region"() ({
      %run_scoped3A_167 = tpu.sem_alloc : memref<!tpu.dma_semaphore, #tpu.memory_space<semaphore_mem>>
      %dma_start3A_168 = arith.constant 0 : i32
      %dma_start3A_169 = tpu.memref_slice %arg9[%run_scoped3A_83, %dma_start3A_168] : memref<8x640xf32, #tpu.memory_space<vmem>> -> memref<1x640xf32, #tpu.memory_space<vmem>>
      %dma_start3A_170 = tpu.memref_squeeze %dma_start3A_169 : memref<1x640xf32, #tpu.memory_space<vmem>> -> memref<640xf32, #tpu.memory_space<vmem>>
      %dma_start3A_171 = arith.constant 0 : i32
      %dma_start3A_172 = tpu.memref_slice %arg12[%run_scoped3A_82, %dma_start3A_171] : memref<16x10240xf32, #tpu.memory_space<vmem_shared>> -> memref<1x10240xf32, #tpu.memory_space<vmem_shared>>
      %dma_start3A_173 = tpu.memref_squeeze %dma_start3A_172 : memref<1x10240xf32, #tpu.memory_space<vmem_shared>> -> memref<10240xf32, #tpu.memory_space<vmem_shared>>
      %dma_start3A_174 = tpu.memref_slice %dma_start3A_173[%mul3A_14] : memref<10240xf32, #tpu.memory_space<vmem_shared>> -> memref<640xf32, #tpu.memory_space<vmem_shared>>
      %dma_start3A_175 = arith.constant 0 : i32
      %dma_start3A_176 = tpu.memref_slice %arg9[%run_scoped3A_83, %dma_start3A_175] : memref<8x640xf32, #tpu.memory_space<vmem>> -> memref<1x640xf32, #tpu.memory_space<vmem>>
      %dma_start3A_177 = tpu.memref_squeeze %dma_start3A_176 : memref<1x640xf32, #tpu.memory_space<vmem>> -> memref<640xf32, #tpu.memory_space<vmem>>
      %dma_start3A_178 = arith.constant 0 : i32
      %dma_start3A_179 = tpu.memref_slice %arg12[%run_scoped3A_82, %dma_start3A_178] : memref<16x10240xf32, #tpu.memory_space<vmem_shared>> -> memref<1x10240xf32, #tpu.memory_space<vmem_shared>>
      %dma_start3A_180 = tpu.memref_squeeze %dma_start3A_179 : memref<1x10240xf32, #tpu.memory_space<vmem_shared>> -> memref<10240xf32, #tpu.memory_space<vmem_shared>>
      %dma_start3A_181 = tpu.memref_slice %dma_start3A_180[%mul3A_14] : memref<10240xf32, #tpu.memory_space<vmem_shared>> -> memref<640xf32, #tpu.memory_space<vmem_shared>>
      tpu.enqueue_dma source(%dma_start3A_181 : memref<640xf32, #tpu.memory_space<vmem_shared>>) target(%dma_start3A_177 : memref<640xf32, #tpu.memory_space<vmem>>) target_semaphore(%run_scoped3A_167 : memref<!tpu.dma_semaphore, #tpu.memory_space<semaphore_mem>>)
      %dma_wait3A_182 = arith.constant 0 : i32
      %dma_wait3A_183 = tpu.memref_slice %arg9[%run_scoped3A_83, %dma_wait3A_182] : memref<8x640xf32, #tpu.memory_space<vmem>> -> memref<1x640xf32, #tpu.memory_space<vmem>>
      %dma_wait3A_184 = tpu.memref_squeeze %dma_wait3A_183 : memref<1x640xf32, #tpu.memory_space<vmem>> -> memref<640xf32, #tpu.memory_space<vmem>>
      %dma_wait3A_185 = arith.constant 0 : i32
      %dma_wait3A_186 = tpu.memref_slice %arg12[%run_scoped3A_82, %dma_wait3A_185] : memref<16x10240xf32, #tpu.memory_space<vmem_shared>> -> memref<1x10240xf32, #tpu.memory_space<vmem_shared>>
      %dma_wait3A_187 = tpu.memref_squeeze %dma_wait3A_186 : memref<1x10240xf32, #tpu.memory_space<vmem_shared>> -> memref<10240xf32, #tpu.memory_space<vmem_shared>>
      %dma_wait3A_188 = tpu.memref_slice %dma_wait3A_187[%mul3A_14] : memref<10240xf32, #tpu.memory_space<vmem_shared>> -> memref<640xf32, #tpu.memory_space<vmem_shared>>
      %dma_wait3A_189 = arith.constant 0 : i32
      %dma_wait3A_190 = tpu.memref_slice %arg9[%run_scoped3A_83, %dma_wait3A_189] : memref<8x640xf32, #tpu.memory_space<vmem>> -> memref<1x640xf32, #tpu.memory_space<vmem>>
      %dma_wait3A_191 = tpu.memref_squeeze %dma_wait3A_190 : memref<1x640xf32, #tpu.memory_space<vmem>> -> memref<640xf32, #tpu.memory_space<vmem>>
      %dma_wait3A_192 = arith.constant 0 : i32
      %dma_wait3A_193 = tpu.memref_slice %arg12[%run_scoped3A_82, %dma_wait3A_192] : memref<16x10240xf32, #tpu.memory_space<vmem_shared>> -> memref<1x10240xf32, #tpu.memory_space<vmem_shared>>
      %dma_wait3A_194 = tpu.memref_squeeze %dma_wait3A_193 : memref<1x10240xf32, #tpu.memory_space<vmem_shared>> -> memref<10240xf32, #tpu.memory_space<vmem_shared>>
      %dma_wait3A_195 = tpu.memref_slice %dma_wait3A_194[%mul3A_14] : memref<10240xf32, #tpu.memory_space<vmem_shared>> -> memref<640xf32, #tpu.memory_space<vmem_shared>>
      tpu.wait_dma2 semaphore(%run_scoped3A_167 : memref<!tpu.dma_semaphore, #tpu.memory_space<semaphore_mem>>) src(%dma_wait3A_195 : memref<640xf32, #tpu.memory_space<vmem_shared>>) dst(%dma_wait3A_191 : memref<640xf32, #tpu.memory_space<vmem>>)
      tpu.yield
    }) : () -> ()
    %run_scoped3A_84 = arith.constant 2 : i32
    %run_scoped3A_85 = arith.constant 2 : i32
    "tpu.region"() ({
      %run_scoped3A_167 = tpu.sem_alloc : memref<!tpu.dma_semaphore, #tpu.memory_space<semaphore_mem>>
      %dma_start3A_168 = arith.constant 0 : i32
      %dma_start3A_169 = tpu.memref_slice %arg9[%run_scoped3A_85, %dma_start3A_168] : memref<8x640xf32, #tpu.memory_space<vmem>> -> memref<1x640xf32, #tpu.memory_space<vmem>>
      %dma_start3A_170 = tpu.memref_squeeze %dma_start3A_169 : memref<1x640xf32, #tpu.memory_space<vmem>> -> memref<640xf32, #tpu.memory_space<vmem>>
      %dma_start3A_171 = arith.constant 0 : i32
      %dma_start3A_172 = tpu.memref_slice %arg12[%run_scoped3A_84, %dma_start3A_171] : memref<16x10240xf32, #tpu.memory_space<vmem_shared>> -> memref<1x10240xf32, #tpu.memory_space<vmem_shared>>
      %dma_start3A_173 = tpu.memref_squeeze %dma_start3A_172 : memref<1x10240xf32, #tpu.memory_space<vmem_shared>> -> memref<10240xf32, #tpu.memory_space<vmem_shared>>
      %dma_start3A_174 = tpu.memref_slice %dma_start3A_173[%mul3A_14] : memref<10240xf32, #tpu.memory_space<vmem_shared>> -> memref<640xf32, #tpu.memory_space<vmem_shared>>
      %dma_start3A_175 = arith.constant 0 : i32
      %dma_start3A_176 = tpu.memref_slice %arg9[%run_scoped3A_85, %dma_start3A_175] : memref<8x640xf32, #tpu.memory_space<vmem>> -> memref<1x640xf32, #tpu.memory_space<vmem>>
      %dma_start3A_177 = tpu.memref_squeeze %dma_start3A_176 : memref<1x640xf32, #tpu.memory_space<vmem>> -> memref<640xf32, #tpu.memory_space<vmem>>
      %dma_start3A_178 = arith.constant 0 : i32
      %dma_start3A_179 = tpu.memref_slice %arg12[%run_scoped3A_84, %dma_start3A_178] : memref<16x10240xf32, #tpu.memory_space<vmem_shared>> -> memref<1x10240xf32, #tpu.memory_space<vmem_shared>>
      %dma_start3A_180 = tpu.memref_squeeze %dma_start3A_179 : memref<1x10240xf32, #tpu.memory_space<vmem_shared>> -> memref<10240xf32, #tpu.memory_space<vmem_shared>>
      %dma_start3A_181 = tpu.memref_slice %dma_start3A_180[%mul3A_14] : memref<10240xf32, #tpu.memory_space<vmem_shared>> -> memref<640xf32, #tpu.memory_space<vmem_shared>>
      tpu.enqueue_dma source(%dma_start3A_181 : memref<640xf32, #tpu.memory_space<vmem_shared>>) target(%dma_start3A_177 : memref<640xf32, #tpu.memory_space<vmem>>) target_semaphore(%run_scoped3A_167 : memref<!tpu.dma_semaphore, #tpu.memory_space<semaphore_mem>>)
      %dma_wait3A_182 = arith.constant 0 : i32
      %dma_wait3A_183 = tpu.memref_slice %arg9[%run_scoped3A_85, %dma_wait3A_182] : memref<8x640xf32, #tpu.memory_space<vmem>> -> memref<1x640xf32, #tpu.memory_space<vmem>>
      %dma_wait3A_184 = tpu.memref_squeeze %dma_wait3A_183 : memref<1x640xf32, #tpu.memory_space<vmem>> -> memref<640xf32, #tpu.memory_space<vmem>>
      %dma_wait3A_185 = arith.constant 0 : i32
      %dma_wait3A_186 = tpu.memref_slice %arg12[%run_scoped3A_84, %dma_wait3A_185] : memref<16x10240xf32, #tpu.memory_space<vmem_shared>> -> memref<1x10240xf32, #tpu.memory_space<vmem_shared>>
      %dma_wait3A_187 = tpu.memref_squeeze %dma_wait3A_186 : memref<1x10240xf32, #tpu.memory_space<vmem_shared>> -> memref<10240xf32, #tpu.memory_space<vmem_shared>>
      %dma_wait3A_188 = tpu.memref_slice %dma_wait3A_187[%mul3A_14] : memref<10240xf32, #tpu.memory_space<vmem_shared>> -> memref<640xf32, #tpu.memory_space<vmem_shared>>
      %dma_wait3A_189 = arith.constant 0 : i32
      %dma_wait3A_190 = tpu.memref_slice %arg9[%run_scoped3A_85, %dma_wait3A_189] : memref<8x640xf32, #tpu.memory_space<vmem>> -> memref<1x640xf32, #tpu.memory_space<vmem>>
      %dma_wait3A_191 = tpu.memref_squeeze %dma_wait3A_190 : memref<1x640xf32, #tpu.memory_space<vmem>> -> memref<640xf32, #tpu.memory_space<vmem>>
      %dma_wait3A_192 = arith.constant 0 : i32
      %dma_wait3A_193 = tpu.memref_slice %arg12[%run_scoped3A_84, %dma_wait3A_192] : memref<16x10240xf32, #tpu.memory_space<vmem_shared>> -> memref<1x10240xf32, #tpu.memory_space<vmem_shared>>
      %dma_wait3A_194 = tpu.memref_squeeze %dma_wait3A_193 : memref<1x10240xf32, #tpu.memory_space<vmem_shared>> -> memref<10240xf32, #tpu.memory_space<vmem_shared>>
      %dma_wait3A_195 = tpu.memref_slice %dma_wait3A_194[%mul3A_14] : memref<10240xf32, #tpu.memory_space<vmem_shared>> -> memref<640xf32, #tpu.memory_space<vmem_shared>>
      tpu.wait_dma2 semaphore(%run_scoped3A_167 : memref<!tpu.dma_semaphore, #tpu.memory_space<semaphore_mem>>) src(%dma_wait3A_195 : memref<640xf32, #tpu.memory_space<vmem_shared>>) dst(%dma_wait3A_191 : memref<640xf32, #tpu.memory_space<vmem>>)
      tpu.yield
    }) : () -> ()
    %run_scoped3A_86 = arith.constant 3 : i32
    %run_scoped3A_87 = arith.constant 3 : i32
    "tpu.region"() ({
      %run_scoped3A_167 = tpu.sem_alloc : memref<!tpu.dma_semaphore, #tpu.memory_space<semaphore_mem>>
      %dma_start3A_168 = arith.constant 0 : i32
      %dma_start3A_169 = tpu.memref_slice %arg9[%run_scoped3A_87, %dma_start3A_168] : memref<8x640xf32, #tpu.memory_space<vmem>> -> memref<1x640xf32, #tpu.memory_space<vmem>>
      %dma_start3A_170 = tpu.memref_squeeze %dma_start3A_169 : memref<1x640xf32, #tpu.memory_space<vmem>> -> memref<640xf32, #tpu.memory_space<vmem>>
      %dma_start3A_171 = arith.constant 0 : i32
      %dma_start3A_172 = tpu.memref_slice %arg12[%run_scoped3A_86, %dma_start3A_171] : memref<16x10240xf32, #tpu.memory_space<vmem_shared>> -> memref<1x10240xf32, #tpu.memory_space<vmem_shared>>
      %dma_start3A_173 = tpu.memref_squeeze %dma_start3A_172 : memref<1x10240xf32, #tpu.memory_space<vmem_shared>> -> memref<10240xf32, #tpu.memory_space<vmem_shared>>
      %dma_start3A_174 = tpu.memref_slice %dma_start3A_173[%mul3A_14] : memref<10240xf32, #tpu.memory_space<vmem_shared>> -> memref<640xf32, #tpu.memory_space<vmem_shared>>
      %dma_start3A_175 = arith.constant 0 : i32
      %dma_start3A_176 = tpu.memref_slice %arg9[%run_scoped3A_87, %dma_start3A_175] : memref<8x640xf32, #tpu.memory_space<vmem>> -> memref<1x640xf32, #tpu.memory_space<vmem>>
      %dma_start3A_177 = tpu.memref_squeeze %dma_start3A_176 : memref<1x640xf32, #tpu.memory_space<vmem>> -> memref<640xf32, #tpu.memory_space<vmem>>
      %dma_start3A_178 = arith.constant 0 : i32
      %dma_start3A_179 = tpu.memref_slice %arg12[%run_scoped3A_86, %dma_start3A_178] : memref<16x10240xf32, #tpu.memory_space<vmem_shared>> -> memref<1x10240xf32, #tpu.memory_space<vmem_shared>>
      %dma_start3A_180 = tpu.memref_squeeze %dma_start3A_179 : memref<1x10240xf32, #tpu.memory_space<vmem_shared>> -> memref<10240xf32, #tpu.memory_space<vmem_shared>>
      %dma_start3A_181 = tpu.memref_slice %dma_start3A_180[%mul3A_14] : memref<10240xf32, #tpu.memory_space<vmem_shared>> -> memref<640xf32, #tpu.memory_space<vmem_shared>>
      tpu.enqueue_dma source(%dma_start3A_181 : memref<640xf32, #tpu.memory_space<vmem_shared>>) target(%dma_start3A_177 : memref<640xf32, #tpu.memory_space<vmem>>) target_semaphore(%run_scoped3A_167 : memref<!tpu.dma_semaphore, #tpu.memory_space<semaphore_mem>>)
      %dma_wait3A_182 = arith.constant 0 : i32
      %dma_wait3A_183 = tpu.memref_slice %arg9[%run_scoped3A_87, %dma_wait3A_182] : memref<8x640xf32, #tpu.memory_space<vmem>> -> memref<1x640xf32, #tpu.memory_space<vmem>>
      %dma_wait3A_184 = tpu.memref_squeeze %dma_wait3A_183 : memref<1x640xf32, #tpu.memory_space<vmem>> -> memref<640xf32, #tpu.memory_space<vmem>>
      %dma_wait3A_185 = arith.constant 0 : i32
      %dma_wait3A_186 = tpu.memref_slice %arg12[%run_scoped3A_86, %dma_wait3A_185] : memref<16x10240xf32, #tpu.memory_space<vmem_shared>> -> memref<1x10240xf32, #tpu.memory_space<vmem_shared>>
      %dma_wait3A_187 = tpu.memref_squeeze %dma_wait3A_186 : memref<1x10240xf32, #tpu.memory_space<vmem_shared>> -> memref<10240xf32, #tpu.memory_space<vmem_shared>>
      %dma_wait3A_188 = tpu.memref_slice %dma_wait3A_187[%mul3A_14] : memref<10240xf32, #tpu.memory_space<vmem_shared>> -> memref<640xf32, #tpu.memory_space<vmem_shared>>
      %dma_wait3A_189 = arith.constant 0 : i32
      %dma_wait3A_190 = tpu.memref_slice %arg9[%run_scoped3A_87, %dma_wait3A_189] : memref<8x640xf32, #tpu.memory_space<vmem>> -> memref<1x640xf32, #tpu.memory_space<vmem>>
      %dma_wait3A_191 = tpu.memref_squeeze %dma_wait3A_190 : memref<1x640xf32, #tpu.memory_space<vmem>> -> memref<640xf32, #tpu.memory_space<vmem>>
      %dma_wait3A_192 = arith.constant 0 : i32
      %dma_wait3A_193 = tpu.memref_slice %arg12[%run_scoped3A_86, %dma_wait3A_192] : memref<16x10240xf32, #tpu.memory_space<vmem_shared>> -> memref<1x10240xf32, #tpu.memory_space<vmem_shared>>
      %dma_wait3A_194 = tpu.memref_squeeze %dma_wait3A_193 : memref<1x10240xf32, #tpu.memory_space<vmem_shared>> -> memref<10240xf32, #tpu.memory_space<vmem_shared>>
      %dma_wait3A_195 = tpu.memref_slice %dma_wait3A_194[%mul3A_14] : memref<10240xf32, #tpu.memory_space<vmem_shared>> -> memref<640xf32, #tpu.memory_space<vmem_shared>>
      tpu.wait_dma2 semaphore(%run_scoped3A_167 : memref<!tpu.dma_semaphore, #tpu.memory_space<semaphore_mem>>) src(%dma_wait3A_195 : memref<640xf32, #tpu.memory_space<vmem_shared>>) dst(%dma_wait3A_191 : memref<640xf32, #tpu.memory_space<vmem>>)
      tpu.yield
    }) : () -> ()
    %run_scoped3A_88 = arith.constant 4 : i32
    %run_scoped3A_89 = arith.constant 4 : i32
    "tpu.region"() ({
      %run_scoped3A_167 = tpu.sem_alloc : memref<!tpu.dma_semaphore, #tpu.memory_space<semaphore_mem>>
      %dma_start3A_168 = arith.constant 0 : i32
      %dma_start3A_169 = tpu.memref_slice %arg9[%run_scoped3A_89, %dma_start3A_168] : memref<8x640xf32, #tpu.memory_space<vmem>> -> memref<1x640xf32, #tpu.memory_space<vmem>>
      %dma_start3A_170 = tpu.memref_squeeze %dma_start3A_169 : memref<1x640xf32, #tpu.memory_space<vmem>> -> memref<640xf32, #tpu.memory_space<vmem>>
      %dma_start3A_171 = arith.constant 0 : i32
      %dma_start3A_172 = tpu.memref_slice %arg12[%run_scoped3A_88, %dma_start3A_171] : memref<16x10240xf32, #tpu.memory_space<vmem_shared>> -> memref<1x10240xf32, #tpu.memory_space<vmem_shared>>
      %dma_start3A_173 = tpu.memref_squeeze %dma_start3A_172 : memref<1x10240xf32, #tpu.memory_space<vmem_shared>> -> memref<10240xf32, #tpu.memory_space<vmem_shared>>
      %dma_start3A_174 = tpu.memref_slice %dma_start3A_173[%mul3A_14] : memref<10240xf32, #tpu.memory_space<vmem_shared>> -> memref<640xf32, #tpu.memory_space<vmem_shared>>
      %dma_start3A_175 = arith.constant 0 : i32
      %dma_start3A_176 = tpu.memref_slice %arg9[%run_scoped3A_89, %dma_start3A_175] : memref<8x640xf32, #tpu.memory_space<vmem>> -> memref<1x640xf32, #tpu.memory_space<vmem>>
      %dma_start3A_177 = tpu.memref_squeeze %dma_start3A_176 : memref<1x640xf32, #tpu.memory_space<vmem>> -> memref<640xf32, #tpu.memory_space<vmem>>
      %dma_start3A_178 = arith.constant 0 : i32
      %dma_start3A_179 = tpu.memref_slice %arg12[%run_scoped3A_88, %dma_start3A_178] : memref<16x10240xf32, #tpu.memory_space<vmem_shared>> -> memref<1x10240xf32, #tpu.memory_space<vmem_shared>>
      %dma_start3A_180 = tpu.memref_squeeze %dma_start3A_179 : memref<1x10240xf32, #tpu.memory_space<vmem_shared>> -> memref<10240xf32, #tpu.memory_space<vmem_shared>>
      %dma_start3A_181 = tpu.memref_slice %dma_start3A_180[%mul3A_14] : memref<10240xf32, #tpu.memory_space<vmem_shared>> -> memref<640xf32, #tpu.memory_space<vmem_shared>>
      tpu.enqueue_dma source(%dma_start3A_181 : memref<640xf32, #tpu.memory_space<vmem_shared>>) target(%dma_start3A_177 : memref<640xf32, #tpu.memory_space<vmem>>) target_semaphore(%run_scoped3A_167 : memref<!tpu.dma_semaphore, #tpu.memory_space<semaphore_mem>>)
      %dma_wait3A_182 = arith.constant 0 : i32
      %dma_wait3A_183 = tpu.memref_slice %arg9[%run_scoped3A_89, %dma_wait3A_182] : memref<8x640xf32, #tpu.memory_space<vmem>> -> memref<1x640xf32, #tpu.memory_space<vmem>>
      %dma_wait3A_184 = tpu.memref_squeeze %dma_wait3A_183 : memref<1x640xf32, #tpu.memory_space<vmem>> -> memref<640xf32, #tpu.memory_space<vmem>>
      %dma_wait3A_185 = arith.constant 0 : i32
      %dma_wait3A_186 = tpu.memref_slice %arg12[%run_scoped3A_88, %dma_wait3A_185] : memref<16x10240xf32, #tpu.memory_space<vmem_shared>> -> memref<1x10240xf32, #tpu.memory_space<vmem_shared>>
      %dma_wait3A_187 = tpu.memref_squeeze %dma_wait3A_186 : memref<1x10240xf32, #tpu.memory_space<vmem_shared>> -> memref<10240xf32, #tpu.memory_space<vmem_shared>>
      %dma_wait3A_188 = tpu.memref_slice %dma_wait3A_187[%mul3A_14] : memref<10240xf32, #tpu.memory_space<vmem_shared>> -> memref<640xf32, #tpu.memory_space<vmem_shared>>
      %dma_wait3A_189 = arith.constant 0 : i32
      %dma_wait3A_190 = tpu.memref_slice %arg9[%run_scoped3A_89, %dma_wait3A_189] : memref<8x640xf32, #tpu.memory_space<vmem>> -> memref<1x640xf32, #tpu.memory_space<vmem>>
      %dma_wait3A_191 = tpu.memref_squeeze %dma_wait3A_190 : memref<1x640xf32, #tpu.memory_space<vmem>> -> memref<640xf32, #tpu.memory_space<vmem>>
      %dma_wait3A_192 = arith.constant 0 : i32
      %dma_wait3A_193 = tpu.memref_slice %arg12[%run_scoped3A_88, %dma_wait3A_192] : memref<16x10240xf32, #tpu.memory_space<vmem_shared>> -> memref<1x10240xf32, #tpu.memory_space<vmem_shared>>
      %dma_wait3A_194 = tpu.memref_squeeze %dma_wait3A_193 : memref<1x10240xf32, #tpu.memory_space<vmem_shared>> -> memref<10240xf32, #tpu.memory_space<vmem_shared>>
      %dma_wait3A_195 = tpu.memref_slice %dma_wait3A_194[%mul3A_14] : memref<10240xf32, #tpu.memory_space<vmem_shared>> -> memref<640xf32, #tpu.memory_space<vmem_shared>>
      tpu.wait_dma2 semaphore(%run_scoped3A_167 : memref<!tpu.dma_semaphore, #tpu.memory_space<semaphore_mem>>) src(%dma_wait3A_195 : memref<640xf32, #tpu.memory_space<vmem_shared>>) dst(%dma_wait3A_191 : memref<640xf32, #tpu.memory_space<vmem>>)
      tpu.yield
    }) : () -> ()
    %run_scoped3A_90 = arith.constant 5 : i32
    %run_scoped3A_91 = arith.constant 5 : i32
    "tpu.region"() ({
      %run_scoped3A_167 = tpu.sem_alloc : memref<!tpu.dma_semaphore, #tpu.memory_space<semaphore_mem>>
      %dma_start3A_168 = arith.constant 0 : i32
      %dma_start3A_169 = tpu.memref_slice %arg9[%run_scoped3A_91, %dma_start3A_168] : memref<8x640xf32, #tpu.memory_space<vmem>> -> memref<1x640xf32, #tpu.memory_space<vmem>>
      %dma_start3A_170 = tpu.memref_squeeze %dma_start3A_169 : memref<1x640xf32, #tpu.memory_space<vmem>> -> memref<640xf32, #tpu.memory_space<vmem>>
      %dma_start3A_171 = arith.constant 0 : i32
      %dma_start3A_172 = tpu.memref_slice %arg12[%run_scoped3A_90, %dma_start3A_171] : memref<16x10240xf32, #tpu.memory_space<vmem_shared>> -> memref<1x10240xf32, #tpu.memory_space<vmem_shared>>
      %dma_start3A_173 = tpu.memref_squeeze %dma_start3A_172 : memref<1x10240xf32, #tpu.memory_space<vmem_shared>> -> memref<10240xf32, #tpu.memory_space<vmem_shared>>
      %dma_start3A_174 = tpu.memref_slice %dma_start3A_173[%mul3A_14] : memref<10240xf32, #tpu.memory_space<vmem_shared>> -> memref<640xf32, #tpu.memory_space<vmem_shared>>
      %dma_start3A_175 = arith.constant 0 : i32
      %dma_start3A_176 = tpu.memref_slice %arg9[%run_scoped3A_91, %dma_start3A_175] : memref<8x640xf32, #tpu.memory_space<vmem>> -> memref<1x640xf32, #tpu.memory_space<vmem>>
      %dma_start3A_177 = tpu.memref_squeeze %dma_start3A_176 : memref<1x640xf32, #tpu.memory_space<vmem>> -> memref<640xf32, #tpu.memory_space<vmem>>
      %dma_start3A_178 = arith.constant 0 : i32
      %dma_start3A_179 = tpu.memref_slice %arg12[%run_scoped3A_90, %dma_start3A_178] : memref<16x10240xf32, #tpu.memory_space<vmem_shared>> -> memref<1x10240xf32, #tpu.memory_space<vmem_shared>>
      %dma_start3A_180 = tpu.memref_squeeze %dma_start3A_179 : memref<1x10240xf32, #tpu.memory_space<vmem_shared>> -> memref<10240xf32, #tpu.memory_space<vmem_shared>>
      %dma_start3A_181 = tpu.memref_slice %dma_start3A_180[%mul3A_14] : memref<10240xf32, #tpu.memory_space<vmem_shared>> -> memref<640xf32, #tpu.memory_space<vmem_shared>>
      tpu.enqueue_dma source(%dma_start3A_181 : memref<640xf32, #tpu.memory_space<vmem_shared>>) target(%dma_start3A_177 : memref<640xf32, #tpu.memory_space<vmem>>) target_semaphore(%run_scoped3A_167 : memref<!tpu.dma_semaphore, #tpu.memory_space<semaphore_mem>>)
      %dma_wait3A_182 = arith.constant 0 : i32
      %dma_wait3A_183 = tpu.memref_slice %arg9[%run_scoped3A_91, %dma_wait3A_182] : memref<8x640xf32, #tpu.memory_space<vmem>> -> memref<1x640xf32, #tpu.memory_space<vmem>>
      %dma_wait3A_184 = tpu.memref_squeeze %dma_wait3A_183 : memref<1x640xf32, #tpu.memory_space<vmem>> -> memref<640xf32, #tpu.memory_space<vmem>>
      %dma_wait3A_185 = arith.constant 0 : i32
      %dma_wait3A_186 = tpu.memref_slice %arg12[%run_scoped3A_90, %dma_wait3A_185] : memref<16x10240xf32, #tpu.memory_space<vmem_shared>> -> memref<1x10240xf32, #tpu.memory_space<vmem_shared>>
      %dma_wait3A_187 = tpu.memref_squeeze %dma_wait3A_186 : memref<1x10240xf32, #tpu.memory_space<vmem_shared>> -> memref<10240xf32, #tpu.memory_space<vmem_shared>>
      %dma_wait3A_188 = tpu.memref_slice %dma_wait3A_187[%mul3A_14] : memref<10240xf32, #tpu.memory_space<vmem_shared>> -> memref<640xf32, #tpu.memory_space<vmem_shared>>
      %dma_wait3A_189 = arith.constant 0 : i32
      %dma_wait3A_190 = tpu.memref_slice %arg9[%run_scoped3A_91, %dma_wait3A_189] : memref<8x640xf32, #tpu.memory_space<vmem>> -> memref<1x640xf32, #tpu.memory_space<vmem>>
      %dma_wait3A_191 = tpu.memref_squeeze %dma_wait3A_190 : memref<1x640xf32, #tpu.memory_space<vmem>> -> memref<640xf32, #tpu.memory_space<vmem>>
      %dma_wait3A_192 = arith.constant 0 : i32
      %dma_wait3A_193 = tpu.memref_slice %arg12[%run_scoped3A_90, %dma_wait3A_192] : memref<16x10240xf32, #tpu.memory_space<vmem_shared>> -> memref<1x10240xf32, #tpu.memory_space<vmem_shared>>
      %dma_wait3A_194 = tpu.memref_squeeze %dma_wait3A_193 : memref<1x10240xf32, #tpu.memory_space<vmem_shared>> -> memref<10240xf32, #tpu.memory_space<vmem_shared>>
      %dma_wait3A_195 = tpu.memref_slice %dma_wait3A_194[%mul3A_14] : memref<10240xf32, #tpu.memory_space<vmem_shared>> -> memref<640xf32, #tpu.memory_space<vmem_shared>>
      tpu.wait_dma2 semaphore(%run_scoped3A_167 : memref<!tpu.dma_semaphore, #tpu.memory_space<semaphore_mem>>) src(%dma_wait3A_195 : memref<640xf32, #tpu.memory_space<vmem_shared>>) dst(%dma_wait3A_191 : memref<640xf32, #tpu.memory_space<vmem>>)
      tpu.yield
    }) : () -> ()
    %run_scoped3A_92 = arith.constant 6 : i32
    %run_scoped3A_93 = arith.constant 6 : i32
    "tpu.region"() ({
      %run_scoped3A_167 = tpu.sem_alloc : memref<!tpu.dma_semaphore, #tpu.memory_space<semaphore_mem>>
      %dma_start3A_168 = arith.constant 0 : i32
      %dma_start3A_169 = tpu.memref_slice %arg9[%run_scoped3A_93, %dma_start3A_168] : memref<8x640xf32, #tpu.memory_space<vmem>> -> memref<1x640xf32, #tpu.memory_space<vmem>>
      %dma_start3A_170 = tpu.memref_squeeze %dma_start3A_169 : memref<1x640xf32, #tpu.memory_space<vmem>> -> memref<640xf32, #tpu.memory_space<vmem>>
      %dma_start3A_171 = arith.constant 0 : i32
      %dma_start3A_172 = tpu.memref_slice %arg12[%run_scoped3A_92, %dma_start3A_171] : memref<16x10240xf32, #tpu.memory_space<vmem_shared>> -> memref<1x10240xf32, #tpu.memory_space<vmem_shared>>
      %dma_start3A_173 = tpu.memref_squeeze %dma_start3A_172 : memref<1x10240xf32, #tpu.memory_space<vmem_shared>> -> memref<10240xf32, #tpu.memory_space<vmem_shared>>
      %dma_start3A_174 = tpu.memref_slice %dma_start3A_173[%mul3A_14] : memref<10240xf32, #tpu.memory_space<vmem_shared>> -> memref<640xf32, #tpu.memory_space<vmem_shared>>
      %dma_start3A_175 = arith.constant 0 : i32
      %dma_start3A_176 = tpu.memref_slice %arg9[%run_scoped3A_93, %dma_start3A_175] : memref<8x640xf32, #tpu.memory_space<vmem>> -> memref<1x640xf32, #tpu.memory_space<vmem>>
      %dma_start3A_177 = tpu.memref_squeeze %dma_start3A_176 : memref<1x640xf32, #tpu.memory_space<vmem>> -> memref<640xf32, #tpu.memory_space<vmem>>
      %dma_start3A_178 = arith.constant 0 : i32
      %dma_start3A_179 = tpu.memref_slice %arg12[%run_scoped3A_92, %dma_start3A_178] : memref<16x10240xf32, #tpu.memory_space<vmem_shared>> -> memref<1x10240xf32, #tpu.memory_space<vmem_shared>>
      %dma_start3A_180 = tpu.memref_squeeze %dma_start3A_179 : memref<1x10240xf32, #tpu.memory_space<vmem_shared>> -> memref<10240xf32, #tpu.memory_space<vmem_shared>>
      %dma_start3A_181 = tpu.memref_slice %dma_start3A_180[%mul3A_14] : memref<10240xf32, #tpu.memory_space<vmem_shared>> -> memref<640xf32, #tpu.memory_space<vmem_shared>>
      tpu.enqueue_dma source(%dma_start3A_181 : memref<640xf32, #tpu.memory_space<vmem_shared>>) target(%dma_start3A_177 : memref<640xf32, #tpu.memory_space<vmem>>) target_semaphore(%run_scoped3A_167 : memref<!tpu.dma_semaphore, #tpu.memory_space<semaphore_mem>>)
      %dma_wait3A_182 = arith.constant 0 : i32
      %dma_wait3A_183 = tpu.memref_slice %arg9[%run_scoped3A_93, %dma_wait3A_182] : memref<8x640xf32, #tpu.memory_space<vmem>> -> memref<1x640xf32, #tpu.memory_space<vmem>>
      %dma_wait3A_184 = tpu.memref_squeeze %dma_wait3A_183 : memref<1x640xf32, #tpu.memory_space<vmem>> -> memref<640xf32, #tpu.memory_space<vmem>>
      %dma_wait3A_185 = arith.constant 0 : i32
      %dma_wait3A_186 = tpu.memref_slice %arg12[%run_scoped3A_92, %dma_wait3A_185] : memref<16x10240xf32, #tpu.memory_space<vmem_shared>> -> memref<1x10240xf32, #tpu.memory_space<vmem_shared>>
      %dma_wait3A_187 = tpu.memref_squeeze %dma_wait3A_186 : memref<1x10240xf32, #tpu.memory_space<vmem_shared>> -> memref<10240xf32, #tpu.memory_space<vmem_shared>>
      %dma_wait3A_188 = tpu.memref_slice %dma_wait3A_187[%mul3A_14] : memref<10240xf32, #tpu.memory_space<vmem_shared>> -> memref<640xf32, #tpu.memory_space<vmem_shared>>
      %dma_wait3A_189 = arith.constant 0 : i32
      %dma_wait3A_190 = tpu.memref_slice %arg9[%run_scoped3A_93, %dma_wait3A_189] : memref<8x640xf32, #tpu.memory_space<vmem>> -> memref<1x640xf32, #tpu.memory_space<vmem>>
      %dma_wait3A_191 = tpu.memref_squeeze %dma_wait3A_190 : memref<1x640xf32, #tpu.memory_space<vmem>> -> memref<640xf32, #tpu.memory_space<vmem>>
      %dma_wait3A_192 = arith.constant 0 : i32
      %dma_wait3A_193 = tpu.memref_slice %arg12[%run_scoped3A_92, %dma_wait3A_192] : memref<16x10240xf32, #tpu.memory_space<vmem_shared>> -> memref<1x10240xf32, #tpu.memory_space<vmem_shared>>
      %dma_wait3A_194 = tpu.memref_squeeze %dma_wait3A_193 : memref<1x10240xf32, #tpu.memory_space<vmem_shared>> -> memref<10240xf32, #tpu.memory_space<vmem_shared>>
      %dma_wait3A_195 = tpu.memref_slice %dma_wait3A_194[%mul3A_14] : memref<10240xf32, #tpu.memory_space<vmem_shared>> -> memref<640xf32, #tpu.memory_space<vmem_shared>>
      tpu.wait_dma2 semaphore(%run_scoped3A_167 : memref<!tpu.dma_semaphore, #tpu.memory_space<semaphore_mem>>) src(%dma_wait3A_195 : memref<640xf32, #tpu.memory_space<vmem_shared>>) dst(%dma_wait3A_191 : memref<640xf32, #tpu.memory_space<vmem>>)
      tpu.yield
    }) : () -> ()
    %run_scoped3A_94 = arith.constant 7 : i32
    %run_scoped3A_95 = arith.constant 7 : i32
    "tpu.region"() ({
      %run_scoped3A_167 = tpu.sem_alloc : memref<!tpu.dma_semaphore, #tpu.memory_space<semaphore_mem>>
      %dma_start3A_168 = arith.constant 0 : i32
      %dma_start3A_169 = tpu.memref_slice %arg9[%run_scoped3A_95, %dma_start3A_168] : memref<8x640xf32, #tpu.memory_space<vmem>> -> memref<1x640xf32, #tpu.memory_space<vmem>>
      %dma_start3A_170 = tpu.memref_squeeze %dma_start3A_169 : memref<1x640xf32, #tpu.memory_space<vmem>> -> memref<640xf32, #tpu.memory_space<vmem>>
      %dma_start3A_171 = arith.constant 0 : i32
      %dma_start3A_172 = tpu.memref_slice %arg12[%run_scoped3A_94, %dma_start3A_171] : memref<16x10240xf32, #tpu.memory_space<vmem_shared>> -> memref<1x10240xf32, #tpu.memory_space<vmem_shared>>
      %dma_start3A_173 = tpu.memref_squeeze %dma_start3A_172 : memref<1x10240xf32, #tpu.memory_space<vmem_shared>> -> memref<10240xf32, #tpu.memory_space<vmem_shared>>
      %dma_start3A_174 = tpu.memref_slice %dma_start3A_173[%mul3A_14] : memref<10240xf32, #tpu.memory_space<vmem_shared>> -> memref<640xf32, #tpu.memory_space<vmem_shared>>
      %dma_start3A_175 = arith.constant 0 : i32
      %dma_start3A_176 = tpu.memref_slice %arg9[%run_scoped3A_95, %dma_start3A_175] : memref<8x640xf32, #tpu.memory_space<vmem>> -> memref<1x640xf32, #tpu.memory_space<vmem>>
      %dma_start3A_177 = tpu.memref_squeeze %dma_start3A_176 : memref<1x640xf32, #tpu.memory_space<vmem>> -> memref<640xf32, #tpu.memory_space<vmem>>
      %dma_start3A_178 = arith.constant 0 : i32
      %dma_start3A_179 = tpu.memref_slice %arg12[%run_scoped3A_94, %dma_start3A_178] : memref<16x10240xf32, #tpu.memory_space<vmem_shared>> -> memref<1x10240xf32, #tpu.memory_space<vmem_shared>>
      %dma_start3A_180 = tpu.memref_squeeze %dma_start3A_179 : memref<1x10240xf32, #tpu.memory_space<vmem_shared>> -> memref<10240xf32, #tpu.memory_space<vmem_shared>>
      %dma_start3A_181 = tpu.memref_slice %dma_start3A_180[%mul3A_14] : memref<10240xf32, #tpu.memory_space<vmem_shared>> -> memref<640xf32, #tpu.memory_space<vmem_shared>>
      tpu.enqueue_dma source(%dma_start3A_181 : memref<640xf32, #tpu.memory_space<vmem_shared>>) target(%dma_start3A_177 : memref<640xf32, #tpu.memory_space<vmem>>) target_semaphore(%run_scoped3A_167 : memref<!tpu.dma_semaphore, #tpu.memory_space<semaphore_mem>>)
      %dma_wait3A_182 = arith.constant 0 : i32
      %dma_wait3A_183 = tpu.memref_slice %arg9[%run_scoped3A_95, %dma_wait3A_182] : memref<8x640xf32, #tpu.memory_space<vmem>> -> memref<1x640xf32, #tpu.memory_space<vmem>>
      %dma_wait3A_184 = tpu.memref_squeeze %dma_wait3A_183 : memref<1x640xf32, #tpu.memory_space<vmem>> -> memref<640xf32, #tpu.memory_space<vmem>>
      %dma_wait3A_185 = arith.constant 0 : i32
      %dma_wait3A_186 = tpu.memref_slice %arg12[%run_scoped3A_94, %dma_wait3A_185] : memref<16x10240xf32, #tpu.memory_space<vmem_shared>> -> memref<1x10240xf32, #tpu.memory_space<vmem_shared>>
      %dma_wait3A_187 = tpu.memref_squeeze %dma_wait3A_186 : memref<1x10240xf32, #tpu.memory_space<vmem_shared>> -> memref<10240xf32, #tpu.memory_space<vmem_shared>>
      %dma_wait3A_188 = tpu.memref_slice %dma_wait3A_187[%mul3A_14] : memref<10240xf32, #tpu.memory_space<vmem_shared>> -> memref<640xf32, #tpu.memory_space<vmem_shared>>
      %dma_wait3A_189 = arith.constant 0 : i32
      %dma_wait3A_190 = tpu.memref_slice %arg9[%run_scoped3A_95, %dma_wait3A_189] : memref<8x640xf32, #tpu.memory_space<vmem>> -> memref<1x640xf32, #tpu.memory_space<vmem>>
      %dma_wait3A_191 = tpu.memref_squeeze %dma_wait3A_190 : memref<1x640xf32, #tpu.memory_space<vmem>> -> memref<640xf32, #tpu.memory_space<vmem>>
      %dma_wait3A_192 = arith.constant 0 : i32
      %dma_wait3A_193 = tpu.memref_slice %arg12[%run_scoped3A_94, %dma_wait3A_192] : memref<16x10240xf32, #tpu.memory_space<vmem_shared>> -> memref<1x10240xf32, #tpu.memory_space<vmem_shared>>
      %dma_wait3A_194 = tpu.memref_squeeze %dma_wait3A_193 : memref<1x10240xf32, #tpu.memory_space<vmem_shared>> -> memref<10240xf32, #tpu.memory_space<vmem_shared>>
      %dma_wait3A_195 = tpu.memref_slice %dma_wait3A_194[%mul3A_14] : memref<10240xf32, #tpu.memory_space<vmem_shared>> -> memref<640xf32, #tpu.memory_space<vmem_shared>>
      tpu.wait_dma2 semaphore(%run_scoped3A_167 : memref<!tpu.dma_semaphore, #tpu.memory_space<semaphore_mem>>) src(%dma_wait3A_195 : memref<640xf32, #tpu.memory_space<vmem_shared>>) dst(%dma_wait3A_191 : memref<640xf32, #tpu.memory_space<vmem>>)
      tpu.yield
    }) : () -> ()
    %scan3A_96 = arith.constant 0 : i32
    %scan3A_97 = arith.constant 40 : i32
    %scan3A_98 = arith.addi %scan3A_96, %scan3A_97 : i32
    %scan3A_99 = arith.constant 1 : i32
    scf.for %scan3A_167 = %scan3A_96 to %scan3A_98 step %scan3A_99  : i32 {
      %mul3A_168 = arith.constant 1 : i32
      %mul3A_169 = arith.muli %scan3A_167, %mul3A_168 : i32
      %add3A_170 = arith.constant 0 : i32
      %add3A_171 = arith.addi %add3A_170, %mul3A_169 : i32
      %mul3A_172 = arith.constant 16 : i32
      %mul3A_173 = arith.muli %add3A_171, %mul3A_172 : i32
      %get3A = arith.constant 0 : i32
      %get3A_174 = arith.index_cast %get3A : i32 to index
      %get3A_175 = arith.index_cast %mul3A_173 : i32 to index
      %get3A_176 = tpu.vector_load %arg9[%get3A_174, %get3A_175] {strides = array<i32>} : memref<8x640xf32, #tpu.memory_space<vmem>>, vector<16xf32>,
      %mul3A_177 = arith.constant 16 : i32
      %mul3A_178 = arith.muli %add3A_171, %mul3A_177 : i32
      %get3A_179 = arith.constant 1 : i32
      %get3A_180 = arith.index_cast %get3A_179 : i32 to index
      %get3A_181 = arith.index_cast %mul3A_178 : i32 to index
      %get3A_182 = tpu.vector_load %arg9[%get3A_180, %get3A_181] {strides = array<i32>} : memref<8x640xf32, #tpu.memory_space<vmem>>, vector<16xf32>,
      %add3A_183 = arith.addf %get3A_176, %get3A_182 : vector<16xf32>
      %mul3A_184 = arith.constant 16 : i32
      %mul3A_185 = arith.muli %add3A_171, %mul3A_184 : i32
      %get3A_186 = arith.constant 2 : i32
      %get3A_187 = arith.index_cast %get3A_186 : i32 to index
      %get3A_188 = arith.index_cast %mul3A_185 : i32 to index
      %get3A_189 = tpu.vector_load %arg9[%get3A_187, %get3A_188] {strides = array<i32>} : memref<8x640xf32, #tpu.memory_space<vmem>>, vector<16xf32>,
      %add3A_190 = arith.addf %add3A_183, %get3A_189 : vector<16xf32>
      %mul3A_191 = arith.constant 16 : i32
      %mul3A_192 = arith.muli %add3A_171, %mul3A_191 : i32
      %get3A_193 = arith.constant 3 : i32
      %get3A_194 = arith.index_cast %get3A_193 : i32 to index
      %get3A_195 = arith.index_cast %mul3A_192 : i32 to index
      %get3A_196 = tpu.vector_load %arg9[%get3A_194, %get3A_195] {strides = array<i32>} : memref<8x640xf32, #tpu.memory_space<vmem>>, vector<16xf32>,
      %add3A_197 = arith.addf %add3A_190, %get3A_196 : vector<16xf32>
      %mul3A_198 = arith.constant 16 : i32
      %mul3A_199 = arith.muli %add3A_171, %mul3A_198 : i32
      %get3A_200 = arith.constant 4 : i32
      %get3A_201 = arith.index_cast %get3A_200 : i32 to index
      %get3A_202 = arith.index_cast %mul3A_199 : i32 to index
      %get3A_203 = tpu.vector_load %arg9[%get3A_201, %get3A_202] {strides = array<i32>} : memref<8x640xf32, #tpu.memory_space<vmem>>, vector<16xf32>,
      %add3A_204 = arith.addf %add3A_197, %get3A_203 : vector<16xf32>
      %mul3A_205 = arith.constant 16 : i32
      %mul3A_206 = arith.muli %add3A_171, %mul3A_205 : i32
      %get3A_207 = arith.constant 5 : i32
      %get3A_208 = arith.index_cast %get3A_207 : i32 to index
      %get3A_209 = arith.index_cast %mul3A_206 : i32 to index
      %get3A_210 = tpu.vector_load %arg9[%get3A_208, %get3A_209] {strides = array<i32>} : memref<8x640xf32, #tpu.memory_space<vmem>>, vector<16xf32>,
      %add3A_211 = arith.addf %add3A_204, %get3A_210 : vector<16xf32>
      %mul3A_212 = arith.constant 16 : i32
      %mul3A_213 = arith.muli %add3A_171, %mul3A_212 : i32
      %get3A_214 = arith.constant 6 : i32
      %get3A_215 = arith.index_cast %get3A_214 : i32 to index
      %get3A_216 = arith.index_cast %mul3A_213 : i32 to index
      %get3A_217 = tpu.vector_load %arg9[%get3A_215, %get3A_216] {strides = array<i32>} : memref<8x640xf32, #tpu.memory_space<vmem>>, vector<16xf32>,
      %add3A_218 = arith.addf %add3A_211, %get3A_217 : vector<16xf32>
      %mul3A_219 = arith.constant 16 : i32
      %mul3A_220 = arith.muli %add3A_171, %mul3A_219 : i32
      %get3A_221 = arith.constant 7 : i32
      %get3A_222 = arith.index_cast %get3A_221 : i32 to index
      %get3A_223 = arith.index_cast %mul3A_220 : i32 to index
      %get3A_224 = tpu.vector_load %arg9[%get3A_222, %get3A_223] {strides = array<i32>} : memref<8x640xf32, #tpu.memory_space<vmem>>, vector<16xf32>,
      %add3A_225 = arith.addf %add3A_218, %get3A_224 : vector<16xf32>
      %mul3A_226 = arith.constant 16 : i32
      %mul3A_227 = arith.muli %add3A_171, %mul3A_226 : i32
      %get3A_228 = arith.index_cast %mul3A_227 : i32 to index
      %get3A_229 = tpu.vector_load %arg10[%get3A_228] {strides = array<i32>} : memref<640xf32, #tpu.memory_space<vmem>>, vector<16xf32>,
      %add3A_230 = arith.addf %get3A_229, %add3A_225 : vector<16xf32>
      %mul3A_231 = arith.constant 16 : i32
      %mul3A_232 = arith.muli %add3A_171, %mul3A_231 : i32
      %swap3A = arith.index_cast %mul3A_232 : i32 to index
      %swap3A_233 = tpu.vector_load %arg10[%swap3A] {strides = array<i32>} : memref<640xf32, #tpu.memory_space<vmem>>, vector<16xf32>,
      tpu.vector_store %arg10[%swap3A], %add3A_230 {strides = array<i32>} : memref<640xf32, #tpu.memory_space<vmem>>, vector<16xf32>,
    }
    %scan3A_100 = arith.constant 40 : i32
    %run_scoped3A_101 = arith.constant 8 : i32
    %run_scoped3A_102 = arith.constant 0 : i32
    "tpu.region"() ({
      %run_scoped3A_167 = tpu.sem_alloc : memref<!tpu.dma_semaphore, #tpu.memory_space<semaphore_mem>>
      %dma_start3A_168 = arith.constant 0 : i32
      %dma_start3A_169 = tpu.memref_slice %arg9[%run_scoped3A_102, %dma_start3A_168] : memref<8x640xf32, #tpu.memory_space<vmem>> -> memref<1x640xf32, #tpu.memory_space<vmem>>
      %dma_start3A_170 = tpu.memref_squeeze %dma_start3A_169 : memref<1x640xf32, #tpu.memory_space<vmem>> -> memref<640xf32, #tpu.memory_space<vmem>>
      %dma_start3A_171 = arith.constant 0 : i32
      %dma_start3A_172 = tpu.memref_slice %arg12[%run_scoped3A_101, %dma_start3A_171] : memref<16x10240xf32, #tpu.memory_space<vmem_shared>> -> memref<1x10240xf32, #tpu.memory_space<vmem_shared>>
      %dma_start3A_173 = tpu.memref_squeeze %dma_start3A_172 : memref<1x10240xf32, #tpu.memory_space<vmem_shared>> -> memref<10240xf32, #tpu.memory_space<vmem_shared>>
      %dma_start3A_174 = tpu.memref_slice %dma_start3A_173[%mul3A_14] : memref<10240xf32, #tpu.memory_space<vmem_shared>> -> memref<640xf32, #tpu.memory_space<vmem_shared>>
      %dma_start3A_175 = arith.constant 0 : i32
      %dma_start3A_176 = tpu.memref_slice %arg9[%run_scoped3A_102, %dma_start3A_175] : memref<8x640xf32, #tpu.memory_space<vmem>> -> memref<1x640xf32, #tpu.memory_space<vmem>>
      %dma_start3A_177 = tpu.memref_squeeze %dma_start3A_176 : memref<1x640xf32, #tpu.memory_space<vmem>> -> memref<640xf32, #tpu.memory_space<vmem>>
      %dma_start3A_178 = arith.constant 0 : i32
      %dma_start3A_179 = tpu.memref_slice %arg12[%run_scoped3A_101, %dma_start3A_178] : memref<16x10240xf32, #tpu.memory_space<vmem_shared>> -> memref<1x10240xf32, #tpu.memory_space<vmem_shared>>
      %dma_start3A_180 = tpu.memref_squeeze %dma_start3A_179 : memref<1x10240xf32, #tpu.memory_space<vmem_shared>> -> memref<10240xf32, #tpu.memory_space<vmem_shared>>
      %dma_start3A_181 = tpu.memref_slice %dma_start3A_180[%mul3A_14] : memref<10240xf32, #tpu.memory_space<vmem_shared>> -> memref<640xf32, #tpu.memory_space<vmem_shared>>
      tpu.enqueue_dma source(%dma_start3A_181 : memref<640xf32, #tpu.memory_space<vmem_shared>>) target(%dma_start3A_177 : memref<640xf32, #tpu.memory_space<vmem>>) target_semaphore(%run_scoped3A_167 : memref<!tpu.dma_semaphore, #tpu.memory_space<semaphore_mem>>)
      %dma_wait3A_182 = arith.constant 0 : i32
      %dma_wait3A_183 = tpu.memref_slice %arg9[%run_scoped3A_102, %dma_wait3A_182] : memref<8x640xf32, #tpu.memory_space<vmem>> -> memref<1x640xf32, #tpu.memory_space<vmem>>
      %dma_wait3A_184 = tpu.memref_squeeze %dma_wait3A_183 : memref<1x640xf32, #tpu.memory_space<vmem>> -> memref<640xf32, #tpu.memory_space<vmem>>
      %dma_wait3A_185 = arith.constant 0 : i32
      %dma_wait3A_186 = tpu.memref_slice %arg12[%run_scoped3A_101, %dma_wait3A_185] : memref<16x10240xf32, #tpu.memory_space<vmem_shared>> -> memref<1x10240xf32, #tpu.memory_space<vmem_shared>>
      %dma_wait3A_187 = tpu.memref_squeeze %dma_wait3A_186 : memref<1x10240xf32, #tpu.memory_space<vmem_shared>> -> memref<10240xf32, #tpu.memory_space<vmem_shared>>
      %dma_wait3A_188 = tpu.memref_slice %dma_wait3A_187[%mul3A_14] : memref<10240xf32, #tpu.memory_space<vmem_shared>> -> memref<640xf32, #tpu.memory_space<vmem_shared>>
      %dma_wait3A_189 = arith.constant 0 : i32
      %dma_wait3A_190 = tpu.memref_slice %arg9[%run_scoped3A_102, %dma_wait3A_189] : memref<8x640xf32, #tpu.memory_space<vmem>> -> memref<1x640xf32, #tpu.memory_space<vmem>>
      %dma_wait3A_191 = tpu.memref_squeeze %dma_wait3A_190 : memref<1x640xf32, #tpu.memory_space<vmem>> -> memref<640xf32, #tpu.memory_space<vmem>>
      %dma_wait3A_192 = arith.constant 0 : i32
      %dma_wait3A_193 = tpu.memref_slice %arg12[%run_scoped3A_101, %dma_wait3A_192] : memref<16x10240xf32, #tpu.memory_space<vmem_shared>> -> memref<1x10240xf32, #tpu.memory_space<vmem_shared>>
      %dma_wait3A_194 = tpu.memref_squeeze %dma_wait3A_193 : memref<1x10240xf32, #tpu.memory_space<vmem_shared>> -> memref<10240xf32, #tpu.memory_space<vmem_shared>>
      %dma_wait3A_195 = tpu.memref_slice %dma_wait3A_194[%mul3A_14] : memref<10240xf32, #tpu.memory_space<vmem_shared>> -> memref<640xf32, #tpu.memory_space<vmem_shared>>
      tpu.wait_dma2 semaphore(%run_scoped3A_167 : memref<!tpu.dma_semaphore, #tpu.memory_space<semaphore_mem>>) src(%dma_wait3A_195 : memref<640xf32, #tpu.memory_space<vmem_shared>>) dst(%dma_wait3A_191 : memref<640xf32, #tpu.memory_space<vmem>>)
      tpu.yield
    }) : () -> ()
    %run_scoped3A_103 = arith.constant 9 : i32
    %run_scoped3A_104 = arith.constant 1 : i32
    "tpu.region"() ({
      %run_scoped3A_167 = tpu.sem_alloc : memref<!tpu.dma_semaphore, #tpu.memory_space<semaphore_mem>>
      %dma_start3A_168 = arith.constant 0 : i32
      %dma_start3A_169 = tpu.memref_slice %arg9[%run_scoped3A_104, %dma_start3A_168] : memref<8x640xf32, #tpu.memory_space<vmem>> -> memref<1x640xf32, #tpu.memory_space<vmem>>
      %dma_start3A_170 = tpu.memref_squeeze %dma_start3A_169 : memref<1x640xf32, #tpu.memory_space<vmem>> -> memref<640xf32, #tpu.memory_space<vmem>>
      %dma_start3A_171 = arith.constant 0 : i32
      %dma_start3A_172 = tpu.memref_slice %arg12[%run_scoped3A_103, %dma_start3A_171] : memref<16x10240xf32, #tpu.memory_space<vmem_shared>> -> memref<1x10240xf32, #tpu.memory_space<vmem_shared>>
      %dma_start3A_173 = tpu.memref_squeeze %dma_start3A_172 : memref<1x10240xf32, #tpu.memory_space<vmem_shared>> -> memref<10240xf32, #tpu.memory_space<vmem_shared>>
      %dma_start3A_174 = tpu.memref_slice %dma_start3A_173[%mul3A_14] : memref<10240xf32, #tpu.memory_space<vmem_shared>> -> memref<640xf32, #tpu.memory_space<vmem_shared>>
      %dma_start3A_175 = arith.constant 0 : i32
      %dma_start3A_176 = tpu.memref_slice %arg9[%run_scoped3A_104, %dma_start3A_175] : memref<8x640xf32, #tpu.memory_space<vmem>> -> memref<1x640xf32, #tpu.memory_space<vmem>>
      %dma_start3A_177 = tpu.memref_squeeze %dma_start3A_176 : memref<1x640xf32, #tpu.memory_space<vmem>> -> memref<640xf32, #tpu.memory_space<vmem>>
      %dma_start3A_178 = arith.constant 0 : i32
      %dma_start3A_179 = tpu.memref_slice %arg12[%run_scoped3A_103, %dma_start3A_178] : memref<16x10240xf32, #tpu.memory_space<vmem_shared>> -> memref<1x10240xf32, #tpu.memory_space<vmem_shared>>
      %dma_start3A_180 = tpu.memref_squeeze %dma_start3A_179 : memref<1x10240xf32, #tpu.memory_space<vmem_shared>> -> memref<10240xf32, #tpu.memory_space<vmem_shared>>
      %dma_start3A_181 = tpu.memref_slice %dma_start3A_180[%mul3A_14] : memref<10240xf32, #tpu.memory_space<vmem_shared>> -> memref<640xf32, #tpu.memory_space<vmem_shared>>
      tpu.enqueue_dma source(%dma_start3A_181 : memref<640xf32, #tpu.memory_space<vmem_shared>>) target(%dma_start3A_177 : memref<640xf32, #tpu.memory_space<vmem>>) target_semaphore(%run_scoped3A_167 : memref<!tpu.dma_semaphore, #tpu.memory_space<semaphore_mem>>)
      %dma_wait3A_182 = arith.constant 0 : i32
      %dma_wait3A_183 = tpu.memref_slice %arg9[%run_scoped3A_104, %dma_wait3A_182] : memref<8x640xf32, #tpu.memory_space<vmem>> -> memref<1x640xf32, #tpu.memory_space<vmem>>
      %dma_wait3A_184 = tpu.memref_squeeze %dma_wait3A_183 : memref<1x640xf32, #tpu.memory_space<vmem>> -> memref<640xf32, #tpu.memory_space<vmem>>
      %dma_wait3A_185 = arith.constant 0 : i32
      %dma_wait3A_186 = tpu.memref_slice %arg12[%run_scoped3A_103, %dma_wait3A_185] : memref<16x10240xf32, #tpu.memory_space<vmem_shared>> -> memref<1x10240xf32, #tpu.memory_space<vmem_shared>>
      %dma_wait3A_187 = tpu.memref_squeeze %dma_wait3A_186 : memref<1x10240xf32, #tpu.memory_space<vmem_shared>> -> memref<10240xf32, #tpu.memory_space<vmem_shared>>
      %dma_wait3A_188 = tpu.memref_slice %dma_wait3A_187[%mul3A_14] : memref<10240xf32, #tpu.memory_space<vmem_shared>> -> memref<640xf32, #tpu.memory_space<vmem_shared>>
      %dma_wait3A_189 = arith.constant 0 : i32
      %dma_wait3A_190 = tpu.memref_slice %arg9[%run_scoped3A_104, %dma_wait3A_189] : memref<8x640xf32, #tpu.memory_space<vmem>> -> memref<1x640xf32, #tpu.memory_space<vmem>>
      %dma_wait3A_191 = tpu.memref_squeeze %dma_wait3A_190 : memref<1x640xf32, #tpu.memory_space<vmem>> -> memref<640xf32, #tpu.memory_space<vmem>>
      %dma_wait3A_192 = arith.constant 0 : i32
      %dma_wait3A_193 = tpu.memref_slice %arg12[%run_scoped3A_103, %dma_wait3A_192] : memref<16x10240xf32, #tpu.memory_space<vmem_shared>> -> memref<1x10240xf32, #tpu.memory_space<vmem_shared>>
      %dma_wait3A_194 = tpu.memref_squeeze %dma_wait3A_193 : memref<1x10240xf32, #tpu.memory_space<vmem_shared>> -> memref<10240xf32, #tpu.memory_space<vmem_shared>>
      %dma_wait3A_195 = tpu.memref_slice %dma_wait3A_194[%mul3A_14] : memref<10240xf32, #tpu.memory_space<vmem_shared>> -> memref<640xf32, #tpu.memory_space<vmem_shared>>
      tpu.wait_dma2 semaphore(%run_scoped3A_167 : memref<!tpu.dma_semaphore, #tpu.memory_space<semaphore_mem>>) src(%dma_wait3A_195 : memref<640xf32, #tpu.memory_space<vmem_shared>>) dst(%dma_wait3A_191 : memref<640xf32, #tpu.memory_space<vmem>>)
      tpu.yield
    }) : () -> ()
    %run_scoped3A_105 = arith.constant 10 : i32
    %run_scoped3A_106 = arith.constant 2 : i32
    "tpu.region"() ({
      %run_scoped3A_167 = tpu.sem_alloc : memref<!tpu.dma_semaphore, #tpu.memory_space<semaphore_mem>>
      %dma_start3A_168 = arith.constant 0 : i32
      %dma_start3A_169 = tpu.memref_slice %arg9[%run_scoped3A_106, %dma_start3A_168] : memref<8x640xf32, #tpu.memory_space<vmem>> -> memref<1x640xf32, #tpu.memory_space<vmem>>
      %dma_start3A_170 = tpu.memref_squeeze %dma_start3A_169 : memref<1x640xf32, #tpu.memory_space<vmem>> -> memref<640xf32, #tpu.memory_space<vmem>>
      %dma_start3A_171 = arith.constant 0 : i32
      %dma_start3A_172 = tpu.memref_slice %arg12[%run_scoped3A_105, %dma_start3A_171] : memref<16x10240xf32, #tpu.memory_space<vmem_shared>> -> memref<1x10240xf32, #tpu.memory_space<vmem_shared>>
      %dma_start3A_173 = tpu.memref_squeeze %dma_start3A_172 : memref<1x10240xf32, #tpu.memory_space<vmem_shared>> -> memref<10240xf32, #tpu.memory_space<vmem_shared>>
      %dma_start3A_174 = tpu.memref_slice %dma_start3A_173[%mul3A_14] : memref<10240xf32, #tpu.memory_space<vmem_shared>> -> memref<640xf32, #tpu.memory_space<vmem_shared>>
      %dma_start3A_175 = arith.constant 0 : i32
      %dma_start3A_176 = tpu.memref_slice %arg9[%run_scoped3A_106, %dma_start3A_175] : memref<8x640xf32, #tpu.memory_space<vmem>> -> memref<1x640xf32, #tpu.memory_space<vmem>>
      %dma_start3A_177 = tpu.memref_squeeze %dma_start3A_176 : memref<1x640xf32, #tpu.memory_space<vmem>> -> memref<640xf32, #tpu.memory_space<vmem>>
      %dma_start3A_178 = arith.constant 0 : i32
      %dma_start3A_179 = tpu.memref_slice %arg12[%run_scoped3A_105, %dma_start3A_178] : memref<16x10240xf32, #tpu.memory_space<vmem_shared>> -> memref<1x10240xf32, #tpu.memory_space<vmem_shared>>
      %dma_start3A_180 = tpu.memref_squeeze %dma_start3A_179 : memref<1x10240xf32, #tpu.memory_space<vmem_shared>> -> memref<10240xf32, #tpu.memory_space<vmem_shared>>
      %dma_start3A_181 = tpu.memref_slice %dma_start3A_180[%mul3A_14] : memref<10240xf32, #tpu.memory_space<vmem_shared>> -> memref<640xf32, #tpu.memory_space<vmem_shared>>
      tpu.enqueue_dma source(%dma_start3A_181 : memref<640xf32, #tpu.memory_space<vmem_shared>>) target(%dma_start3A_177 : memref<640xf32, #tpu.memory_space<vmem>>) target_semaphore(%run_scoped3A_167 : memref<!tpu.dma_semaphore, #tpu.memory_space<semaphore_mem>>)
      %dma_wait3A_182 = arith.constant 0 : i32
      %dma_wait3A_183 = tpu.memref_slice %arg9[%run_scoped3A_106, %dma_wait3A_182] : memref<8x640xf32, #tpu.memory_space<vmem>> -> memref<1x640xf32, #tpu.memory_space<vmem>>
      %dma_wait3A_184 = tpu.memref_squeeze %dma_wait3A_183 : memref<1x640xf32, #tpu.memory_space<vmem>> -> memref<640xf32, #tpu.memory_space<vmem>>
      %dma_wait3A_185 = arith.constant 0 : i32
      %dma_wait3A_186 = tpu.memref_slice %arg12[%run_scoped3A_105, %dma_wait3A_185] : memref<16x10240xf32, #tpu.memory_space<vmem_shared>> -> memref<1x10240xf32, #tpu.memory_space<vmem_shared>>
      %dma_wait3A_187 = tpu.memref_squeeze %dma_wait3A_186 : memref<1x10240xf32, #tpu.memory_space<vmem_shared>> -> memref<10240xf32, #tpu.memory_space<vmem_shared>>
      %dma_wait3A_188 = tpu.memref_slice %dma_wait3A_187[%mul3A_14] : memref<10240xf32, #tpu.memory_space<vmem_shared>> -> memref<640xf32, #tpu.memory_space<vmem_shared>>
      %dma_wait3A_189 = arith.constant 0 : i32
      %dma_wait3A_190 = tpu.memref_slice %arg9[%run_scoped3A_106, %dma_wait3A_189] : memref<8x640xf32, #tpu.memory_space<vmem>> -> memref<1x640xf32, #tpu.memory_space<vmem>>
      %dma_wait3A_191 = tpu.memref_squeeze %dma_wait3A_190 : memref<1x640xf32, #tpu.memory_space<vmem>> -> memref<640xf32, #tpu.memory_space<vmem>>
      %dma_wait3A_192 = arith.constant 0 : i32
      %dma_wait3A_193 = tpu.memref_slice %arg12[%run_scoped3A_105, %dma_wait3A_192] : memref<16x10240xf32, #tpu.memory_space<vmem_shared>> -> memref<1x10240xf32, #tpu.memory_space<vmem_shared>>
      %dma_wait3A_194 = tpu.memref_squeeze %dma_wait3A_193 : memref<1x10240xf32, #tpu.memory_space<vmem_shared>> -> memref<10240xf32, #tpu.memory_space<vmem_shared>>
      %dma_wait3A_195 = tpu.memref_slice %dma_wait3A_194[%mul3A_14] : memref<10240xf32, #tpu.memory_space<vmem_shared>> -> memref<640xf32, #tpu.memory_space<vmem_shared>>
      tpu.wait_dma2 semaphore(%run_scoped3A_167 : memref<!tpu.dma_semaphore, #tpu.memory_space<semaphore_mem>>) src(%dma_wait3A_195 : memref<640xf32, #tpu.memory_space<vmem_shared>>) dst(%dma_wait3A_191 : memref<640xf32, #tpu.memory_space<vmem>>)
      tpu.yield
    }) : () -> ()
    %run_scoped3A_107 = arith.constant 11 : i32
    %run_scoped3A_108 = arith.constant 3 : i32
    "tpu.region"() ({
      %run_scoped3A_167 = tpu.sem_alloc : memref<!tpu.dma_semaphore, #tpu.memory_space<semaphore_mem>>
      %dma_start3A_168 = arith.constant 0 : i32
      %dma_start3A_169 = tpu.memref_slice %arg9[%run_scoped3A_108, %dma_start3A_168] : memref<8x640xf32, #tpu.memory_space<vmem>> -> memref<1x640xf32, #tpu.memory_space<vmem>>
      %dma_start3A_170 = tpu.memref_squeeze %dma_start3A_169 : memref<1x640xf32, #tpu.memory_space<vmem>> -> memref<640xf32, #tpu.memory_space<vmem>>
      %dma_start3A_171 = arith.constant 0 : i32
      %dma_start3A_172 = tpu.memref_slice %arg12[%run_scoped3A_107, %dma_start3A_171] : memref<16x10240xf32, #tpu.memory_space<vmem_shared>> -> memref<1x10240xf32, #tpu.memory_space<vmem_shared>>
      %dma_start3A_173 = tpu.memref_squeeze %dma_start3A_172 : memref<1x10240xf32, #tpu.memory_space<vmem_shared>> -> memref<10240xf32, #tpu.memory_space<vmem_shared>>
      %dma_start3A_174 = tpu.memref_slice %dma_start3A_173[%mul3A_14] : memref<10240xf32, #tpu.memory_space<vmem_shared>> -> memref<640xf32, #tpu.memory_space<vmem_shared>>
      %dma_start3A_175 = arith.constant 0 : i32
      %dma_start3A_176 = tpu.memref_slice %arg9[%run_scoped3A_108, %dma_start3A_175] : memref<8x640xf32, #tpu.memory_space<vmem>> -> memref<1x640xf32, #tpu.memory_space<vmem>>
      %dma_start3A_177 = tpu.memref_squeeze %dma_start3A_176 : memref<1x640xf32, #tpu.memory_space<vmem>> -> memref<640xf32, #tpu.memory_space<vmem>>
      %dma_start3A_178 = arith.constant 0 : i32
      %dma_start3A_179 = tpu.memref_slice %arg12[%run_scoped3A_107, %dma_start3A_178] : memref<16x10240xf32, #tpu.memory_space<vmem_shared>> -> memref<1x10240xf32, #tpu.memory_space<vmem_shared>>
      %dma_start3A_180 = tpu.memref_squeeze %dma_start3A_179 : memref<1x10240xf32, #tpu.memory_space<vmem_shared>> -> memref<10240xf32, #tpu.memory_space<vmem_shared>>
      %dma_start3A_181 = tpu.memref_slice %dma_start3A_180[%mul3A_14] : memref<10240xf32, #tpu.memory_space<vmem_shared>> -> memref<640xf32, #tpu.memory_space<vmem_shared>>
      tpu.enqueue_dma source(%dma_start3A_181 : memref<640xf32, #tpu.memory_space<vmem_shared>>) target(%dma_start3A_177 : memref<640xf32, #tpu.memory_space<vmem>>) target_semaphore(%run_scoped3A_167 : memref<!tpu.dma_semaphore, #tpu.memory_space<semaphore_mem>>)
      %dma_wait3A_182 = arith.constant 0 : i32
      %dma_wait3A_183 = tpu.memref_slice %arg9[%run_scoped3A_108, %dma_wait3A_182] : memref<8x640xf32, #tpu.memory_space<vmem>> -> memref<1x640xf32, #tpu.memory_space<vmem>>
      %dma_wait3A_184 = tpu.memref_squeeze %dma_wait3A_183 : memref<1x640xf32, #tpu.memory_space<vmem>> -> memref<640xf32, #tpu.memory_space<vmem>>
      %dma_wait3A_185 = arith.constant 0 : i32
      %dma_wait3A_186 = tpu.memref_slice %arg12[%run_scoped3A_107, %dma_wait3A_185] : memref<16x10240xf32, #tpu.memory_space<vmem_shared>> -> memref<1x10240xf32, #tpu.memory_space<vmem_shared>>
      %dma_wait3A_187 = tpu.memref_squeeze %dma_wait3A_186 : memref<1x10240xf32, #tpu.memory_space<vmem_shared>> -> memref<10240xf32, #tpu.memory_space<vmem_shared>>
      %dma_wait3A_188 = tpu.memref_slice %dma_wait3A_187[%mul3A_14] : memref<10240xf32, #tpu.memory_space<vmem_shared>> -> memref<640xf32, #tpu.memory_space<vmem_shared>>
      %dma_wait3A_189 = arith.constant 0 : i32
      %dma_wait3A_190 = tpu.memref_slice %arg9[%run_scoped3A_108, %dma_wait3A_189] : memref<8x640xf32, #tpu.memory_space<vmem>> -> memref<1x640xf32, #tpu.memory_space<vmem>>
      %dma_wait3A_191 = tpu.memref_squeeze %dma_wait3A_190 : memref<1x640xf32, #tpu.memory_space<vmem>> -> memref<640xf32, #tpu.memory_space<vmem>>
      %dma_wait3A_192 = arith.constant 0 : i32
      %dma_wait3A_193 = tpu.memref_slice %arg12[%run_scoped3A_107, %dma_wait3A_192] : memref<16x10240xf32, #tpu.memory_space<vmem_shared>> -> memref<1x10240xf32, #tpu.memory_space<vmem_shared>>
      %dma_wait3A_194 = tpu.memref_squeeze %dma_wait3A_193 : memref<1x10240xf32, #tpu.memory_space<vmem_shared>> -> memref<10240xf32, #tpu.memory_space<vmem_shared>>
      %dma_wait3A_195 = tpu.memref_slice %dma_wait3A_194[%mul3A_14] : memref<10240xf32, #tpu.memory_space<vmem_shared>> -> memref<640xf32, #tpu.memory_space<vmem_shared>>
      tpu.wait_dma2 semaphore(%run_scoped3A_167 : memref<!tpu.dma_semaphore, #tpu.memory_space<semaphore_mem>>) src(%dma_wait3A_195 : memref<640xf32, #tpu.memory_space<vmem_shared>>) dst(%dma_wait3A_191 : memref<640xf32, #tpu.memory_space<vmem>>)
      tpu.yield
    }) : () -> ()
    %run_scoped3A_109 = arith.constant 12 : i32
    %run_scoped3A_110 = arith.constant 4 : i32
    "tpu.region"() ({
      %run_scoped3A_167 = tpu.sem_alloc : memref<!tpu.dma_semaphore, #tpu.memory_space<semaphore_mem>>
      %dma_start3A_168 = arith.constant 0 : i32
      %dma_start3A_169 = tpu.memref_slice %arg9[%run_scoped3A_110, %dma_start3A_168] : memref<8x640xf32, #tpu.memory_space<vmem>> -> memref<1x640xf32, #tpu.memory_space<vmem>>
      %dma_start3A_170 = tpu.memref_squeeze %dma_start3A_169 : memref<1x640xf32, #tpu.memory_space<vmem>> -> memref<640xf32, #tpu.memory_space<vmem>>
      %dma_start3A_171 = arith.constant 0 : i32
      %dma_start3A_172 = tpu.memref_slice %arg12[%run_scoped3A_109, %dma_start3A_171] : memref<16x10240xf32, #tpu.memory_space<vmem_shared>> -> memref<1x10240xf32, #tpu.memory_space<vmem_shared>>
      %dma_start3A_173 = tpu.memref_squeeze %dma_start3A_172 : memref<1x10240xf32, #tpu.memory_space<vmem_shared>> -> memref<10240xf32, #tpu.memory_space<vmem_shared>>
      %dma_start3A_174 = tpu.memref_slice %dma_start3A_173[%mul3A_14] : memref<10240xf32, #tpu.memory_space<vmem_shared>> -> memref<640xf32, #tpu.memory_space<vmem_shared>>
      %dma_start3A_175 = arith.constant 0 : i32
      %dma_start3A_176 = tpu.memref_slice %arg9[%run_scoped3A_110, %dma_start3A_175] : memref<8x640xf32, #tpu.memory_space<vmem>> -> memref<1x640xf32, #tpu.memory_space<vmem>>
      %dma_start3A_177 = tpu.memref_squeeze %dma_start3A_176 : memref<1x640xf32, #tpu.memory_space<vmem>> -> memref<640xf32, #tpu.memory_space<vmem>>
      %dma_start3A_178 = arith.constant 0 : i32
      %dma_start3A_179 = tpu.memref_slice %arg12[%run_scoped3A_109, %dma_start3A_178] : memref<16x10240xf32, #tpu.memory_space<vmem_shared>> -> memref<1x10240xf32, #tpu.memory_space<vmem_shared>>
      %dma_start3A_180 = tpu.memref_squeeze %dma_start3A_179 : memref<1x10240xf32, #tpu.memory_space<vmem_shared>> -> memref<10240xf32, #tpu.memory_space<vmem_shared>>
      %dma_start3A_181 = tpu.memref_slice %dma_start3A_180[%mul3A_14] : memref<10240xf32, #tpu.memory_space<vmem_shared>> -> memref<640xf32, #tpu.memory_space<vmem_shared>>
      tpu.enqueue_dma source(%dma_start3A_181 : memref<640xf32, #tpu.memory_space<vmem_shared>>) target(%dma_start3A_177 : memref<640xf32, #tpu.memory_space<vmem>>) target_semaphore(%run_scoped3A_167 : memref<!tpu.dma_semaphore, #tpu.memory_space<semaphore_mem>>)
      %dma_wait3A_182 = arith.constant 0 : i32
      %dma_wait3A_183 = tpu.memref_slice %arg9[%run_scoped3A_110, %dma_wait3A_182] : memref<8x640xf32, #tpu.memory_space<vmem>> -> memref<1x640xf32, #tpu.memory_space<vmem>>
      %dma_wait3A_184 = tpu.memref_squeeze %dma_wait3A_183 : memref<1x640xf32, #tpu.memory_space<vmem>> -> memref<640xf32, #tpu.memory_space<vmem>>
      %dma_wait3A_185 = arith.constant 0 : i32
      %dma_wait3A_186 = tpu.memref_slice %arg12[%run_scoped3A_109, %dma_wait3A_185] : memref<16x10240xf32, #tpu.memory_space<vmem_shared>> -> memref<1x10240xf32, #tpu.memory_space<vmem_shared>>
      %dma_wait3A_187 = tpu.memref_squeeze %dma_wait3A_186 : memref<1x10240xf32, #tpu.memory_space<vmem_shared>> -> memref<10240xf32, #tpu.memory_space<vmem_shared>>
      %dma_wait3A_188 = tpu.memref_slice %dma_wait3A_187[%mul3A_14] : memref<10240xf32, #tpu.memory_space<vmem_shared>> -> memref<640xf32, #tpu.memory_space<vmem_shared>>
      %dma_wait3A_189 = arith.constant 0 : i32
      %dma_wait3A_190 = tpu.memref_slice %arg9[%run_scoped3A_110, %dma_wait3A_189] : memref<8x640xf32, #tpu.memory_space<vmem>> -> memref<1x640xf32, #tpu.memory_space<vmem>>
      %dma_wait3A_191 = tpu.memref_squeeze %dma_wait3A_190 : memref<1x640xf32, #tpu.memory_space<vmem>> -> memref<640xf32, #tpu.memory_space<vmem>>
      %dma_wait3A_192 = arith.constant 0 : i32
      %dma_wait3A_193 = tpu.memref_slice %arg12[%run_scoped3A_109, %dma_wait3A_192] : memref<16x10240xf32, #tpu.memory_space<vmem_shared>> -> memref<1x10240xf32, #tpu.memory_space<vmem_shared>>
      %dma_wait3A_194 = tpu.memref_squeeze %dma_wait3A_193 : memref<1x10240xf32, #tpu.memory_space<vmem_shared>> -> memref<10240xf32, #tpu.memory_space<vmem_shared>>
      %dma_wait3A_195 = tpu.memref_slice %dma_wait3A_194[%mul3A_14] : memref<10240xf32, #tpu.memory_space<vmem_shared>> -> memref<640xf32, #tpu.memory_space<vmem_shared>>
      tpu.wait_dma2 semaphore(%run_scoped3A_167 : memref<!tpu.dma_semaphore, #tpu.memory_space<semaphore_mem>>) src(%dma_wait3A_195 : memref<640xf32, #tpu.memory_space<vmem_shared>>) dst(%dma_wait3A_191 : memref<640xf32, #tpu.memory_space<vmem>>)
      tpu.yield
    }) : () -> ()
    %run_scoped3A_111 = arith.constant 13 : i32
    %run_scoped3A_112 = arith.constant 5 : i32
    "tpu.region"() ({
      %run_scoped3A_167 = tpu.sem_alloc : memref<!tpu.dma_semaphore, #tpu.memory_space<semaphore_mem>>
      %dma_start3A_168 = arith.constant 0 : i32
      %dma_start3A_169 = tpu.memref_slice %arg9[%run_scoped3A_112, %dma_start3A_168] : memref<8x640xf32, #tpu.memory_space<vmem>> -> memref<1x640xf32, #tpu.memory_space<vmem>>
      %dma_start3A_170 = tpu.memref_squeeze %dma_start3A_169 : memref<1x640xf32, #tpu.memory_space<vmem>> -> memref<640xf32, #tpu.memory_space<vmem>>
      %dma_start3A_171 = arith.constant 0 : i32
      %dma_start3A_172 = tpu.memref_slice %arg12[%run_scoped3A_111, %dma_start3A_171] : memref<16x10240xf32, #tpu.memory_space<vmem_shared>> -> memref<1x10240xf32, #tpu.memory_space<vmem_shared>>
      %dma_start3A_173 = tpu.memref_squeeze %dma_start3A_172 : memref<1x10240xf32, #tpu.memory_space<vmem_shared>> -> memref<10240xf32, #tpu.memory_space<vmem_shared>>
      %dma_start3A_174 = tpu.memref_slice %dma_start3A_173[%mul3A_14] : memref<10240xf32, #tpu.memory_space<vmem_shared>> -> memref<640xf32, #tpu.memory_space<vmem_shared>>
      %dma_start3A_175 = arith.constant 0 : i32
      %dma_start3A_176 = tpu.memref_slice %arg9[%run_scoped3A_112, %dma_start3A_175] : memref<8x640xf32, #tpu.memory_space<vmem>> -> memref<1x640xf32, #tpu.memory_space<vmem>>
      %dma_start3A_177 = tpu.memref_squeeze %dma_start3A_176 : memref<1x640xf32, #tpu.memory_space<vmem>> -> memref<640xf32, #tpu.memory_space<vmem>>
      %dma_start3A_178 = arith.constant 0 : i32
      %dma_start3A_179 = tpu.memref_slice %arg12[%run_scoped3A_111, %dma_start3A_178] : memref<16x10240xf32, #tpu.memory_space<vmem_shared>> -> memref<1x10240xf32, #tpu.memory_space<vmem_shared>>
      %dma_start3A_180 = tpu.memref_squeeze %dma_start3A_179 : memref<1x10240xf32, #tpu.memory_space<vmem_shared>> -> memref<10240xf32, #tpu.memory_space<vmem_shared>>
      %dma_start3A_181 = tpu.memref_slice %dma_start3A_180[%mul3A_14] : memref<10240xf32, #tpu.memory_space<vmem_shared>> -> memref<640xf32, #tpu.memory_space<vmem_shared>>
      tpu.enqueue_dma source(%dma_start3A_181 : memref<640xf32, #tpu.memory_space<vmem_shared>>) target(%dma_start3A_177 : memref<640xf32, #tpu.memory_space<vmem>>) target_semaphore(%run_scoped3A_167 : memref<!tpu.dma_semaphore, #tpu.memory_space<semaphore_mem>>)
      %dma_wait3A_182 = arith.constant 0 : i32
      %dma_wait3A_183 = tpu.memref_slice %arg9[%run_scoped3A_112, %dma_wait3A_182] : memref<8x640xf32, #tpu.memory_space<vmem>> -> memref<1x640xf32, #tpu.memory_space<vmem>>
      %dma_wait3A_184 = tpu.memref_squeeze %dma_wait3A_183 : memref<1x640xf32, #tpu.memory_space<vmem>> -> memref<640xf32, #tpu.memory_space<vmem>>
      %dma_wait3A_185 = arith.constant 0 : i32
      %dma_wait3A_186 = tpu.memref_slice %arg12[%run_scoped3A_111, %dma_wait3A_185] : memref<16x10240xf32, #tpu.memory_space<vmem_shared>> -> memref<1x10240xf32, #tpu.memory_space<vmem_shared>>
      %dma_wait3A_187 = tpu.memref_squeeze %dma_wait3A_186 : memref<1x10240xf32, #tpu.memory_space<vmem_shared>> -> memref<10240xf32, #tpu.memory_space<vmem_shared>>
      %dma_wait3A_188 = tpu.memref_slice %dma_wait3A_187[%mul3A_14] : memref<10240xf32, #tpu.memory_space<vmem_shared>> -> memref<640xf32, #tpu.memory_space<vmem_shared>>
      %dma_wait3A_189 = arith.constant 0 : i32
      %dma_wait3A_190 = tpu.memref_slice %arg9[%run_scoped3A_112, %dma_wait3A_189] : memref<8x640xf32, #tpu.memory_space<vmem>> -> memref<1x640xf32, #tpu.memory_space<vmem>>
      %dma_wait3A_191 = tpu.memref_squeeze %dma_wait3A_190 : memref<1x640xf32, #tpu.memory_space<vmem>> -> memref<640xf32, #tpu.memory_space<vmem>>
      %dma_wait3A_192 = arith.constant 0 : i32
      %dma_wait3A_193 = tpu.memref_slice %arg12[%run_scoped3A_111, %dma_wait3A_192] : memref<16x10240xf32, #tpu.memory_space<vmem_shared>> -> memref<1x10240xf32, #tpu.memory_space<vmem_shared>>
      %dma_wait3A_194 = tpu.memref_squeeze %dma_wait3A_193 : memref<1x10240xf32, #tpu.memory_space<vmem_shared>> -> memref<10240xf32, #tpu.memory_space<vmem_shared>>
      %dma_wait3A_195 = tpu.memref_slice %dma_wait3A_194[%mul3A_14] : memref<10240xf32, #tpu.memory_space<vmem_shared>> -> memref<640xf32, #tpu.memory_space<vmem_shared>>
      tpu.wait_dma2 semaphore(%run_scoped3A_167 : memref<!tpu.dma_semaphore, #tpu.memory_space<semaphore_mem>>) src(%dma_wait3A_195 : memref<640xf32, #tpu.memory_space<vmem_shared>>) dst(%dma_wait3A_191 : memref<640xf32, #tpu.memory_space<vmem>>)
      tpu.yield
    }) : () -> ()
    %run_scoped3A_113 = arith.constant 14 : i32
    %run_scoped3A_114 = arith.constant 6 : i32
    "tpu.region"() ({
      %run_scoped3A_167 = tpu.sem_alloc : memref<!tpu.dma_semaphore, #tpu.memory_space<semaphore_mem>>
      %dma_start3A_168 = arith.constant 0 : i32
      %dma_start3A_169 = tpu.memref_slice %arg9[%run_scoped3A_114, %dma_start3A_168] : memref<8x640xf32, #tpu.memory_space<vmem>> -> memref<1x640xf32, #tpu.memory_space<vmem>>
      %dma_start3A_170 = tpu.memref_squeeze %dma_start3A_169 : memref<1x640xf32, #tpu.memory_space<vmem>> -> memref<640xf32, #tpu.memory_space<vmem>>
      %dma_start3A_171 = arith.constant 0 : i32
      %dma_start3A_172 = tpu.memref_slice %arg12[%run_scoped3A_113, %dma_start3A_171] : memref<16x10240xf32, #tpu.memory_space<vmem_shared>> -> memref<1x10240xf32, #tpu.memory_space<vmem_shared>>
      %dma_start3A_173 = tpu.memref_squeeze %dma_start3A_172 : memref<1x10240xf32, #tpu.memory_space<vmem_shared>> -> memref<10240xf32, #tpu.memory_space<vmem_shared>>
      %dma_start3A_174 = tpu.memref_slice %dma_start3A_173[%mul3A_14] : memref<10240xf32, #tpu.memory_space<vmem_shared>> -> memref<640xf32, #tpu.memory_space<vmem_shared>>
      %dma_start3A_175 = arith.constant 0 : i32
      %dma_start3A_176 = tpu.memref_slice %arg9[%run_scoped3A_114, %dma_start3A_175] : memref<8x640xf32, #tpu.memory_space<vmem>> -> memref<1x640xf32, #tpu.memory_space<vmem>>
      %dma_start3A_177 = tpu.memref_squeeze %dma_start3A_176 : memref<1x640xf32, #tpu.memory_space<vmem>> -> memref<640xf32, #tpu.memory_space<vmem>>
      %dma_start3A_178 = arith.constant 0 : i32
      %dma_start3A_179 = tpu.memref_slice %arg12[%run_scoped3A_113, %dma_start3A_178] : memref<16x10240xf32, #tpu.memory_space<vmem_shared>> -> memref<1x10240xf32, #tpu.memory_space<vmem_shared>>
      %dma_start3A_180 = tpu.memref_squeeze %dma_start3A_179 : memref<1x10240xf32, #tpu.memory_space<vmem_shared>> -> memref<10240xf32, #tpu.memory_space<vmem_shared>>
      %dma_start3A_181 = tpu.memref_slice %dma_start3A_180[%mul3A_14] : memref<10240xf32, #tpu.memory_space<vmem_shared>> -> memref<640xf32, #tpu.memory_space<vmem_shared>>
      tpu.enqueue_dma source(%dma_start3A_181 : memref<640xf32, #tpu.memory_space<vmem_shared>>) target(%dma_start3A_177 : memref<640xf32, #tpu.memory_space<vmem>>) target_semaphore(%run_scoped3A_167 : memref<!tpu.dma_semaphore, #tpu.memory_space<semaphore_mem>>)
      %dma_wait3A_182 = arith.constant 0 : i32
      %dma_wait3A_183 = tpu.memref_slice %arg9[%run_scoped3A_114, %dma_wait3A_182] : memref<8x640xf32, #tpu.memory_space<vmem>> -> memref<1x640xf32, #tpu.memory_space<vmem>>
      %dma_wait3A_184 = tpu.memref_squeeze %dma_wait3A_183 : memref<1x640xf32, #tpu.memory_space<vmem>> -> memref<640xf32, #tpu.memory_space<vmem>>
      %dma_wait3A_185 = arith.constant 0 : i32
      %dma_wait3A_186 = tpu.memref_slice %arg12[%run_scoped3A_113, %dma_wait3A_185] : memref<16x10240xf32, #tpu.memory_space<vmem_shared>> -> memref<1x10240xf32, #tpu.memory_space<vmem_shared>>
      %dma_wait3A_187 = tpu.memref_squeeze %dma_wait3A_186 : memref<1x10240xf32, #tpu.memory_space<vmem_shared>> -> memref<10240xf32, #tpu.memory_space<vmem_shared>>
      %dma_wait3A_188 = tpu.memref_slice %dma_wait3A_187[%mul3A_14] : memref<10240xf32, #tpu.memory_space<vmem_shared>> -> memref<640xf32, #tpu.memory_space<vmem_shared>>
      %dma_wait3A_189 = arith.constant 0 : i32
      %dma_wait3A_190 = tpu.memref_slice %arg9[%run_scoped3A_114, %dma_wait3A_189] : memref<8x640xf32, #tpu.memory_space<vmem>> -> memref<1x640xf32, #tpu.memory_space<vmem>>
      %dma_wait3A_191 = tpu.memref_squeeze %dma_wait3A_190 : memref<1x640xf32, #tpu.memory_space<vmem>> -> memref<640xf32, #tpu.memory_space<vmem>>
      %dma_wait3A_192 = arith.constant 0 : i32
      %dma_wait3A_193 = tpu.memref_slice %arg12[%run_scoped3A_113, %dma_wait3A_192] : memref<16x10240xf32, #tpu.memory_space<vmem_shared>> -> memref<1x10240xf32, #tpu.memory_space<vmem_shared>>
      %dma_wait3A_194 = tpu.memref_squeeze %dma_wait3A_193 : memref<1x10240xf32, #tpu.memory_space<vmem_shared>> -> memref<10240xf32, #tpu.memory_space<vmem_shared>>
      %dma_wait3A_195 = tpu.memref_slice %dma_wait3A_194[%mul3A_14] : memref<10240xf32, #tpu.memory_space<vmem_shared>> -> memref<640xf32, #tpu.memory_space<vmem_shared>>
      tpu.wait_dma2 semaphore(%run_scoped3A_167 : memref<!tpu.dma_semaphore, #tpu.memory_space<semaphore_mem>>) src(%dma_wait3A_195 : memref<640xf32, #tpu.memory_space<vmem_shared>>) dst(%dma_wait3A_191 : memref<640xf32, #tpu.memory_space<vmem>>)
      tpu.yield
    }) : () -> ()
    %run_scoped3A_115 = arith.constant 15 : i32
    %run_scoped3A_116 = arith.constant 7 : i32
    "tpu.region"() ({
      %run_scoped3A_167 = tpu.sem_alloc : memref<!tpu.dma_semaphore, #tpu.memory_space<semaphore_mem>>
      %dma_start3A_168 = arith.constant 0 : i32
      %dma_start3A_169 = tpu.memref_slice %arg9[%run_scoped3A_116, %dma_start3A_168] : memref<8x640xf32, #tpu.memory_space<vmem>> -> memref<1x640xf32, #tpu.memory_space<vmem>>
      %dma_start3A_170 = tpu.memref_squeeze %dma_start3A_169 : memref<1x640xf32, #tpu.memory_space<vmem>> -> memref<640xf32, #tpu.memory_space<vmem>>
      %dma_start3A_171 = arith.constant 0 : i32
      %dma_start3A_172 = tpu.memref_slice %arg12[%run_scoped3A_115, %dma_start3A_171] : memref<16x10240xf32, #tpu.memory_space<vmem_shared>> -> memref<1x10240xf32, #tpu.memory_space<vmem_shared>>
      %dma_start3A_173 = tpu.memref_squeeze %dma_start3A_172 : memref<1x10240xf32, #tpu.memory_space<vmem_shared>> -> memref<10240xf32, #tpu.memory_space<vmem_shared>>
      %dma_start3A_174 = tpu.memref_slice %dma_start3A_173[%mul3A_14] : memref<10240xf32, #tpu.memory_space<vmem_shared>> -> memref<640xf32, #tpu.memory_space<vmem_shared>>
      %dma_start3A_175 = arith.constant 0 : i32
      %dma_start3A_176 = tpu.memref_slice %arg9[%run_scoped3A_116, %dma_start3A_175] : memref<8x640xf32, #tpu.memory_space<vmem>> -> memref<1x640xf32, #tpu.memory_space<vmem>>
      %dma_start3A_177 = tpu.memref_squeeze %dma_start3A_176 : memref<1x640xf32, #tpu.memory_space<vmem>> -> memref<640xf32, #tpu.memory_space<vmem>>
      %dma_start3A_178 = arith.constant 0 : i32
      %dma_start3A_179 = tpu.memref_slice %arg12[%run_scoped3A_115, %dma_start3A_178] : memref<16x10240xf32, #tpu.memory_space<vmem_shared>> -> memref<1x10240xf32, #tpu.memory_space<vmem_shared>>
      %dma_start3A_180 = tpu.memref_squeeze %dma_start3A_179 : memref<1x10240xf32, #tpu.memory_space<vmem_shared>> -> memref<10240xf32, #tpu.memory_space<vmem_shared>>
      %dma_start3A_181 = tpu.memref_slice %dma_start3A_180[%mul3A_14] : memref<10240xf32, #tpu.memory_space<vmem_shared>> -> memref<640xf32, #tpu.memory_space<vmem_shared>>
      tpu.enqueue_dma source(%dma_start3A_181 : memref<640xf32, #tpu.memory_space<vmem_shared>>) target(%dma_start3A_177 : memref<640xf32, #tpu.memory_space<vmem>>) target_semaphore(%run_scoped3A_167 : memref<!tpu.dma_semaphore, #tpu.memory_space<semaphore_mem>>)
      %dma_wait3A_182 = arith.constant 0 : i32
      %dma_wait3A_183 = tpu.memref_slice %arg9[%run_scoped3A_116, %dma_wait3A_182] : memref<8x640xf32, #tpu.memory_space<vmem>> -> memref<1x640xf32, #tpu.memory_space<vmem>>
      %dma_wait3A_184 = tpu.memref_squeeze %dma_wait3A_183 : memref<1x640xf32, #tpu.memory_space<vmem>> -> memref<640xf32, #tpu.memory_space<vmem>>
      %dma_wait3A_185 = arith.constant 0 : i32
      %dma_wait3A_186 = tpu.memref_slice %arg12[%run_scoped3A_115, %dma_wait3A_185] : memref<16x10240xf32, #tpu.memory_space<vmem_shared>> -> memref<1x10240xf32, #tpu.memory_space<vmem_shared>>
      %dma_wait3A_187 = tpu.memref_squeeze %dma_wait3A_186 : memref<1x10240xf32, #tpu.memory_space<vmem_shared>> -> memref<10240xf32, #tpu.memory_space<vmem_shared>>
      %dma_wait3A_188 = tpu.memref_slice %dma_wait3A_187[%mul3A_14] : memref<10240xf32, #tpu.memory_space<vmem_shared>> -> memref<640xf32, #tpu.memory_space<vmem_shared>>
      %dma_wait3A_189 = arith.constant 0 : i32
      %dma_wait3A_190 = tpu.memref_slice %arg9[%run_scoped3A_116, %dma_wait3A_189] : memref<8x640xf32, #tpu.memory_space<vmem>> -> memref<1x640xf32, #tpu.memory_space<vmem>>
      %dma_wait3A_191 = tpu.memref_squeeze %dma_wait3A_190 : memref<1x640xf32, #tpu.memory_space<vmem>> -> memref<640xf32, #tpu.memory_space<vmem>>
      %dma_wait3A_192 = arith.constant 0 : i32
      %dma_wait3A_193 = tpu.memref_slice %arg12[%run_scoped3A_115, %dma_wait3A_192] : memref<16x10240xf32, #tpu.memory_space<vmem_shared>> -> memref<1x10240xf32, #tpu.memory_space<vmem_shared>>
      %dma_wait3A_194 = tpu.memref_squeeze %dma_wait3A_193 : memref<1x10240xf32, #tpu.memory_space<vmem_shared>> -> memref<10240xf32, #tpu.memory_space<vmem_shared>>
      %dma_wait3A_195 = tpu.memref_slice %dma_wait3A_194[%mul3A_14] : memref<10240xf32, #tpu.memory_space<vmem_shared>> -> memref<640xf32, #tpu.memory_space<vmem_shared>>
      tpu.wait_dma2 semaphore(%run_scoped3A_167 : memref<!tpu.dma_semaphore, #tpu.memory_space<semaphore_mem>>) src(%dma_wait3A_195 : memref<640xf32, #tpu.memory_space<vmem_shared>>) dst(%dma_wait3A_191 : memref<640xf32, #tpu.memory_space<vmem>>)
      tpu.yield
    }) : () -> ()
    %scan3A_117 = arith.constant 0 : i32
    %scan3A_118 = arith.constant 40 : i32
    %scan3A_119 = arith.addi %scan3A_117, %scan3A_118 : i32
    %scan3A_120 = arith.constant 1 : i32
    scf.for %scan3A_167 = %scan3A_117 to %scan3A_119 step %scan3A_120  : i32 {
      %mul3A_168 = arith.constant 1 : i32
      %mul3A_169 = arith.muli %scan3A_167, %mul3A_168 : i32
      %add3A_170 = arith.constant 0 : i32
      %add3A_171 = arith.addi %add3A_170, %mul3A_169 : i32
      %mul3A_172 = arith.constant 16 : i32
      %mul3A_173 = arith.muli %add3A_171, %mul3A_172 : i32
      %get3A = arith.constant 0 : i32
      %get3A_174 = arith.index_cast %get3A : i32 to index
      %get3A_175 = arith.index_cast %mul3A_173 : i32 to index
      %get3A_176 = tpu.vector_load %arg9[%get3A_174, %get3A_175] {strides = array<i32>} : memref<8x640xf32, #tpu.memory_space<vmem>>, vector<16xf32>,
      %mul3A_177 = arith.constant 16 : i32
      %mul3A_178 = arith.muli %add3A_171, %mul3A_177 : i32
      %get3A_179 = arith.constant 1 : i32
      %get3A_180 = arith.index_cast %get3A_179 : i32 to index
      %get3A_181 = arith.index_cast %mul3A_178 : i32 to index
      %get3A_182 = tpu.vector_load %arg9[%get3A_180, %get3A_181] {strides = array<i32>} : memref<8x640xf32, #tpu.memory_space<vmem>>, vector<16xf32>,
      %add3A_183 = arith.addf %get3A_176, %get3A_182 : vector<16xf32>
      %mul3A_184 = arith.constant 16 : i32
      %mul3A_185 = arith.muli %add3A_171, %mul3A_184 : i32
      %get3A_186 = arith.constant 2 : i32
      %get3A_187 = arith.index_cast %get3A_186 : i32 to index
      %get3A_188 = arith.index_cast %mul3A_185 : i32 to index
      %get3A_189 = tpu.vector_load %arg9[%get3A_187, %get3A_188] {strides = array<i32>} : memref<8x640xf32, #tpu.memory_space<vmem>>, vector<16xf32>,
      %add3A_190 = arith.addf %add3A_183, %get3A_189 : vector<16xf32>
      %mul3A_191 = arith.constant 16 : i32
      %mul3A_192 = arith.muli %add3A_171, %mul3A_191 : i32
      %get3A_193 = arith.constant 3 : i32
      %get3A_194 = arith.index_cast %get3A_193 : i32 to index
      %get3A_195 = arith.index_cast %mul3A_192 : i32 to index
      %get3A_196 = tpu.vector_load %arg9[%get3A_194, %get3A_195] {strides = array<i32>} : memref<8x640xf32, #tpu.memory_space<vmem>>, vector<16xf32>,
      %add3A_197 = arith.addf %add3A_190, %get3A_196 : vector<16xf32>
      %mul3A_198 = arith.constant 16 : i32
      %mul3A_199 = arith.muli %add3A_171, %mul3A_198 : i32
      %get3A_200 = arith.constant 4 : i32
      %get3A_201 = arith.index_cast %get3A_200 : i32 to index
      %get3A_202 = arith.index_cast %mul3A_199 : i32 to index
      %get3A_203 = tpu.vector_load %arg9[%get3A_201, %get3A_202] {strides = array<i32>} : memref<8x640xf32, #tpu.memory_space<vmem>>, vector<16xf32>,
      %add3A_204 = arith.addf %add3A_197, %get3A_203 : vector<16xf32>
      %mul3A_205 = arith.constant 16 : i32
      %mul3A_206 = arith.muli %add3A_171, %mul3A_205 : i32
      %get3A_207 = arith.constant 5 : i32
      %get3A_208 = arith.index_cast %get3A_207 : i32 to index
      %get3A_209 = arith.index_cast %mul3A_206 : i32 to index
      %get3A_210 = tpu.vector_load %arg9[%get3A_208, %get3A_209] {strides = array<i32>} : memref<8x640xf32, #tpu.memory_space<vmem>>, vector<16xf32>,
      %add3A_211 = arith.addf %add3A_204, %get3A_210 : vector<16xf32>
      %mul3A_212 = arith.constant 16 : i32
      %mul3A_213 = arith.muli %add3A_171, %mul3A_212 : i32
      %get3A_214 = arith.constant 6 : i32
      %get3A_215 = arith.index_cast %get3A_214 : i32 to index
      %get3A_216 = arith.index_cast %mul3A_213 : i32 to index
      %get3A_217 = tpu.vector_load %arg9[%get3A_215, %get3A_216] {strides = array<i32>} : memref<8x640xf32, #tpu.memory_space<vmem>>, vector<16xf32>,
      %add3A_218 = arith.addf %add3A_211, %get3A_217 : vector<16xf32>
      %mul3A_219 = arith.constant 16 : i32
      %mul3A_220 = arith.muli %add3A_171, %mul3A_219 : i32
      %get3A_221 = arith.constant 7 : i32
      %get3A_222 = arith.index_cast %get3A_221 : i32 to index
      %get3A_223 = arith.index_cast %mul3A_220 : i32 to index
      %get3A_224 = tpu.vector_load %arg9[%get3A_222, %get3A_223] {strides = array<i32>} : memref<8x640xf32, #tpu.memory_space<vmem>>, vector<16xf32>,
      %add3A_225 = arith.addf %add3A_218, %get3A_224 : vector<16xf32>
      %mul3A_226 = arith.constant 16 : i32
      %mul3A_227 = arith.muli %add3A_171, %mul3A_226 : i32
      %get3A_228 = arith.index_cast %mul3A_227 : i32 to index
      %get3A_229 = tpu.vector_load %arg10[%get3A_228] {strides = array<i32>} : memref<640xf32, #tpu.memory_space<vmem>>, vector<16xf32>,
      %add3A_230 = arith.addf %get3A_229, %add3A_225 : vector<16xf32>
      %mul3A_231 = arith.constant 16 : i32
      %mul3A_232 = arith.muli %add3A_171, %mul3A_231 : i32
      %swap3A = arith.index_cast %mul3A_232 : i32 to index
      %swap3A_233 = tpu.vector_load %arg10[%swap3A] {strides = array<i32>} : memref<640xf32, #tpu.memory_space<vmem>>, vector<16xf32>,
      tpu.vector_store %arg10[%swap3A], %add3A_230 {strides = array<i32>} : memref<640xf32, #tpu.memory_space<vmem>>, vector<16xf32>,
    }
    %scan3A_121 = arith.constant 40 : i32
    %add3A_122 = arith.constant 0 : i32
    %add3A_123 = arith.addi %mul3A_14, %add3A_122 : i32
    "tpu.region"() ({
      %run_scoped3A_167 = tpu.sem_alloc : memref<!tpu.dma_semaphore, #tpu.memory_space<semaphore_mem>>
      %dma_start3A_168 = arith.constant 0 : i32
      %dma_start3A_169 = tpu.memref_slice %arg11[%add3A_123, %dma_start3A_168] : memref<10240x64xf32, #tpu.memory_space<vmem_shared>> -> memref<128x64xf32, #tpu.memory_space<vmem_shared>>
      %dma_start3A_170 = arith.constant 0 : i32
      %dma_start3A_171 = tpu.memref_slice %arg11[%add3A_123, %dma_start3A_170] : memref<10240x64xf32, #tpu.memory_space<vmem_shared>> -> memref<128x64xf32, #tpu.memory_space<vmem_shared>>
      tpu.enqueue_dma source(%dma_start3A_171 : memref<128x64xf32, #tpu.memory_space<vmem_shared>>) target(%arg7 : memref<128x64xf32, #tpu.memory_space<vmem>>) target_semaphore(%run_scoped3A_167 : memref<!tpu.dma_semaphore, #tpu.memory_space<semaphore_mem>>)
      %dma_wait3A_172 = arith.constant 0 : i32
      %dma_wait3A_173 = tpu.memref_slice %arg11[%add3A_123, %dma_wait3A_172] : memref<10240x64xf32, #tpu.memory_space<vmem_shared>> -> memref<128x64xf32, #tpu.memory_space<vmem_shared>>
      %dma_wait3A_174 = arith.constant 0 : i32
      %dma_wait3A_175 = tpu.memref_slice %arg11[%add3A_123, %dma_wait3A_174] : memref<10240x64xf32, #tpu.memory_space<vmem_shared>> -> memref<128x64xf32, #tpu.memory_space<vmem_shared>>
      tpu.wait_dma2 semaphore(%run_scoped3A_167 : memref<!tpu.dma_semaphore, #tpu.memory_space<semaphore_mem>>) src(%dma_wait3A_175 : memref<128x64xf32, #tpu.memory_space<vmem_shared>>) dst(%arg7 : memref<128x64xf32, #tpu.memory_space<vmem>>)
      tpu.yield
    }) : () -> ()
    %scan3A_124 = arith.constant 0 : i32
    %scan3A_125 = arith.constant 128 : i32
    %scan3A_126 = arith.addi %scan3A_124, %scan3A_125 : i32
    %scan3A_127 = arith.constant 1 : i32
    scf.for %scan3A_167 = %scan3A_124 to %scan3A_126 step %scan3A_127  : i32 {
      %mul3A_168 = arith.constant 1 : i32
      %mul3A_169 = arith.muli %scan3A_167, %mul3A_168 : i32
      %add3A_170 = arith.constant 0 : i32
      %add3A_171 = arith.addi %add3A_170, %mul3A_169 : i32
      %broadcast_in_dim3A_172 = arith.constant 0 : i32
      %broadcast_in_dim3A_173 = vector.broadcast %broadcast_in_dim3A_172 : i32 to vector<16xi32>
      %add3A_174 = vector.broadcast %add3A_171 : i32 to vector<16xi32>
      %add3A_175 = arith.addi %broadcast_in_dim3A_173, %add3A_174 : vector<16xi32>
      %gather3A = tpu.vector_load_idx %arg10[%add3A_175] : memref<640xf32, #tpu.memory_space<vmem>>[vector<16xi32>], vector<16xf32>,
      %max3A = arith.maximumf %gather3A, %broadcast_in_dim3A_3 : vector<16xf32>
      %div3A = arith.divf %broadcast_in_dim3A_3, %max3A : vector<16xf32>
      %scan3A_176 = arith.constant 0 : i32
      %scan3A_177 = arith.constant 4 : i32
      %scan3A_178 = arith.addi %scan3A_176, %scan3A_177 : i32
      %scan3A_179 = arith.constant 1 : i32
      scf.for %scan3A_181 = %scan3A_176 to %scan3A_178 step %scan3A_179  : i32 {
        %mul3A_182 = arith.constant 1 : i32
        %mul3A_183 = arith.muli %scan3A_181, %mul3A_182 : i32
        %add3A_184 = arith.constant 0 : i32
        %add3A_185 = arith.addi %add3A_184, %mul3A_183 : i32
        %mul3A_186 = arith.constant 16 : i32
        %mul3A_187 = arith.muli %add3A_185, %mul3A_186 : i32
        %get3A = arith.index_cast %add3A_171 : i32 to index
        %get3A_188 = arith.index_cast %mul3A_187 : i32 to index
        %get3A_189 = tpu.vector_load %arg7[%get3A, %get3A_188] {strides = array<i32>} : memref<128x64xf32, #tpu.memory_space<vmem>>, vector<16xf32>,
        %mul3A_190 = arith.mulf %get3A_189, %div3A : vector<16xf32>
        %mul3A_191 = arith.constant 16 : i32
        %mul3A_192 = arith.muli %add3A_185, %mul3A_191 : i32
        %swap3A = arith.index_cast %add3A_171 : i32 to index
        %swap3A_193 = arith.index_cast %mul3A_192 : i32 to index
        %swap3A_194 = tpu.vector_load %arg7[%swap3A, %swap3A_193] {strides = array<i32>} : memref<128x64xf32, #tpu.memory_space<vmem>>, vector<16xf32>,
        tpu.vector_store %arg7[%swap3A, %swap3A_193], %mul3A_190 {strides = array<i32>} : memref<128x64xf32, #tpu.memory_space<vmem>>, vector<16xf32>,
      }
      %scan3A_180 = arith.constant 4 : i32
    }
    %scan3A_128 = arith.constant 128 : i32
    %add3A_129 = arith.constant 0 : i32
    %add3A_130 = arith.addi %mul3A_14, %add3A_129 : i32
    "tpu.region"() ({
      %run_scoped3A_167 = tpu.sem_alloc : memref<!tpu.dma_semaphore, #tpu.memory_space<semaphore_mem>>
      %dma_start3A_168 = tpu.memref_slice %arg4[%add3A_130, %mul3A_0] : memref<10240x128xf32, #tpu.memory_space<hbm>> -> memref<128x64xf32, #tpu.memory_space<hbm>>
      %dma_start3A_169 = tpu.memref_slice %arg4[%add3A_130, %mul3A_0] : memref<10240x128xf32, #tpu.memory_space<hbm>> -> memref<128x64xf32, #tpu.memory_space<hbm>>
      tpu.enqueue_dma source(%arg7 : memref<128x64xf32, #tpu.memory_space<vmem>>) target(%dma_start3A_169 : memref<128x64xf32, #tpu.memory_space<hbm>>) target_semaphore(%run_scoped3A_167 : memref<!tpu.dma_semaphore, #tpu.memory_space<semaphore_mem>>)
      %dma_wait3A_170 = tpu.memref_slice %arg4[%add3A_130, %mul3A_0] : memref<10240x128xf32, #tpu.memory_space<hbm>> -> memref<128x64xf32, #tpu.memory_space<hbm>>
      %dma_wait3A_171 = tpu.memref_slice %arg4[%add3A_130, %mul3A_0] : memref<10240x128xf32, #tpu.memory_space<hbm>> -> memref<128x64xf32, #tpu.memory_space<hbm>>
      tpu.wait_dma2 semaphore(%run_scoped3A_167 : memref<!tpu.dma_semaphore, #tpu.memory_space<semaphore_mem>>) src(%arg7 : memref<128x64xf32, #tpu.memory_space<vmem>>) dst(%dma_wait3A_171 : memref<128x64xf32, #tpu.memory_space<hbm>>)
      tpu.yield
    }) : () -> ()
    %add3A_131 = arith.constant 128 : i32
    %add3A_132 = arith.addi %mul3A_14, %add3A_131 : i32
    "tpu.region"() ({
      %run_scoped3A_167 = tpu.sem_alloc : memref<!tpu.dma_semaphore, #tpu.memory_space<semaphore_mem>>
      %dma_start3A_168 = arith.constant 0 : i32
      %dma_start3A_169 = tpu.memref_slice %arg11[%add3A_132, %dma_start3A_168] : memref<10240x64xf32, #tpu.memory_space<vmem_shared>> -> memref<128x64xf32, #tpu.memory_space<vmem_shared>>
      %dma_start3A_170 = arith.constant 0 : i32
      %dma_start3A_171 = tpu.memref_slice %arg11[%add3A_132, %dma_start3A_170] : memref<10240x64xf32, #tpu.memory_space<vmem_shared>> -> memref<128x64xf32, #tpu.memory_space<vmem_shared>>
      tpu.enqueue_dma source(%dma_start3A_171 : memref<128x64xf32, #tpu.memory_space<vmem_shared>>) target(%arg7 : memref<128x64xf32, #tpu.memory_space<vmem>>) target_semaphore(%run_scoped3A_167 : memref<!tpu.dma_semaphore, #tpu.memory_space<semaphore_mem>>)
      %dma_wait3A_172 = arith.constant 0 : i32
      %dma_wait3A_173 = tpu.memref_slice %arg11[%add3A_132, %dma_wait3A_172] : memref<10240x64xf32, #tpu.memory_space<vmem_shared>> -> memref<128x64xf32, #tpu.memory_space<vmem_shared>>
      %dma_wait3A_174 = arith.constant 0 : i32
      %dma_wait3A_175 = tpu.memref_slice %arg11[%add3A_132, %dma_wait3A_174] : memref<10240x64xf32, #tpu.memory_space<vmem_shared>> -> memref<128x64xf32, #tpu.memory_space<vmem_shared>>
      tpu.wait_dma2 semaphore(%run_scoped3A_167 : memref<!tpu.dma_semaphore, #tpu.memory_space<semaphore_mem>>) src(%dma_wait3A_175 : memref<128x64xf32, #tpu.memory_space<vmem_shared>>) dst(%arg7 : memref<128x64xf32, #tpu.memory_space<vmem>>)
      tpu.yield
    }) : () -> ()
    %scan3A_133 = arith.constant 0 : i32
    %scan3A_134 = arith.constant 128 : i32
    %scan3A_135 = arith.addi %scan3A_133, %scan3A_134 : i32
    %scan3A_136 = arith.constant 1 : i32
    scf.for %scan3A_167 = %scan3A_133 to %scan3A_135 step %scan3A_136  : i32 {
      %mul3A_168 = arith.constant 1 : i32
      %mul3A_169 = arith.muli %scan3A_167, %mul3A_168 : i32
      %add3A_170 = arith.constant 0 : i32
      %add3A_171 = arith.addi %add3A_170, %mul3A_169 : i32
      %broadcast_in_dim3A_172 = arith.constant 128 : i32
      %broadcast_in_dim3A_173 = vector.broadcast %broadcast_in_dim3A_172 : i32 to vector<16xi32>
      %add3A_174 = vector.broadcast %add3A_171 : i32 to vector<16xi32>
      %add3A_175 = arith.addi %broadcast_in_dim3A_173, %add3A_174 : vector<16xi32>
      %gather3A = tpu.vector_load_idx %arg10[%add3A_175] : memref<640xf32, #tpu.memory_space<vmem>>[vector<16xi32>], vector<16xf32>,
      %max3A = arith.maximumf %gather3A, %broadcast_in_dim3A_3 : vector<16xf32>
      %div3A = arith.divf %broadcast_in_dim3A_3, %max3A : vector<16xf32>
      %scan3A_176 = arith.constant 0 : i32
      %scan3A_177 = arith.constant 4 : i32
      %scan3A_178 = arith.addi %scan3A_176, %scan3A_177 : i32
      %scan3A_179 = arith.constant 1 : i32
      scf.for %scan3A_181 = %scan3A_176 to %scan3A_178 step %scan3A_179  : i32 {
        %mul3A_182 = arith.constant 1 : i32
        %mul3A_183 = arith.muli %scan3A_181, %mul3A_182 : i32
        %add3A_184 = arith.constant 0 : i32
        %add3A_185 = arith.addi %add3A_184, %mul3A_183 : i32
        %mul3A_186 = arith.constant 16 : i32
        %mul3A_187 = arith.muli %add3A_185, %mul3A_186 : i32
        %get3A = arith.index_cast %add3A_171 : i32 to index
        %get3A_188 = arith.index_cast %mul3A_187 : i32 to index
        %get3A_189 = tpu.vector_load %arg7[%get3A, %get3A_188] {strides = array<i32>} : memref<128x64xf32, #tpu.memory_space<vmem>>, vector<16xf32>,
        %mul3A_190 = arith.mulf %get3A_189, %div3A : vector<16xf32>
        %mul3A_191 = arith.constant 16 : i32
        %mul3A_192 = arith.muli %add3A_185, %mul3A_191 : i32
        %swap3A = arith.index_cast %add3A_171 : i32 to index
        %swap3A_193 = arith.index_cast %mul3A_192 : i32 to index
        %swap3A_194 = tpu.vector_load %arg7[%swap3A, %swap3A_193] {strides = array<i32>} : memref<128x64xf32, #tpu.memory_space<vmem>>, vector<16xf32>,
        tpu.vector_store %arg7[%swap3A, %swap3A_193], %mul3A_190 {strides = array<i32>} : memref<128x64xf32, #tpu.memory_space<vmem>>, vector<16xf32>,
      }
      %scan3A_180 = arith.constant 4 : i32
    }
    %scan3A_137 = arith.constant 128 : i32
    %add3A_138 = arith.constant 128 : i32
    %add3A_139 = arith.addi %mul3A_14, %add3A_138 : i32
    "tpu.region"() ({
      %run_scoped3A_167 = tpu.sem_alloc : memref<!tpu.dma_semaphore, #tpu.memory_space<semaphore_mem>>
      %dma_start3A_168 = tpu.memref_slice %arg4[%add3A_139, %mul3A_0] : memref<10240x128xf32, #tpu.memory_space<hbm>> -> memref<128x64xf32, #tpu.memory_space<hbm>>
      %dma_start3A_169 = tpu.memref_slice %arg4[%add3A_139, %mul3A_0] : memref<10240x128xf32, #tpu.memory_space<hbm>> -> memref<128x64xf32, #tpu.memory_space<hbm>>
      tpu.enqueue_dma source(%arg7 : memref<128x64xf32, #tpu.memory_space<vmem>>) target(%dma_start3A_169 : memref<128x64xf32, #tpu.memory_space<hbm>>) target_semaphore(%run_scoped3A_167 : memref<!tpu.dma_semaphore, #tpu.memory_space<semaphore_mem>>)
      %dma_wait3A_170 = tpu.memref_slice %arg4[%add3A_139, %mul3A_0] : memref<10240x128xf32, #tpu.memory_space<hbm>> -> memref<128x64xf32, #tpu.memory_space<hbm>>
      %dma_wait3A_171 = tpu.memref_slice %arg4[%add3A_139, %mul3A_0] : memref<10240x128xf32, #tpu.memory_space<hbm>> -> memref<128x64xf32, #tpu.memory_space<hbm>>
      tpu.wait_dma2 semaphore(%run_scoped3A_167 : memref<!tpu.dma_semaphore, #tpu.memory_space<semaphore_mem>>) src(%arg7 : memref<128x64xf32, #tpu.memory_space<vmem>>) dst(%dma_wait3A_171 : memref<128x64xf32, #tpu.memory_space<hbm>>)
      tpu.yield
    }) : () -> ()
    %add3A_140 = arith.constant 256 : i32
    %add3A_141 = arith.addi %mul3A_14, %add3A_140 : i32
    "tpu.region"() ({
      %run_scoped3A_167 = tpu.sem_alloc : memref<!tpu.dma_semaphore, #tpu.memory_space<semaphore_mem>>
      %dma_start3A_168 = arith.constant 0 : i32
      %dma_start3A_169 = tpu.memref_slice %arg11[%add3A_141, %dma_start3A_168] : memref<10240x64xf32, #tpu.memory_space<vmem_shared>> -> memref<128x64xf32, #tpu.memory_space<vmem_shared>>
      %dma_start3A_170 = arith.constant 0 : i32
      %dma_start3A_171 = tpu.memref_slice %arg11[%add3A_141, %dma_start3A_170] : memref<10240x64xf32, #tpu.memory_space<vmem_shared>> -> memref<128x64xf32, #tpu.memory_space<vmem_shared>>
      tpu.enqueue_dma source(%dma_start3A_171 : memref<128x64xf32, #tpu.memory_space<vmem_shared>>) target(%arg7 : memref<128x64xf32, #tpu.memory_space<vmem>>) target_semaphore(%run_scoped3A_167 : memref<!tpu.dma_semaphore, #tpu.memory_space<semaphore_mem>>)
      %dma_wait3A_172 = arith.constant 0 : i32
      %dma_wait3A_173 = tpu.memref_slice %arg11[%add3A_141, %dma_wait3A_172] : memref<10240x64xf32, #tpu.memory_space<vmem_shared>> -> memref<128x64xf32, #tpu.memory_space<vmem_shared>>
      %dma_wait3A_174 = arith.constant 0 : i32
      %dma_wait3A_175 = tpu.memref_slice %arg11[%add3A_141, %dma_wait3A_174] : memref<10240x64xf32, #tpu.memory_space<vmem_shared>> -> memref<128x64xf32, #tpu.memory_space<vmem_shared>>
      tpu.wait_dma2 semaphore(%run_scoped3A_167 : memref<!tpu.dma_semaphore, #tpu.memory_space<semaphore_mem>>) src(%dma_wait3A_175 : memref<128x64xf32, #tpu.memory_space<vmem_shared>>) dst(%arg7 : memref<128x64xf32, #tpu.memory_space<vmem>>)
      tpu.yield
    }) : () -> ()
    %scan3A_142 = arith.constant 0 : i32
    %scan3A_143 = arith.constant 128 : i32
    %scan3A_144 = arith.addi %scan3A_142, %scan3A_143 : i32
    %scan3A_145 = arith.constant 1 : i32
    scf.for %scan3A_167 = %scan3A_142 to %scan3A_144 step %scan3A_145  : i32 {
      %mul3A_168 = arith.constant 1 : i32
      %mul3A_169 = arith.muli %scan3A_167, %mul3A_168 : i32
      %add3A_170 = arith.constant 0 : i32
      %add3A_171 = arith.addi %add3A_170, %mul3A_169 : i32
      %broadcast_in_dim3A_172 = arith.constant 256 : i32
      %broadcast_in_dim3A_173 = vector.broadcast %broadcast_in_dim3A_172 : i32 to vector<16xi32>
      %add3A_174 = vector.broadcast %add3A_171 : i32 to vector<16xi32>
      %add3A_175 = arith.addi %broadcast_in_dim3A_173, %add3A_174 : vector<16xi32>
      %gather3A = tpu.vector_load_idx %arg10[%add3A_175] : memref<640xf32, #tpu.memory_space<vmem>>[vector<16xi32>], vector<16xf32>,
      %max3A = arith.maximumf %gather3A, %broadcast_in_dim3A_3 : vector<16xf32>
      %div3A = arith.divf %broadcast_in_dim3A_3, %max3A : vector<16xf32>
      %scan3A_176 = arith.constant 0 : i32
      %scan3A_177 = arith.constant 4 : i32
      %scan3A_178 = arith.addi %scan3A_176, %scan3A_177 : i32
      %scan3A_179 = arith.constant 1 : i32
      scf.for %scan3A_181 = %scan3A_176 to %scan3A_178 step %scan3A_179  : i32 {
        %mul3A_182 = arith.constant 1 : i32
        %mul3A_183 = arith.muli %scan3A_181, %mul3A_182 : i32
        %add3A_184 = arith.constant 0 : i32
        %add3A_185 = arith.addi %add3A_184, %mul3A_183 : i32
        %mul3A_186 = arith.constant 16 : i32
        %mul3A_187 = arith.muli %add3A_185, %mul3A_186 : i32
        %get3A = arith.index_cast %add3A_171 : i32 to index
        %get3A_188 = arith.index_cast %mul3A_187 : i32 to index
        %get3A_189 = tpu.vector_load %arg7[%get3A, %get3A_188] {strides = array<i32>} : memref<128x64xf32, #tpu.memory_space<vmem>>, vector<16xf32>,
        %mul3A_190 = arith.mulf %get3A_189, %div3A : vector<16xf32>
        %mul3A_191 = arith.constant 16 : i32
        %mul3A_192 = arith.muli %add3A_185, %mul3A_191 : i32
        %swap3A = arith.index_cast %add3A_171 : i32 to index
        %swap3A_193 = arith.index_cast %mul3A_192 : i32 to index
        %swap3A_194 = tpu.vector_load %arg7[%swap3A, %swap3A_193] {strides = array<i32>} : memref<128x64xf32, #tpu.memory_space<vmem>>, vector<16xf32>,
        tpu.vector_store %arg7[%swap3A, %swap3A_193], %mul3A_190 {strides = array<i32>} : memref<128x64xf32, #tpu.memory_space<vmem>>, vector<16xf32>,
      }
      %scan3A_180 = arith.constant 4 : i32
    }
    %scan3A_146 = arith.constant 128 : i32
    %add3A_147 = arith.constant 256 : i32
    %add3A_148 = arith.addi %mul3A_14, %add3A_147 : i32
    "tpu.region"() ({
      %run_scoped3A_167 = tpu.sem_alloc : memref<!tpu.dma_semaphore, #tpu.memory_space<semaphore_mem>>
      %dma_start3A_168 = tpu.memref_slice %arg4[%add3A_148, %mul3A_0] : memref<10240x128xf32, #tpu.memory_space<hbm>> -> memref<128x64xf32, #tpu.memory_space<hbm>>
      %dma_start3A_169 = tpu.memref_slice %arg4[%add3A_148, %mul3A_0] : memref<10240x128xf32, #tpu.memory_space<hbm>> -> memref<128x64xf32, #tpu.memory_space<hbm>>
      tpu.enqueue_dma source(%arg7 : memref<128x64xf32, #tpu.memory_space<vmem>>) target(%dma_start3A_169 : memref<128x64xf32, #tpu.memory_space<hbm>>) target_semaphore(%run_scoped3A_167 : memref<!tpu.dma_semaphore, #tpu.memory_space<semaphore_mem>>)
      %dma_wait3A_170 = tpu.memref_slice %arg4[%add3A_148, %mul3A_0] : memref<10240x128xf32, #tpu.memory_space<hbm>> -> memref<128x64xf32, #tpu.memory_space<hbm>>
      %dma_wait3A_171 = tpu.memref_slice %arg4[%add3A_148, %mul3A_0] : memref<10240x128xf32, #tpu.memory_space<hbm>> -> memref<128x64xf32, #tpu.memory_space<hbm>>
      tpu.wait_dma2 semaphore(%run_scoped3A_167 : memref<!tpu.dma_semaphore, #tpu.memory_space<semaphore_mem>>) src(%arg7 : memref<128x64xf32, #tpu.memory_space<vmem>>) dst(%dma_wait3A_171 : memref<128x64xf32, #tpu.memory_space<hbm>>)
      tpu.yield
    }) : () -> ()
    %add3A_149 = arith.constant 384 : i32
    %add3A_150 = arith.addi %mul3A_14, %add3A_149 : i32
    "tpu.region"() ({
      %run_scoped3A_167 = tpu.sem_alloc : memref<!tpu.dma_semaphore, #tpu.memory_space<semaphore_mem>>
      %dma_start3A_168 = arith.constant 0 : i32
      %dma_start3A_169 = tpu.memref_slice %arg11[%add3A_150, %dma_start3A_168] : memref<10240x64xf32, #tpu.memory_space<vmem_shared>> -> memref<128x64xf32, #tpu.memory_space<vmem_shared>>
      %dma_start3A_170 = arith.constant 0 : i32
      %dma_start3A_171 = tpu.memref_slice %arg11[%add3A_150, %dma_start3A_170] : memref<10240x64xf32, #tpu.memory_space<vmem_shared>> -> memref<128x64xf32, #tpu.memory_space<vmem_shared>>
      tpu.enqueue_dma source(%dma_start3A_171 : memref<128x64xf32, #tpu.memory_space<vmem_shared>>) target(%arg7 : memref<128x64xf32, #tpu.memory_space<vmem>>) target_semaphore(%run_scoped3A_167 : memref<!tpu.dma_semaphore, #tpu.memory_space<semaphore_mem>>)
      %dma_wait3A_172 = arith.constant 0 : i32
      %dma_wait3A_173 = tpu.memref_slice %arg11[%add3A_150, %dma_wait3A_172] : memref<10240x64xf32, #tpu.memory_space<vmem_shared>> -> memref<128x64xf32, #tpu.memory_space<vmem_shared>>
      %dma_wait3A_174 = arith.constant 0 : i32
      %dma_wait3A_175 = tpu.memref_slice %arg11[%add3A_150, %dma_wait3A_174] : memref<10240x64xf32, #tpu.memory_space<vmem_shared>> -> memref<128x64xf32, #tpu.memory_space<vmem_shared>>
      tpu.wait_dma2 semaphore(%run_scoped3A_167 : memref<!tpu.dma_semaphore, #tpu.memory_space<semaphore_mem>>) src(%dma_wait3A_175 : memref<128x64xf32, #tpu.memory_space<vmem_shared>>) dst(%arg7 : memref<128x64xf32, #tpu.memory_space<vmem>>)
      tpu.yield
    }) : () -> ()
    %scan3A_151 = arith.constant 0 : i32
    %scan3A_152 = arith.constant 128 : i32
    %scan3A_153 = arith.addi %scan3A_151, %scan3A_152 : i32
    %scan3A_154 = arith.constant 1 : i32
    scf.for %scan3A_167 = %scan3A_151 to %scan3A_153 step %scan3A_154  : i32 {
      %mul3A_168 = arith.constant 1 : i32
      %mul3A_169 = arith.muli %scan3A_167, %mul3A_168 : i32
      %add3A_170 = arith.constant 0 : i32
      %add3A_171 = arith.addi %add3A_170, %mul3A_169 : i32
      %broadcast_in_dim3A_172 = arith.constant 384 : i32
      %broadcast_in_dim3A_173 = vector.broadcast %broadcast_in_dim3A_172 : i32 to vector<16xi32>
      %add3A_174 = vector.broadcast %add3A_171 : i32 to vector<16xi32>
      %add3A_175 = arith.addi %broadcast_in_dim3A_173, %add3A_174 : vector<16xi32>
      %gather3A = tpu.vector_load_idx %arg10[%add3A_175] : memref<640xf32, #tpu.memory_space<vmem>>[vector<16xi32>], vector<16xf32>,
      %max3A = arith.maximumf %gather3A, %broadcast_in_dim3A_3 : vector<16xf32>
      %div3A = arith.divf %broadcast_in_dim3A_3, %max3A : vector<16xf32>
      %scan3A_176 = arith.constant 0 : i32
      %scan3A_177 = arith.constant 4 : i32
      %scan3A_178 = arith.addi %scan3A_176, %scan3A_177 : i32
      %scan3A_179 = arith.constant 1 : i32
      scf.for %scan3A_181 = %scan3A_176 to %scan3A_178 step %scan3A_179  : i32 {
        %mul3A_182 = arith.constant 1 : i32
        %mul3A_183 = arith.muli %scan3A_181, %mul3A_182 : i32
        %add3A_184 = arith.constant 0 : i32
        %add3A_185 = arith.addi %add3A_184, %mul3A_183 : i32
        %mul3A_186 = arith.constant 16 : i32
        %mul3A_187 = arith.muli %add3A_185, %mul3A_186 : i32
        %get3A = arith.index_cast %add3A_171 : i32 to index
        %get3A_188 = arith.index_cast %mul3A_187 : i32 to index
        %get3A_189 = tpu.vector_load %arg7[%get3A, %get3A_188] {strides = array<i32>} : memref<128x64xf32, #tpu.memory_space<vmem>>, vector<16xf32>,
        %mul3A_190 = arith.mulf %get3A_189, %div3A : vector<16xf32>
        %mul3A_191 = arith.constant 16 : i32
        %mul3A_192 = arith.muli %add3A_185, %mul3A_191 : i32
        %swap3A = arith.index_cast %add3A_171 : i32 to index
        %swap3A_193 = arith.index_cast %mul3A_192 : i32 to index
        %swap3A_194 = tpu.vector_load %arg7[%swap3A, %swap3A_193] {strides = array<i32>} : memref<128x64xf32, #tpu.memory_space<vmem>>, vector<16xf32>,
        tpu.vector_store %arg7[%swap3A, %swap3A_193], %mul3A_190 {strides = array<i32>} : memref<128x64xf32, #tpu.memory_space<vmem>>, vector<16xf32>,
      }
      %scan3A_180 = arith.constant 4 : i32
    }
    %scan3A_155 = arith.constant 128 : i32
    %add3A_156 = arith.constant 384 : i32
    %add3A_157 = arith.addi %mul3A_14, %add3A_156 : i32
    "tpu.region"() ({
      %run_scoped3A_167 = tpu.sem_alloc : memref<!tpu.dma_semaphore, #tpu.memory_space<semaphore_mem>>
      %dma_start3A_168 = tpu.memref_slice %arg4[%add3A_157, %mul3A_0] : memref<10240x128xf32, #tpu.memory_space<hbm>> -> memref<128x64xf32, #tpu.memory_space<hbm>>
      %dma_start3A_169 = tpu.memref_slice %arg4[%add3A_157, %mul3A_0] : memref<10240x128xf32, #tpu.memory_space<hbm>> -> memref<128x64xf32, #tpu.memory_space<hbm>>
      tpu.enqueue_dma source(%arg7 : memref<128x64xf32, #tpu.memory_space<vmem>>) target(%dma_start3A_169 : memref<128x64xf32, #tpu.memory_space<hbm>>) target_semaphore(%run_scoped3A_167 : memref<!tpu.dma_semaphore, #tpu.memory_space<semaphore_mem>>)
      %dma_wait3A_170 = tpu.memref_slice %arg4[%add3A_157, %mul3A_0] : memref<10240x128xf32, #tpu.memory_space<hbm>> -> memref<128x64xf32, #tpu.memory_space<hbm>>
      %dma_wait3A_171 = tpu.memref_slice %arg4[%add3A_157, %mul3A_0] : memref<10240x128xf32, #tpu.memory_space<hbm>> -> memref<128x64xf32, #tpu.memory_space<hbm>>
      tpu.wait_dma2 semaphore(%run_scoped3A_167 : memref<!tpu.dma_semaphore, #tpu.memory_space<semaphore_mem>>) src(%arg7 : memref<128x64xf32, #tpu.memory_space<vmem>>) dst(%dma_wait3A_171 : memref<128x64xf32, #tpu.memory_space<hbm>>)
      tpu.yield
    }) : () -> ()
    %add3A_158 = arith.constant 512 : i32
    %add3A_159 = arith.addi %mul3A_14, %add3A_158 : i32
    "tpu.region"() ({
      %run_scoped3A_167 = tpu.sem_alloc : memref<!tpu.dma_semaphore, #tpu.memory_space<semaphore_mem>>
      %dma_start3A_168 = arith.constant 0 : i32
      %dma_start3A_169 = tpu.memref_slice %arg11[%add3A_159, %dma_start3A_168] : memref<10240x64xf32, #tpu.memory_space<vmem_shared>> -> memref<128x64xf32, #tpu.memory_space<vmem_shared>>
      %dma_start3A_170 = arith.constant 0 : i32
      %dma_start3A_171 = tpu.memref_slice %arg11[%add3A_159, %dma_start3A_170] : memref<10240x64xf32, #tpu.memory_space<vmem_shared>> -> memref<128x64xf32, #tpu.memory_space<vmem_shared>>
      tpu.enqueue_dma source(%dma_start3A_171 : memref<128x64xf32, #tpu.memory_space<vmem_shared>>) target(%arg7 : memref<128x64xf32, #tpu.memory_space<vmem>>) target_semaphore(%run_scoped3A_167 : memref<!tpu.dma_semaphore, #tpu.memory_space<semaphore_mem>>)
      %dma_wait3A_172 = arith.constant 0 : i32
      %dma_wait3A_173 = tpu.memref_slice %arg11[%add3A_159, %dma_wait3A_172] : memref<10240x64xf32, #tpu.memory_space<vmem_shared>> -> memref<128x64xf32, #tpu.memory_space<vmem_shared>>
      %dma_wait3A_174 = arith.constant 0 : i32
      %dma_wait3A_175 = tpu.memref_slice %arg11[%add3A_159, %dma_wait3A_174] : memref<10240x64xf32, #tpu.memory_space<vmem_shared>> -> memref<128x64xf32, #tpu.memory_space<vmem_shared>>
      tpu.wait_dma2 semaphore(%run_scoped3A_167 : memref<!tpu.dma_semaphore, #tpu.memory_space<semaphore_mem>>) src(%dma_wait3A_175 : memref<128x64xf32, #tpu.memory_space<vmem_shared>>) dst(%arg7 : memref<128x64xf32, #tpu.memory_space<vmem>>)
      tpu.yield
    }) : () -> ()
    %scan3A_160 = arith.constant 0 : i32
    %scan3A_161 = arith.constant 128 : i32
    %scan3A_162 = arith.addi %scan3A_160, %scan3A_161 : i32
    %scan3A_163 = arith.constant 1 : i32
    scf.for %scan3A_167 = %scan3A_160 to %scan3A_162 step %scan3A_163  : i32 {
      %mul3A_168 = arith.constant 1 : i32
      %mul3A_169 = arith.muli %scan3A_167, %mul3A_168 : i32
      %add3A_170 = arith.constant 0 : i32
      %add3A_171 = arith.addi %add3A_170, %mul3A_169 : i32
      %broadcast_in_dim3A_172 = arith.constant 512 : i32
      %broadcast_in_dim3A_173 = vector.broadcast %broadcast_in_dim3A_172 : i32 to vector<16xi32>
      %add3A_174 = vector.broadcast %add3A_171 : i32 to vector<16xi32>
      %add3A_175 = arith.addi %broadcast_in_dim3A_173, %add3A_174 : vector<16xi32>
      %gather3A = tpu.vector_load_idx %arg10[%add3A_175] : memref<640xf32, #tpu.memory_space<vmem>>[vector<16xi32>], vector<16xf32>,
      %max3A = arith.maximumf %gather3A, %broadcast_in_dim3A_3 : vector<16xf32>
      %div3A = arith.divf %broadcast_in_dim3A_3, %max3A : vector<16xf32>
      %scan3A_176 = arith.constant 0 : i32
      %scan3A_177 = arith.constant 4 : i32
      %scan3A_178 = arith.addi %scan3A_176, %scan3A_177 : i32
      %scan3A_179 = arith.constant 1 : i32
      scf.for %scan3A_181 = %scan3A_176 to %scan3A_178 step %scan3A_179  : i32 {
        %mul3A_182 = arith.constant 1 : i32
        %mul3A_183 = arith.muli %scan3A_181, %mul3A_182 : i32
        %add3A_184 = arith.constant 0 : i32
        %add3A_185 = arith.addi %add3A_184, %mul3A_183 : i32
        %mul3A_186 = arith.constant 16 : i32
        %mul3A_187 = arith.muli %add3A_185, %mul3A_186 : i32
        %get3A = arith.index_cast %add3A_171 : i32 to index
        %get3A_188 = arith.index_cast %mul3A_187 : i32 to index
        %get3A_189 = tpu.vector_load %arg7[%get3A, %get3A_188] {strides = array<i32>} : memref<128x64xf32, #tpu.memory_space<vmem>>, vector<16xf32>,
        %mul3A_190 = arith.mulf %get3A_189, %div3A : vector<16xf32>
        %mul3A_191 = arith.constant 16 : i32
        %mul3A_192 = arith.muli %add3A_185, %mul3A_191 : i32
        %swap3A = arith.index_cast %add3A_171 : i32 to index
        %swap3A_193 = arith.index_cast %mul3A_192 : i32 to index
        %swap3A_194 = tpu.vector_load %arg7[%swap3A, %swap3A_193] {strides = array<i32>} : memref<128x64xf32, #tpu.memory_space<vmem>>, vector<16xf32>,
        tpu.vector_store %arg7[%swap3A, %swap3A_193], %mul3A_190 {strides = array<i32>} : memref<128x64xf32, #tpu.memory_space<vmem>>, vector<16xf32>,
      }
      %scan3A_180 = arith.constant 4 : i32
    }
    %scan3A_164 = arith.constant 128 : i32
    %add3A_165 = arith.constant 512 : i32
    %add3A_166 = arith.addi %mul3A_14, %add3A_165 : i32
    "tpu.region"() ({
      %run_scoped3A_167 = tpu.sem_alloc : memref<!tpu.dma_semaphore, #tpu.memory_space<semaphore_mem>>
      %dma_start3A_168 = tpu.memref_slice %arg4[%add3A_166, %mul3A_0] : memref<10240x128xf32, #tpu.memory_space<hbm>> -> memref<128x64xf32, #tpu.memory_space<hbm>>
      %dma_start3A_169 = tpu.memref_slice %arg4[%add3A_166, %mul3A_0] : memref<10240x128xf32, #tpu.memory_space<hbm>> -> memref<128x64xf32, #tpu.memory_space<hbm>>
      tpu.enqueue_dma source(%arg7 : memref<128x64xf32, #tpu.memory_space<vmem>>) target(%dma_start3A_169 : memref<128x64xf32, #tpu.memory_space<hbm>>) target_semaphore(%run_scoped3A_167 : memref<!tpu.dma_semaphore, #tpu.memory_space<semaphore_mem>>)
      %dma_wait3A_170 = tpu.memref_slice %arg4[%add3A_166, %mul3A_0] : memref<10240x128xf32, #tpu.memory_space<hbm>> -> memref<128x64xf32, #tpu.memory_space<hbm>>
      %dma_wait3A_171 = tpu.memref_slice %arg4[%add3A_166, %mul3A_0] : memref<10240x128xf32, #tpu.memory_space<hbm>> -> memref<128x64xf32, #tpu.memory_space<hbm>>
      tpu.wait_dma2 semaphore(%run_scoped3A_167 : memref<!tpu.dma_semaphore, #tpu.memory_space<semaphore_mem>>) src(%arg7 : memref<128x64xf32, #tpu.memory_space<vmem>>) dst(%dma_wait3A_171 : memref<128x64xf32, #tpu.memory_space<hbm>>)
      tpu.yield
    }) : () -> ()
    return
  }
}

</mosaic_0001>

<sc_bundles>
// kernel: kernel.3.cloned.1.call-start
scs
__scs_entry_jumppad:
0x0: {  	(pc) =	sbr.rel $0x88, $3  }
0x1: {  	(tag) =	ssettag $0x0;
	lr =	simm.s32 $0x1  }
0x2: {  	[smem:$0x3F9F] =	sst lr;
	_ =	strace $0xD0000000  }
0x3: {  	_ = 	snop  }
0x4: {  	_ = 	snop  }
0x5: {  	_ = 	snop  }
0x6: {  	_ = 	snop  }
0x7: {  	_ = 	snop  }
__scs_overlays_trampoline_lowered:
0x8: {  	[smem:$0x3FAE] =	sst s0  }
0x9: {  	[smem:$0x3FAF] =	sst s1  }
0xa: {  	[smem:$0x3FB0] =	sst s2  }
0xb: {  	[smem:$0x3FB1] =	sst s3  }
0xc: {  	[smem:$0x3FB2] =	sst s4  }
0xd: {  	[smem:$0x3FB3] =	sst s5  }
0xe: {  	[smem:$0x3FB4] =	sst s6  }
0xf: {  	[smem:$0x3FB5] =	sst s7  }
0x10: {  	[smem:$0x3FB6] =	sst s8  }
0x11: {  	[smem:$0x3FB7] =	sst s9;
	s0 =	simm.s32 @!p0 $0x0  }
0x12: {  	s1 =	sld [smem:$0x3F9D];
	s0 =	simm.s32 @p0 $0x1  }
0x13: {  	[smem:$0x3FB8] =	sst s0;
	s0 =	simm.s32 @!p1 $0x0  }
0x14: {  	s2 =	sld [smem:$0x3F9C];
	s0 =	simm.s32 @p1 $0x1  }
0x15: {  	[smem:$0x3FB9] =	sst s0;
	s0 =	simm.s32 @!p2 $0x0  }
0x16: {  	s3 =	sld [smem:$0x3FDB];
	s0 =	simm.s32 @p2 $0x1  }
0x17: {  	s4 =	simm.s32 $0x1BF5;
	[smem:$0x3FBB] =	sst s0  }
0x18: {  	s0 =	sld [smem:$0x3F9E];
	_ =	swait.ge [sflag:s4], $0x0  }
0x19: {  	s7 =	sld [smem:$0x3F9F]  }
0x1a: {  	s8 =	sadd.s32 $0xFFFFE003, lr  }
0x1b: {  	s9 =	sadd.s32 $0xFFFFFEF7, lr;
	s5 =	simm.s32 $0xFFFFFFFF;
	p2 =	slt.u32 s8, $0xFFFFF086  }
0x1c: {  	p1 =	slt.u32 s9, $0xF7A;
	s5 =	simm.s32 @!p2 $0x0  }
0x1d: {  	s5 =	simm.s32 @p1 $0x1;
	p0 =	seq.s32 s7, s2  }
0x1e: {  	s7 =	smul.u32 @!p0 $0xF7A, s2;
	p2 =	seq.s32 @!p0 s5, $0x0  }
0x1f: {  	s9 =	smul.u32 $0xF7A, s1;
	s8 =	simm.s32 @!p0 $0x1BF5;
	p2 =	por !p2, p0  }
0x20: {  	[sflag:s8] =	ssyncset.s32 @!p0 $0xFFFFF086;
	s6 =	sadd.s32 @!p0 s3, s7;
	s7 =	simm.s32 @!p0 $0x108  }
0x21: {  	s3 =	sadd.s32 s3, s9;
	s6 =	sadd.s32 @!p0 $0x88, s6;
	s7 =	simm.s32 @p2 $0x1082  }
0x22: {  	[simem:s7], [sflag:s8] =	dma.local @!p0 [hbm:s6], $0xF7A  }
0x23: {  	s9 =	sor.u32 $0xD0000000, s2;
	s6 =	simm.s32 $0x108;
	_ =	swait.ge @!p0 [sflag:s8], $0x0  }
0x24: {  	s3 =	sadd.s32 $0x88, s3;
	s6 =	simm.s32 @!p1 $0x1082;
	[sflag:s4] =	ssyncset.s32 $0xFFFFF086  }
0x25: {  	[simem:s6], [sflag:s4] =	dma.local [hbm:s3], $0xF7A  }
0x26: {  	[smem:$0x3F9F] =	sst s1;
	(tag) =	ssettag s2;
	_ =	strace s9  }
0x27: {  	s1 =	sld [smem:$0x3FAF]  }
0x28: {  	s2 =	sld [smem:$0x3FB0]  }
0x29: {  	s4 =	sld [smem:$0x3FB2]  }
0x2a: {  	p0 =	seq.s32 s5, $0x0;
	s5 =	sld [smem:$0x3FB3]  }
0x2b: {  	s6 =	sld [smem:$0x3FB4]  }
0x2c: {  	s7 =	sld [smem:$0x3FB5]  }
0x2d: {  	s3 =	simm.s32 $0x108;
	s8 =	sld [smem:$0x3FB6]  }
0x2e: {  	s3 =	simm.s32 @!p0 $0x1082;
	s9 =	sld [smem:$0x3FB7]  }
0x2f: {  	lr =	sadd.s32 s0, s3;
	s0 =	sld [smem:$0x3FAE]  }
0x30: {  	s3 =	sld [smem:$0x3FB1]  }
0x31: {  	[smem:$0x3FBA] =	sst s10  }
0x32: {  	s10 =	sld [smem:$0x3FB8];
	_ =	sdelay $0x3  }
0x33: {  	p0 =	seq.s32 s10, $0x1;
	s10 =	sld [smem:$0x3FBA];
	_ =	sdelay $0x3  }
0x34: {  	[smem:$0x3FBA] =	sst s10  }
0x35: {  	s10 =	sld [smem:$0x3FB9];
	_ =	sdelay $0x3  }
0x36: {  	p1 =	seq.s32 s10, $0x1;
	s10 =	sld [smem:$0x3FBA];
	_ =	sdelay $0x3  }
0x37: {  	[smem:$0x3FBA] =	sst s10  }
0x38: {  	s10 =	sld [smem:$0x3FBB]  }
0x39: {  	_ = 	snop;
	(pc) =	sbr.ind lr, $3  }
0x3a: {  	_ = 	snop  }
0x3b: {  	_ = 	snop  }
0x3c: {  	p2 =	seq.s32 s10, $0x1;
	s10 =	sld [smem:$0x3FBA]  }
0x3d: {  	_ =	shalt  }
0x3e: {  	_ =	shalt  }
0x3f: {  	_ =	shalt  }
0x40: {  	_ =	shalt  }
0x41: {  	_ =	shalt  }
0x42: {  	_ =	shalt  }
0x43: {  	_ =	shalt  }
0x44: {  	_ =	shalt  }
0x45: {  	_ =	shalt  }
0x46: {  	_ =	shalt  }
0x47: {  	_ =	shalt  }
0x48: {  	_ =	shalt  }
0x49: {  	_ =	shalt  }
0x4a: {  	_ =	shalt  }
0x4b: {  	_ =	shalt  }
0x4c: {  	_ =	shalt  }
0x4d: {  	_ =	shalt  }
0x4e: {  	_ =	shalt  }
0x4f: {  	_ =	shalt  }
0x50: {  	_ =	shalt  }
0x51: {  	_ =	shalt  }
0x52: {  	_ =	shalt  }
0x53: {  	_ =	shalt  }
0x54: {  	_ =	shalt  }
0x55: {  	_ =	shalt  }
0x56: {  	_ =	shalt  }
0x57: {  	_ =	shalt  }
0x58: {  	_ =	shalt  }
0x59: {  	_ =	shalt  }
0x5a: {  	_ =	shalt  }
0x5b: {  	_ =	shalt  }
0x5c: {  	_ =	shalt  }
0x5d: {  	_ =	shalt  }
0x5e: {  	_ =	shalt  }
0x5f: {  	_ =	shalt  }
0x60: {  	_ =	shalt  }
0x61: {  	_ =	shalt  }
0x62: {  	_ =	shalt  }
0x63: {  	_ =	shalt  }
0x64: {  	_ =	shalt  }
0x65: {  	_ =	shalt  }
0x66: {  	_ =	shalt  }
0x67: {  	_ =	shalt  }
0x68: {  	_ =	shalt  }
0x69: {  	_ =	shalt  }
0x6a: {  	_ =	shalt  }
0x6b: {  	_ =	shalt  }
0x6c: {  	_ =	shalt  }
0x6d: {  	_ =	shalt  }
0x6e: {  	_ =	shalt  }
0x6f: {  	_ =	shalt  }
0x70: {  	_ =	shalt  }
0x71: {  	_ =	shalt  }
0x72: {  	_ =	shalt  }
0x73: {  	_ =	shalt  }
0x74: {  	_ =	shalt  }
0x75: {  	_ =	shalt  }
0x76: {  	_ =	shalt  }
0x77: {  	_ =	shalt  }
0x78: {  	_ =	shalt  }
0x79: {  	_ =	shalt  }
0x7a: {  	_ =	shalt  }
0x7b: {  	_ =	shalt  }
0x7c: {  	_ =	shalt  }
0x7d: {  	_ =	shalt  }
0x7e: {  	_ =	shalt  }
0x7f: {  	_ =	shalt  }
0x80: {  	_ =	shalt  }
0x81: {  	_ =	shalt  }
0x82: {  	_ =	shalt  }
0x83: {  	_ =	shalt  }
0x84: {  	_ =	shalt  }
0x85: {  	_ =	shalt  }
0x86: {  	_ =	shalt  }
0x87: {  	_ =	shalt  }
.Lfunc_end0:
.L_simem_size_0:
called_computation_lowered:
.L_overlay_start_0:
0x88: {  	s2 =	sld [smem:$0x3FD9]  }
0x89: {  	s3 =	sld [smem:$0x3FFE];
	_ =	sdelay $0x1  }
0x8a: {  	s1 =	srdreg.scid  }
0x8b: {  	s0 =	sand.u32 $0x1, s1  }
0x8c: {  	s17 =	sshll.u32 s0, $0xA;
	s2 =	sadd.s32 s3, s2  }
0x8d: {  	s2 =	sadd.s32 s2, s17  }
0x8e: {  	[smem:$0x3FC6] =	sst s2  }
0x8f: {  	_ = 	snop  }
0x90: {  	s2 =	sld [smem:$0x3FC9]  }
0x91: {  	s18 =	sld [smem:$0x3FC8];
	(tm) =	ssettm $0x1  }
0x92: {  	s4 =	sld [smem:$0x3FFB];
	_ =	sdelay $0x3  }
0x93: {  	_ =	strace s4  }
0x94: {  	s4 =	sld [smem:$0x3FFC];
	_ =	sdelay $0x3  }
0x95: {  	_ =	strace s4  }
0x96: {  	s4 =	sld [smem:$0x3FFD];
	_ =	sdelay $0x3  }
0x97: {  	_ =	strace s4  }
0x98: {  	_ =	strace $0x8FFFFFFF  }
0x99: {  	s19 =	sld [smem:$0x3FDB];
	_ =	sdelay $0x1  }
0x9a: {  	s5 =	simm.s32 $_scs_section_size  }
0x9b: {  	s6 =	simm.s32 $_size__tile_overlayer_lowered;
	s7 =	simm.s32 $_tile_overlayer_lowered  }
0x9c: {  	s22 =	simm.s32 $0x1BFF;
	s21 =	sshll.u32 s7, $0x1;
	s4 =	sadd.s32 s5, s19  }
0x9d: {  	s8 =	simm.s32 $0x0;
	s20 =	sshll.u32 s6, $0x1;
	s6 =	sadd.s32 s21, s4  }
0x9e: {  	[timem:s8], [sflag:s22] =	dma.local [hbm:s6], s20  }
0x9f: {  	_ =	swait.ge [sflag:s22], s20  }
0xa0: {  	s5 =	ssub.s32 $0x0, s20;
	[sflag:s22] =	ssyncset.done $0x0  }
0xa1: {  	[sflag:s22] =	ssyncadd.s32 s5;
	_ =	sdelay $0x1  }
0xa2: {  	s23 =	simm.s32 $0x1B8B  }
0xa3: {  	_ =	swait.ge [sflag:s23], $0x1  }
0xa4: {  	[sflag:s23] =	ssyncset.done $0x0  }
0xa5: {  	s25 =	simm.s32 $0x1B8E;
	s24 =	sld [smem:$0x3FFE];
	[sflag:s23] =	ssyncadd.s32 $0xFFFFFFFF  }
0xa6: {  	s26 =	simm.s32 $execute0_lowered;
	[smem:$0x3FD2] =	sst s25  }
0xa7: {  	s6 =	sshll.u32 s26, $0x1;
	_ =	strace $0x80000046;
	[dreg:$0x1] =	wrdreg $0xFFFFFFFF  }
0xa8: {  	s28 =	simm.s32 $_size_execute0_lowered;
	s4 =	sadd.s32 s4, s6;
	[dreg:$0x0] =	wrdreg $0x0  }
0xa9: {  	s6 =	sshll.u32 s28, $0x1;
	[dreg:$0x2] =	wrdreg s4  }
0xaa: {  	[dreg:$0x3] =	wrdreg s6  }
0xab: {  	[dreg:$0x4] =	wrdreg $0xC0  }
0xac: {  	_ =	task [dreg:s8], $0x5FFFF  }
0xad: {  	[dreg:$0x1] =	wrdreg $0xFFFFFFFF  }
0xae: {  	[dreg:$0x0] =	wrdreg $0x60  }
0xaf: {  	[dreg:$0x2] =	wrdreg s2  }
0xb0: {  	[dreg:$0x3] =	wrdreg s18  }
0xb1: {  	[dreg:$0x4] =	wrdreg s24  }
0xb2: {  	[dreg:$0x5] =	wrdreg $0x12D800  }
0xb3: {  	[dreg:$0x6] =	wrdreg $0x1CD800  }
0xb4: {  	[dreg:$0x7] =	wrdreg $0x9  }
0xb5: {  	_ =	task.clear_ibuf [dreg:s8], $0x8FFFF;
	_ =	strace $0x90000046  }
0xb6: {  	s29 =	simm.s32 $0x9;
	_ =	strace $0x80000048  }
0xb7: {  	_ =	swait.ge [sflag:s29], $0x1  }
0xb8: {  	[sflag:s29] =	ssyncadd.s32 $0xFFFFFFFF  }
0xb9: {  	_ =	strace $0x90000048  }
0xba: {  	_ =	sfence  }
0xbb: {  	s30 =	sld [smem:$0x0];
	_ =	sdelay $0x2  }
0xbc: {  	s31 =	sshll.u32 s1, $0xD;
	s1 =	sshrl.u32 s1, $0x2  }
0xbd: {  	s3 =	sand.u32 $0x4000, s31;
	s1 =	sadd.s32 s1, s30  }
0xbe: {  	s0 =	sor.u32 s3, s0;
	s1 =	sshll.u32 s1, $0x11  }
0xbf: {  	s0 =	sor.u32 s1, s0  }
0xc0: {  	s0 =	sadd.s32 $0x8F2B, s0  }
0xc1: {  	[sflag:s0] =	ssyncadd.remote.s32 $0x1  }
0xc2: {  	_ =	sfence.sel $0xFFFF  }
0xc3: {  	[dreg:$0x0] =	wrdreg $0xFFFFFFFF;
	(pc) =	sbr.abs _section_cstart, $3  }
0xc4: {  	[dreg:$0x1] =	wrdreg $0xFFFFFFFF  }
0xc5: {  	_ =	task.clear_ibuf [dreg:s8], $0x2FFFF;
	_ =	strace $0x9FFFFFFF  }
0xc6: {  	(tm) =	ssettm $0x7FFFFFFF  }
0xc7: {  	_ =	shalt  }
tec
execute0_lowered:
.L_overlay_start_1:
0x0: {  	(tag) =	ssettag $0x1  }
0x1: {  	s1 =	rddreg [dreg:$0x0]  }
0x2: {  	s0 =	rddreg [dreg:$0x1]  }
0x3: {  	s2 =	rddreg [dreg:$0x2]  }
0x4: {  	s3 =	rddreg [dreg:$0x3]  }
0x5: {  	s10 =	rddreg [dreg:$0x4];
	s23 =	stileid.u32  }
0x6: {  	s4 =	srdreg.scid;
	s12 =	smul.u32 $0x280, s23  }
0x7: {  	s28 =	simm.s32 $0x2;
	s29 =	simm.s32 $0x6000;
	s7 =	smul.u32 $0x28000, s23  }
0x8: {  	s31 =	simm.s32 $0x0;
	s11 =	sand.u32 $0x1, s4;
	s15 =	smul.u32 $0x9C0, s23  }
0x9: {  	s4 =	simm.s32 $0x0;
	s2 =	sadd.s32 $0x400, s2;
	s19 =	smul.u32 $0x270000, s23  }
0xa: {  	s20 =	sor.u32 $0x4E0, s23;
	s22 =	smul.u32 $0xA000, s23;
	p0 =	sgt.u32 s23, $0x1  }
0xb: {  	s5 =	ssub.s32 $0x2, s11;
	[smem:$0x7FF] =	sst s4;
	s11 =	sshll.u32 s11, $0x6  }
0xc: {  	s30 =	sshll.u32 s20, $0x5;
	s20 =	sshll.u32 s20, $0xF;
	s6 =	sshrl.u32 s5, $0x1  }
0xd: {  	_ =	strace $0x80000047;
	s24 =	sshrl.u32 s7, $0x2;
	s14 =	sadd.s32 $0x80, s12  }
0xe: {  	s16 =	sadd.s32 $0x100, s12;
	s17 =	sadd.s32 $0x180, s12;
	s18 =	sadd.s32 $0x200, s12  }
0xf: {  	s15 =	sadd.s32 s0, s15;
	s19 =	sor.u32 s11, s19;
	s0 =	sadd.s32 s0, s30  }
0x10: {  	s20 =	sor.u32 s11, s20;
	s13 =	ssub.s32 s5, s6;
	s5 =	sadd.s32 s24, s3  }
0x11: {  	s25 =	sshll.u32 s14, $0x6;
	s26 =	sshll.u32 s16, $0x6;
	s8 =	sshll.u32 s17, $0x6  }
0x12: {  	s9 =	sshll.u32 s18, $0x6;
	[dreg:$0x6] =	wrdreg s15;
	s21 =	sshrl.u32 s19, $0x3  }
0x13: {  	[dreg:$0x7] =	wrdreg s0;
	s0 =	sshrl.u32 s20, $0x3;
	s24 =	sshrl.u32 s22, $0x2  }
0x14: {  	s30 =	sshll.u32 s14, $0x7;
	s15 =	sadd.s32 s12, s10;
	s16 =	sshll.u32 s16, $0x7  }
0x15: {  	s20 =	sshll.u32 s17, $0x7;
	s22 =	sshll.u32 s18, $0x7;
	s0 =	sadd.s32 s1, s0  }
0x16: {  	s7 =	sadd.s32 s26, s3;
	s26 =	sadd.s32 s24, s10;
	[dreg:$0x9] =	wrdreg s0  }
0x17: {  	s6 =	sadd.s32 s25, s3;
	s12 =	sadd.s32 $0x2800, s15;
	[dreg:$0xa] =	wrdreg s26  }
0x18: {  	s8 =	sadd.s32 s8, s3;
	s24 =	sadd.s32 $0x5000, s15;
	[dreg:$0xb] =	wrdreg s12  }
0x19: {  	s9 =	sadd.s32 s9, s3;
	s17 =	sadd.s32 $0xF000, s15;
	[dreg:$0xc] =	wrdreg s24  }
0x1a: {  	s21 =	sadd.s32 s21, s1;
	s18 =	sadd.s32 $0x11800, s15;
	[dreg:$0x17] =	wrdreg s17  }
0x1b: {  	s25 =	smul.u32 $0x14000, s23;
	s23 =	sadd.s32 $0x1B800, s15;
	[dreg:$0x18] =	wrdreg s18  }
0x1c: {  	s0 =	sor.u32 s11, s30;
	s12 =	sor.u32 s11, s16;
	[dreg:$0x1c] =	wrdreg s23  }
0x1d: {  	s16 =	sadd.s32 $0xC800, s15;
	s24 =	sadd.s32 $0x1E000, s15;
	[dreg:$0x8] =	wrdreg s21  }
0x1e: {  	s18 =	simm.s32 $0xCF00;
	s14 =	sor.u32 s11, s25;
	[dreg:$0x16] =	wrdreg s16  }
0x1f: {  	s25 =	sshrl.u32 s12, $0x3;
	s12 =	smax.u32 s13, $0x1;
	[dreg:$0x1d] =	wrdreg s24  }
0x20: {  	s23 =	simm.s32 $0x1;
	s13 =	sadd.s32 $0x10000, s19;
	[dreg:$0x13] =	wrdreg s12  }
0x21: {  	s0 =	sshrl.u32 s0, $0x3;
	s19 =	sadd.s32 $0x14000, s15;
	[dreg:$0x14] =	wrdreg s13  }
0x22: {  	s10 =	sshrl.u32 s14, $0x3;
	s0 =	sadd.s32 s2, s0;
	[dreg:$0x19] =	wrdreg s19  }
0x23: {  	s14 =	sor.u32 s11, s20;
	s20 =	sadd.s32 $0x16800, s15;
	[dreg:$0xe] =	wrdreg s0  }
0x24: {  	s11 =	sor.u32 s11, s22;
	s22 =	sadd.s32 $0x19000, s15;
	[dreg:$0x1a] =	wrdreg s20  }
0x25: {  	s16 =	sadd.s32 $0x1000, s21;
	s10 =	sadd.s32 s2, s10;
	[dreg:$0x1b] =	wrdreg s22  }
0x26: {  	s21 =	simm.s32 $0x80;
	s0 =	sadd.s32 s2, s25;
	[dreg:$0xd] =	wrdreg s10  }
0x27: {  	s26 =	sshrl.u32 s14, $0x3;
	s14 =	sadd.s32 $0xA000, s15;
	[dreg:$0xf] =	wrdreg s0  }
0x28: {  	s24 =	simm.s32 $0x4000;
	s25 =	sadd.s32 $0x20800, s15;
	[dreg:$0x15] =	wrdreg s14  }
0x29: {  	s11 =	sshrl.u32 s11, $0x3;
	s30 =	sadd.s32 s2, s26;
	[dreg:$0x1e] =	wrdreg s25  }
0x2a: {  	s19 =	simm.s32 $0x5;
	s10 =	sadd.s32 s2, s11;
	[dreg:$0x10] =	wrdreg s30  }
0x2b: {  	s12 =	simm.s32 $0xEF00;
	s11 =	sadd.s32 $0x7800, s15;
	[dreg:$0x11] =	wrdreg s10  }
0x2c: {  	s13 =	simm.s32 $0x12B00;
	s26 =	sadd.s32 $0x23000, s15;
	[dreg:$0x12] =	wrdreg s11  }
0x2d: {  	s20 =	simm.s32 $0x40;
	[dreg:$0x1f] =	wrdreg s26;
	s30 =	sadd.s32 $0x25800, s15  }
0x2e: {  	v0 =	vimm.f32 $0.0e+00;
	v1 =	vimm.f32 $1.000000000e+00;
	s22 =	simm.s32 $0x3;
	s26 =	simm.s32 $0x2000;
	[smem:$0x7FD] =	sst s30  }
.LBB2_1:
0x2f: {  	s0 =	simm.s32 $0x0  }
.LBB2_2:
0x30: {  	p1 =	sne.s32 s0, $0x7F00  }
.Ltmp0:
0x31: {  	s2 =	sshra.s32 s0, $0x2;
	(pc) =	sbr.rel @p1 .LBB2_2-.Ltmp0, $4  }
0x32: {  	[tilespmem:s2+$0xCF00] =	vst v0  }
0x33: {  	[tilespmem:s2+$0xCF10] =	vst v0  }
0x34: {  	[tilespmem:s2+$0xCF20] =	vst v0  }
0x35: {  	s0 =	sadd.s32 $0x100, s0;
	[tilespmem:s2+$0xCF30] =	vst v0  }
0x36: {  	s0 =	simm.s32 $0x40;
	s2 =	simm.s32 $0x0  }
.LBB2_4:
0x37: {  	p1 =	sne.s32 s0, $0x9FC0;
	[tilespmem:s2+$0xEF00] =	vst v0;
	s2 =	smov.u32 s0;
	s0 =	sadd.s32 $0x40, s0  }
.Ltmp1:
0x38: {  	(pc) =	sbr.rel @p1 .LBB2_4-.Ltmp1, $2  }
0x39: {  	_ =	sdelay $0x2  }
0x3a: {  	s2 =	sshra.s32 s2, $0x2  }
0x3b: {  	[tilespmem:s2+$0xEF00] =	vst v0  }
0x3c: {  	[spmem:s5] =	stream.linear.scatter [tilespmem:s18], [sflag:$0x5], $0x2000, $0x38;
	[tilespmem:$0x1F580] =	vst v63  }
0x3d: {  	_ =	swait.ge [sflag:s19], $0x2000  }
0x3e: {  	[sflag:s19] =	ssyncset.done $0x0  }
0x3f: {  	[sflag:s19] =	ssyncadd.s32 $0xFFFFE000  }
0x40: {  	[spmem:s6] =	stream.linear.scatter [tilespmem:s18], [sflag:$0x5], $0x2000, $0x38;
	[tilespmem:$0x1F580] =	vst v63  }
0x41: {  	_ =	swait.ge [sflag:s19], $0x2000  }
0x42: {  	[sflag:s19] =	ssyncset.done $0x0  }
0x43: {  	[sflag:s19] =	ssyncadd.s32 $0xFFFFE000  }
0x44: {  	[spmem:s7] =	stream.linear.scatter [tilespmem:s18], [sflag:$0x5], $0x2000, $0x38;
	[tilespmem:$0x1F580] =	vst v63  }
0x45: {  	_ =	swait.ge [sflag:s19], $0x2000  }
0x46: {  	[sflag:s19] =	ssyncset.done $0x0  }
0x47: {  	[sflag:s19] =	ssyncadd.s32 $0xFFFFE000  }
0x48: {  	[spmem:s8] =	stream.linear.scatter [tilespmem:s18], [sflag:$0x5], $0x2000, $0x38;
	[tilespmem:$0x1F580] =	vst v63  }
0x49: {  	_ =	swait.ge [sflag:s19], $0x2000  }
0x4a: {  	[sflag:s19] =	ssyncset.done $0x0  }
0x4b: {  	[sflag:s19] =	ssyncadd.s32 $0xFFFFE000  }
0x4c: {  	[spmem:s9] =	stream.linear.scatter [tilespmem:s18], [sflag:$0x5], $0x2000, $0x38;
	[tilespmem:$0x1F580] =	vst v63  }
0x4d: {  	_ =	swait.ge [sflag:s19], $0x2000  }
0x4e: {  	[sflag:s19] =	ssyncset.done $0x0  }
0x4f: {  	[sflag:s19] =	ssyncadd.s32 $0xFFFFE000  }
0x50: {  	[bflag:$0x0] =	sbarrier.arrive $0xFFFF  }
0x51: {  	s25 =	simm.s32 $0x8000;
	s0 =	rddreg [dreg:$0x6]  }
0x52: {  	[tilespmem:s25], [sflag:$0x3] =	stream.linear.gather [hbm4b:s0+s4], $0x4E00, $0x38;
	[tilespmem:$0x1F580] =	vst v63  }
0x53: {  	s2 =	simm.s32 @!p0 $0xCE00;
	s10 =	rddreg [dreg:$0x7];
	s0 =	simm.s32 @!p0 $0x0  }
0x54: {  	[tilespmem:s2], [sflag:$0x4] =	stream.linear.gather @!p0 [hbm4b:s10+s0], $0x100, $0x38;
	[tilespmem:$0x1F580] =	vst v63  }
0x55: {  	s14 =	simm.s32 $0x0;
	s30 =	rddreg [dreg:$0x8]  }
0x56: {  	[tilespmem:s14], [sflag:$0x1] =	stream.strided.gather [hbm4b:s30+s20], $0x4000, s21, s20, $0x38;
	[tilespmem:$0x1F580] =	vst v63  }
0x57: {  	_ =	swait.ge [sflag:s22], $0x4E00  }
0x58: {  	[sflag:s22] =	ssyncset.done $0x0  }
0x59: {  	s17 =	smov.u32 s16;
	s0 =	rddreg [dreg:$0x14];
	[sflag:s22] =	ssyncadd.s32 $0xFFFFB200  }
.LBB2_6:
0x5a: {  	_ =	swait.ge [sflag:s23], $0x4000  }
0x5b: {  	[sflag:s23] =	ssyncset.done $0x0  }
0x5c: {  	s2 =	sshra.s32 s14, $0x2;
	[sflag:s23] =	ssyncadd.s32 $0xFFFFC000  }
0x5d: {  	[tilespmem:s24], [sflag:$0x2] =	stream.strided.gather [hbm4b:s17+s20], $0x4000, s21, s20, $0x38;
	[tilespmem:$0x1F580] =	vst v63  }
0x5e: {  	v2 =	vld [tilespmem:s2+$0x8000];
	_ =	sdelay $0x7  }
0x5f: {  	[tilespmem:v2+s12+$0x0] =	vst.idx.add.f32.msk $0xffff, v1  }
0x60: {  	v2 =	vld [tilespmem:s2+$0x8010];
	_ =	sdelay $0x7  }
0x61: {  	[tilespmem:v2+s12+$0x0] =	vst.idx.add.f32.msk $0xffff, v1  }
0x62: {  	v2 =	vld [tilespmem:s2+$0x8020];
	_ =	sdelay $0x7  }
0x63: {  	[tilespmem:v2+s12+$0x0] =	vst.idx.add.f32.msk $0xffff, v1  }
0x64: {  	v2 =	vld [tilespmem:s2+$0x8030];
	_ =	sdelay $0x7  }
0x65: {  	[tilespmem:v2+s12+$0x0] =	vst.idx.add.f32.msk $0xffff, v1  }
0x66: {  	v2 =	vld [tilespmem:s2+$0x8040];
	_ =	sdelay $0x7  }
0x67: {  	[tilespmem:v2+s12+$0x0] =	vst.idx.add.f32.msk $0xffff, v1  }
0x68: {  	v2 =	vld [tilespmem:s2+$0x8050];
	_ =	sdelay $0x7  }
0x69: {  	[tilespmem:v2+s12+$0x0] =	vst.idx.add.f32.msk $0xffff, v1  }
0x6a: {  	v2 =	vld [tilespmem:s2+$0x8060];
	_ =	sdelay $0x7  }
0x6b: {  	[tilespmem:v2+s12+$0x0] =	vst.idx.add.f32.msk $0xffff, v1  }
0x6c: {  	v2 =	vld [tilespmem:s2+$0x8070];
	_ =	sdelay $0x7  }
0x6d: {  	[tilespmem:v2+s12+$0x0] =	vst.idx.add.f32.msk $0xffff, v1  }
0x6e: {  	v2 =	vld [tilespmem:s2+$0x8080];
	_ =	sdelay $0x7  }
0x6f: {  	[tilespmem:v2+s12+$0x0] =	vst.idx.add.f32.msk $0xffff, v1  }
0x70: {  	v2 =	vld [tilespmem:s2+$0x8090];
	_ =	sdelay $0x7  }
0x71: {  	[tilespmem:v2+s12+$0x0] =	vst.idx.add.f32.msk $0xffff, v1  }
0x72: {  	v2 =	vld [tilespmem:s2+$0x80A0];
	_ =	sdelay $0x7  }
0x73: {  	[tilespmem:v2+s12+$0x0] =	vst.idx.add.f32.msk $0xffff, v1  }
0x74: {  	v2 =	vld [tilespmem:s2+$0x80B0];
	_ =	sdelay $0x7  }
0x75: {  	[tilespmem:v2+s12+$0x0] =	vst.idx.add.f32.msk $0xffff, v1  }
0x76: {  	v2 =	vld [tilespmem:s2+$0x80C0];
	_ =	sdelay $0x7  }
0x77: {  	[tilespmem:v2+s12+$0x0] =	vst.idx.add.f32.msk $0xffff, v1  }
0x78: {  	v2 =	vld [tilespmem:s2+$0x80D0];
	_ =	sdelay $0x7  }
0x79: {  	[tilespmem:v2+s12+$0x0] =	vst.idx.add.f32.msk $0xffff, v1  }
0x7a: {  	v2 =	vld [tilespmem:s2+$0x80E0];
	_ =	sdelay $0x7  }
0x7b: {  	[tilespmem:v2+s12+$0x0] =	vst.idx.add.f32.msk $0xffff, v1  }
0x7c: {  	v2 =	vld [tilespmem:s2+$0x80F0];
	_ =	sdelay $0x7  }
0x7d: {  	s10 =	sadd.s32 $0x8000, s2;
	[tilespmem:v2+s12+$0x0] =	vst.idx.add.f32.msk $0xffff, v1  }
0x7e: {  	[spmem:s3] =	stream.indirect.scatter.add.f32 [tilespmem:s4], [sflag:$0x5], $0x40, s10, s21, $0xb8;
	[tilespmem:$0x1F580] =	vst v63  }
0x7f: {  	_ =	swait.ge [sflag:s19], $0x2000  }
0x80: {  	[sflag:s19] =	ssyncset.done $0x0  }
0x81: {  	s25 =	sadd.s32 $0x8080, s2;
	[sflag:s19] =	ssyncadd.s32 $0xFFFFE000  }
0x82: {  	[spmem:s3] =	stream.indirect.scatter.add.f32 [tilespmem:s26], [sflag:$0x5], $0x40, s25, s21, $0xb8;
	[tilespmem:$0x1F580] =	vst v63  }
0x83: {  	_ =	swait.ge [sflag:s19], $0x2000  }
0x84: {  	[sflag:s19] =	ssyncset.done $0x0  }
0x85: {  	p1 =	seq.s32 s14, $0x13000;
	[sflag:s19] =	ssyncadd.s32 $0xFFFFE000  }
0x86: {  	s11 =	simm.s32 @!p1 $0x40;
	_ =	swait.ge [sflag:s28], $0x4000  }
0x87: {  	s30 =	simm.s32 @!p1 $0x80;
	s10 =	sshrl.u32 @!p1 s0, $0x3;
	[sflag:s28] =	ssyncset.done $0x0  }
0x88: {  	s10 =	sadd.s32 @!p1 s1, s10;
	s25 =	simm.s32 @!p1 $0x0;
	[sflag:s28] =	ssyncadd.s32 $0xFFFFC000  }
0x89: {  	[tilespmem:s25], [sflag:$0x1] =	stream.strided.gather @!p1 [hbm4b:s10+s11], $0x4000, s30, s11, $0x38;
	[tilespmem:$0x1F580] =	vst v63  }
0x8a: {  	v2 =	vld [tilespmem:s2+$0x8100];
	_ =	sdelay $0x7  }
0x8b: {  	[tilespmem:v2+s12+$0x0] =	vst.idx.add.f32.msk $0xffff, v1  }
0x8c: {  	v2 =	vld [tilespmem:s2+$0x8110];
	_ =	sdelay $0x7  }
0x8d: {  	[tilespmem:v2+s12+$0x0] =	vst.idx.add.f32.msk $0xffff, v1  }
0x8e: {  	v2 =	vld [tilespmem:s2+$0x8120];
	_ =	sdelay $0x7  }
0x8f: {  	[tilespmem:v2+s12+$0x0] =	vst.idx.add.f32.msk $0xffff, v1  }
0x90: {  	v2 =	vld [tilespmem:s2+$0x8130];
	_ =	sdelay $0x7  }
0x91: {  	[tilespmem:v2+s12+$0x0] =	vst.idx.add.f32.msk $0xffff, v1  }
0x92: {  	v2 =	vld [tilespmem:s2+$0x8140];
	_ =	sdelay $0x7  }
0x93: {  	[tilespmem:v2+s12+$0x0] =	vst.idx.add.f32.msk $0xffff, v1  }
0x94: {  	v2 =	vld [tilespmem:s2+$0x8150];
	_ =	sdelay $0x7  }
0x95: {  	[tilespmem:v2+s12+$0x0] =	vst.idx.add.f32.msk $0xffff, v1  }
0x96: {  	v2 =	vld [tilespmem:s2+$0x8160];
	_ =	sdelay $0x7  }
0x97: {  	[tilespmem:v2+s12+$0x0] =	vst.idx.add.f32.msk $0xffff, v1  }
0x98: {  	v2 =	vld [tilespmem:s2+$0x8170];
	_ =	sdelay $0x7  }
0x99: {  	[tilespmem:v2+s12+$0x0] =	vst.idx.add.f32.msk $0xffff, v1  }
0x9a: {  	v2 =	vld [tilespmem:s2+$0x8180];
	_ =	sdelay $0x7  }
0x9b: {  	[tilespmem:v2+s12+$0x0] =	vst.idx.add.f32.msk $0xffff, v1  }
0x9c: {  	v2 =	vld [tilespmem:s2+$0x8190];
	_ =	sdelay $0x7  }
0x9d: {  	[tilespmem:v2+s12+$0x0] =	vst.idx.add.f32.msk $0xffff, v1  }
0x9e: {  	v2 =	vld [tilespmem:s2+$0x81A0];
	_ =	sdelay $0x7  }
0x9f: {  	[tilespmem:v2+s12+$0x0] =	vst.idx.add.f32.msk $0xffff, v1  }
0xa0: {  	v2 =	vld [tilespmem:s2+$0x81B0];
	_ =	sdelay $0x7  }
0xa1: {  	[tilespmem:v2+s12+$0x0] =	vst.idx.add.f32.msk $0xffff, v1  }
0xa2: {  	v2 =	vld [tilespmem:s2+$0x81C0];
	_ =	sdelay $0x7  }
0xa3: {  	[tilespmem:v2+s12+$0x0] =	vst.idx.add.f32.msk $0xffff, v1  }
0xa4: {  	v2 =	vld [tilespmem:s2+$0x81D0];
	_ =	sdelay $0x7  }
0xa5: {  	[tilespmem:v2+s12+$0x0] =	vst.idx.add.f32.msk $0xffff, v1  }
0xa6: {  	v2 =	vld [tilespmem:s2+$0x81E0];
	_ =	sdelay $0x7  }
0xa7: {  	[tilespmem:v2+s12+$0x0] =	vst.idx.add.f32.msk $0xffff, v1  }
0xa8: {  	v2 =	vld [tilespmem:s2+$0x81F0];
	_ =	sdelay $0x7  }
0xa9: {  	s30 =	sadd.s32 $0x8100, s2;
	[tilespmem:v2+s12+$0x0] =	vst.idx.add.f32.msk $0xffff, v1  }
0xaa: {  	[spmem:s3] =	stream.indirect.scatter.add.f32 [tilespmem:s24], [sflag:$0x5], $0x40, s30, s21, $0xb8;
	[tilespmem:$0x1F580] =	vst v63  }
0xab: {  	s14 =	sadd.s32 $0x800, s14;
	_ =	swait.ge [sflag:s19], $0x2000  }
0xac: {  	p1 =	sne.s32 s14, $0x13800;
	[sflag:s19] =	ssyncset.done $0x0  }
.Ltmp2:
0xad: {  	s2 =	sadd.s32 $0x8180, s2;
	[sflag:s19] =	ssyncadd.s32 $0xFFFFE000;
	(pc) =	sbr.rel @p1 .LBB2_6-.Ltmp2, $4  }
0xae: {  	[spmem:s3] =	stream.indirect.scatter.add.f32 [tilespmem:s29], [sflag:$0x5], $0x40, s2, s21, $0xb8;
	[tilespmem:$0x1F580] =	vst v63  }
0xaf: {  	_ =	swait.ge [sflag:s19], $0x2000  }
0xb0: {  	[sflag:s19] =	ssyncset.done $0x0  }
0xb1: {  	s17 =	sadd.s32 $0x2000, s17;
	s0 =	sadd.s32 $0x10000, s0;
	[sflag:s19] =	ssyncadd.s32 $0xFFFFE000  }
0xb2: {  	s0 =	simm.s32 @!p0 $0x4  }
0xb3: {  	_ =	swait.ge @!p0 [sflag:s0], $0x100  }
0xb4: {  	s2 =	simm.s32 @!p0 $0x80;
	s10 =	simm.s32 @!p0 $0x0;
	[sflag:s0] =	ssyncset.done @!p0 $0x0  }
0xb5: {  	s11 =	rddreg [dreg:$0x9];
	[sflag:s0] =	ssyncadd.s32 @!p0 $0xFFFFFF00;
	s0 =	simm.s32 @!p0 $0x40  }
0xb6: {  	[tilespmem:s10], [sflag:$0x5] =	stream.strided.gather @!p0 [hbm4b:s11+s0], $0x4000, s2, s0, $0x38;
	[tilespmem:$0x1F580] =	vst v63  }
0xb7: {  	s0 =	simm.s32 @!p0 $0x5  }
0xb8: {  	_ =	swait.ge @!p0 [sflag:s0], $0x4000  }
0xb9: {  	[sflag:s0] =	ssyncset.done @!p0 $0x0  }
0xba: {  	[sflag:s0] =	ssyncadd.s32 @!p0 $0xFFFFC000  }
0xbb: {  	v2 =	vld @!p0 [tilespmem:$0xCE00];
	_ =	sdelay $0x6  }
0xbc: {  	v3 =	vimm.f32 @!p0 $1.000000000e+00;
	s11 =	simm.s32 @!p0 $0xEF00  }
0xbd: {  	[tilespmem:v2+s11+$0x0] =	vst.idx.add.f32.msk @!p0 $0xffff, v3  }
0xbe: {  	v2 =	vld @!p0 [tilespmem:$0xCE10];
	_ =	sdelay $0x7  }
0xbf: {  	[tilespmem:v2+s11+$0x0] =	vst.idx.add.f32.msk @!p0 $0xffff, v3  }
0xc0: {  	v2 =	vld @!p0 [tilespmem:$0xCE20];
	_ =	sdelay $0x7  }
0xc1: {  	[tilespmem:v2+s11+$0x0] =	vst.idx.add.f32.msk @!p0 $0xffff, v3  }
0xc2: {  	v2 =	vld @!p0 [tilespmem:$0xCE30];
	_ =	sdelay $0x7  }
0xc3: {  	[tilespmem:v2+s11+$0x0] =	vst.idx.add.f32.msk @!p0 $0xffff, v3  }
0xc4: {  	v2 =	vld @!p0 [tilespmem:$0xCE40];
	_ =	sdelay $0x7  }
0xc5: {  	[tilespmem:v2+s11+$0x0] =	vst.idx.add.f32.msk @!p0 $0xffff, v3  }
0xc6: {  	v2 =	vld @!p0 [tilespmem:$0xCE50];
	_ =	sdelay $0x7  }
0xc7: {  	[tilespmem:v2+s11+$0x0] =	vst.idx.add.f32.msk @!p0 $0xffff, v3  }
0xc8: {  	v2 =	vld @!p0 [tilespmem:$0xCE60];
	_ =	sdelay $0x7  }
0xc9: {  	[tilespmem:v2+s11+$0x0] =	vst.idx.add.f32.msk @!p0 $0xffff, v3  }
0xca: {  	v2 =	vld @!p0 [tilespmem:$0xCE70];
	_ =	sdelay $0x7  }
0xcb: {  	[tilespmem:v2+s11+$0x0] =	vst.idx.add.f32.msk @!p0 $0xffff, v3  }
0xcc: {  	v2 =	vld @!p0 [tilespmem:$0xCE80];
	_ =	sdelay $0x7  }
0xcd: {  	[tilespmem:v2+s11+$0x0] =	vst.idx.add.f32.msk @!p0 $0xffff, v3  }
0xce: {  	v2 =	vld @!p0 [tilespmem:$0xCE90];
	_ =	sdelay $0x7  }
0xcf: {  	[tilespmem:v2+s11+$0x0] =	vst.idx.add.f32.msk @!p0 $0xffff, v3  }
0xd0: {  	v2 =	vld @!p0 [tilespmem:$0xCEA0];
	_ =	sdelay $0x7  }
0xd1: {  	[tilespmem:v2+s11+$0x0] =	vst.idx.add.f32.msk @!p0 $0xffff, v3  }
0xd2: {  	v2 =	vld @!p0 [tilespmem:$0xCEB0];
	_ =	sdelay $0x7  }
0xd3: {  	[tilespmem:v2+s11+$0x0] =	vst.idx.add.f32.msk @!p0 $0xffff, v3  }
0xd4: {  	v2 =	vld @!p0 [tilespmem:$0xCEC0];
	_ =	sdelay $0x7  }
0xd5: {  	[tilespmem:v2+s11+$0x0] =	vst.idx.add.f32.msk @!p0 $0xffff, v3  }
0xd6: {  	v2 =	vld @!p0 [tilespmem:$0xCED0];
	_ =	sdelay $0x7  }
0xd7: {  	[tilespmem:v2+s11+$0x0] =	vst.idx.add.f32.msk @!p0 $0xffff, v3  }
0xd8: {  	v2 =	vld @!p0 [tilespmem:$0xCEE0];
	_ =	sdelay $0x7  }
0xd9: {  	[tilespmem:v2+s11+$0x0] =	vst.idx.add.f32.msk @!p0 $0xffff, v3  }
0xda: {  	v2 =	vld @!p0 [tilespmem:$0xCEF0];
	_ =	sdelay $0x7  }
0xdb: {  	[tilespmem:v2+s11+$0x0] =	vst.idx.add.f32.msk @!p0 $0xffff, v3;
	s11 =	simm.s32 @!p0 $0xCE00  }
0xdc: {  	[spmem:s3] =	stream.indirect.scatter.add.f32 @!p0 [tilespmem:s10], [sflag:$0x5], $0x40, s11, s2, $0xb8;
	[tilespmem:$0x1F580] =	vst v63  }
0xdd: {  	_ =	swait.ge @!p0 [sflag:s0], $0x2000  }
0xde: {  	[sflag:s0] =	ssyncset.done @!p0 $0x0  }
0xdf: {  	s10 =	simm.s32 @!p0 $0xCE80;
	s11 =	simm.s32 @!p0 $0x2000;
	[sflag:s0] =	ssyncadd.s32 @!p0 $0xFFFFE000  }
0xe0: {  	[spmem:s3] =	stream.indirect.scatter.add.f32 @!p0 [tilespmem:s11], [sflag:$0x5], $0x40, s10, s2, $0xb8;
	[tilespmem:$0x1F580] =	vst v63  }
0xe1: {  	_ =	swait.ge @!p0 [sflag:s0], $0x2000  }
0xe2: {  	[sflag:s0] =	ssyncset.done @!p0 $0x0  }
0xe3: {  	s11 =	rddreg [dreg:$0xa];
	[sflag:s0] =	ssyncadd.s32 @!p0 $0xFFFFE000  }
0xe4: {  	[spmem:s11] =	stream.linear.scatter [tilespmem:s12], [sflag:$0x5], $0x2800, $0x38;
	[tilespmem:$0x1F580] =	vst v63  }
0xe5: {  	_ =	swait.ge [sflag:s19], $0x2800  }
0xe6: {  	[sflag:s19] =	ssyncset.done $0x0  }
0xe7: {  	[sflag:s19] =	ssyncadd.s32 $0xFFFFD800  }
0xe8: {  	[bflag:$0x0] =	sbarrier.arrive $0xFFFF  }
0xe9: {  	[tilespmem:$0x12B00] =	vst v0  }
0xea: {  	[tilespmem:$0x12B10] =	vst v0  }
0xeb: {  	[tilespmem:$0x12B20] =	vst v0  }
0xec: {  	[tilespmem:$0x12B30] =	vst v0  }
0xed: {  	[tilespmem:$0x12B40] =	vst v0  }
0xee: {  	[tilespmem:$0x12B50] =	vst v0  }
0xef: {  	[tilespmem:$0x12B60] =	vst v0  }
0xf0: {  	[tilespmem:$0x12B70] =	vst v0  }
0xf1: {  	[tilespmem:$0x12B80] =	vst v0  }
0xf2: {  	[tilespmem:$0x12B90] =	vst v0  }
0xf3: {  	[tilespmem:$0x12BA0] =	vst v0  }
0xf4: {  	[tilespmem:$0x12BB0] =	vst v0  }
0xf5: {  	[tilespmem:$0x12BC0] =	vst v0  }
0xf6: {  	[tilespmem:$0x12BD0] =	vst v0  }
0xf7: {  	[tilespmem:$0x12BE0] =	vst v0  }
0xf8: {  	[tilespmem:$0x12BF0] =	vst v0  }
0xf9: {  	[tilespmem:$0x12C00] =	vst v0  }
0xfa: {  	[tilespmem:$0x12C10] =	vst v0  }
0xfb: {  	[tilespmem:$0x12C20] =	vst v0  }
0xfc: {  	[tilespmem:$0x12C30] =	vst v0  }
0xfd: {  	[tilespmem:$0x12C40] =	vst v0  }
0xfe: {  	[tilespmem:$0x12C50] =	vst v0  }
0xff: {  	[tilespmem:$0x12C60] =	vst v0  }
0x100: {  	[tilespmem:$0x12C70] =	vst v0  }
0x101: {  	[tilespmem:$0x12C80] =	vst v0  }
0x102: {  	[tilespmem:$0x12C90] =	vst v0  }
0x103: {  	[tilespmem:$0x12CA0] =	vst v0  }
0x104: {  	[tilespmem:$0x12CB0] =	vst v0  }
0x105: {  	[tilespmem:$0x12CC0] =	vst v0  }
0x106: {  	[tilespmem:$0x12CD0] =	vst v0  }
0x107: {  	[tilespmem:$0x12CE0] =	vst v0  }
0x108: {  	[tilespmem:$0x12CF0] =	vst v0  }
0x109: {  	[tilespmem:$0x12D00] =	vst v0  }
0x10a: {  	[tilespmem:$0x12D10] =	vst v0  }
0x10b: {  	[tilespmem:$0x12D20] =	vst v0  }
0x10c: {  	[tilespmem:$0x12D30] =	vst v0  }
0x10d: {  	[tilespmem:$0x12D40] =	vst v0  }
0x10e: {  	[tilespmem:$0x12D50] =	vst v0  }
0x10f: {  	[tilespmem:$0x12D60] =	vst v0  }
0x110: {  	s10 =	simm.s32 $0x11700;
	[tilespmem:$0x12D70] =	vst v0  }
0x111: {  	[tilespmem:s10], [sflag:$0x5] =	stream.linear.gather [spmem:s15], $0x280, $0x38;
	[tilespmem:$0x1F580] =	vst v63  }
0x112: {  	_ =	swait.ge [sflag:s19], $0x280  }
0x113: {  	[sflag:s19] =	ssyncset.done $0x0  }
0x114: {  	s11 =	simm.s32 $0x11980;
	s14 =	rddreg [dreg:$0xb];
	[sflag:s19] =	ssyncadd.s32 $0xFFFFFD80  }
0x115: {  	[tilespmem:s11], [sflag:$0x5] =	stream.linear.gather [spmem:s14], $0x280, $0x38;
	[tilespmem:$0x1F580] =	vst v63  }
0x116: {  	_ =	swait.ge [sflag:s19], $0x280  }
0x117: {  	[sflag:s19] =	ssyncset.done $0x0  }
0x118: {  	s25 =	simm.s32 $0x11C00;
	s17 =	rddreg [dreg:$0xc];
	[sflag:s19] =	ssyncadd.s32 $0xFFFFFD80  }
0x119: {  	[tilespmem:s25], [sflag:$0x5] =	stream.linear.gather [spmem:s17], $0x280, $0x38;
	[tilespmem:$0x1F580] =	vst v63  }
0x11a: {  	_ =	swait.ge [sflag:s19], $0x280  }
0x11b: {  	[sflag:s19] =	ssyncset.done $0x0  }
0x11c: {  	s30 =	simm.s32 $0x11E80;
	s2 =	rddreg [dreg:$0x12];
	[sflag:s19] =	ssyncadd.s32 $0xFFFFFD80  }
0x11d: {  	[tilespmem:s30], [sflag:$0x5] =	stream.linear.gather [spmem:s2], $0x280, $0x38;
	[tilespmem:$0x1F580] =	vst v63  }
0x11e: {  	_ =	swait.ge [sflag:s19], $0x280  }
0x11f: {  	[sflag:s19] =	ssyncset.done $0x0  }
0x120: {  	s17 =	simm.s32 $0x12100;
	s14 =	rddreg [dreg:$0x15];
	[sflag:s19] =	ssyncadd.s32 $0xFFFFFD80  }
0x121: {  	[tilespmem:s17], [sflag:$0x5] =	stream.linear.gather [spmem:s14], $0x280, $0x38;
	[tilespmem:$0x1F580] =	vst v63  }
0x122: {  	_ =	swait.ge [sflag:s19], $0x280  }
0x123: {  	[sflag:s19] =	ssyncset.done $0x0  }
0x124: {  	s17 =	simm.s32 $0x12380;
	s14 =	rddreg [dreg:$0x16];
	[sflag:s19] =	ssyncadd.s32 $0xFFFFFD80  }
0x125: {  	[tilespmem:s17], [sflag:$0x5] =	stream.linear.gather [spmem:s14], $0x280, $0x38;
	[tilespmem:$0x1F580] =	vst v63  }
0x126: {  	_ =	swait.ge [sflag:s19], $0x280  }
0x127: {  	[sflag:s19] =	ssyncset.done $0x0  }
0x128: {  	s17 =	simm.s32 $0x12600;
	s14 =	rddreg [dreg:$0x17];
	[sflag:s19] =	ssyncadd.s32 $0xFFFFFD80  }
0x129: {  	[tilespmem:s17], [sflag:$0x5] =	stream.linear.gather [spmem:s14], $0x280, $0x38;
	[tilespmem:$0x1F580] =	vst v63  }
0x12a: {  	_ =	swait.ge [sflag:s19], $0x280  }
0x12b: {  	[sflag:s19] =	ssyncset.done $0x0  }
0x12c: {  	s17 =	simm.s32 $0x12880;
	s14 =	rddreg [dreg:$0x18];
	[sflag:s19] =	ssyncadd.s32 $0xFFFFFD80  }
0x12d: {  	[tilespmem:s17], [sflag:$0x5] =	stream.linear.gather [spmem:s14], $0x280, $0x38;
	[tilespmem:$0x1F580] =	vst v63  }
0x12e: {  	_ =	swait.ge [sflag:s19], $0x280  }
0x12f: {  	[sflag:s19] =	ssyncset.done $0x0  }
0x130: {  	s2 =	simm.s32 $0x0;
	[sflag:s19] =	ssyncadd.s32 $0xFFFFFD80  }
0x131: {  	v2 =	vld [tilespmem:s2+$0x11700]  }
0x132: {  	v3 =	vld [tilespmem:s2+$0x11980];
	_ =	sdelay $0x1  }
0x133: {  	v4 =	vld [tilespmem:s2+$0x11C00];
	_ =	sdelay $0x1  }
0x134: {  	v5 =	vld [tilespmem:s2+$0x11E80]  }
0x135: {  	v2 =	vadd.f32 v3, v2  }
0x136: {  	v3 =	vld [tilespmem:s2+$0x12100]  }
0x137: {  	s0 =	simm.s32 $0x10;
	v6 =	vld [tilespmem:s2+$0x12380];
	v2 =	vadd.f32 v4, v2  }
0x138: {  	v7 =	vld [tilespmem:s0+$0x11700]  }
0x139: {  	v8 =	vld [tilespmem:s0+$0x11980];
	v2 =	vadd.f32 v5, v2  }
0x13a: {  	v9 =	vld [tilespmem:s2+$0x12600]  }
0x13b: {  	v10 =	vld [tilespmem:s0+$0x11C00];
	v2 =	vadd.f32 v3, v2  }
0x13c: {  	v11 =	vld [tilespmem:s2+$0x12880]  }
0x13d: {  	v4 =	vld [tilespmem:s0+$0x11E80];
	v2 =	vadd.f32 v6, v2  }
0x13e: {  	v3 =	vadd.f32 v8, v7;
	v6 =	vld [tilespmem:s2+$0x12B00]  }
0x13f: {  	s14 =	simm.s32 $0x20;
	v5 =	vld [tilespmem:s0+$0x12100];
	v8 =	vadd.f32 v9, v2  }
0x140: {  	v7 =	vadd.f32 v10, v3;
	v3 =	vld [tilespmem:s14+$0x11700]  }
0x141: {  	s17 =	simm.s32 $0xC0;
	v2 =	vld [tilespmem:s0+$0x12380];
	v8 =	vadd.f32 v11, v8  }
.LBB2_8:
0x142: {  	p1 =	sne.s32 s17, $0x9C0;
	v9 =	vld [tilespmem:s14+$0x11980];
	v4 =	vadd.f32 v4, v7  }
0x143: {  	v7 =	vld [tilespmem:s0+$0x12600];
	v6 =	vadd.f32 v8, v6  }
0x144: {  	v8 =	vld [tilespmem:s14+$0x11C00];
	v5 =	vadd.f32 v5, v4  }
0x145: {  	v10 =	vld [tilespmem:s0+$0x12880];
	[tilespmem:s2+$0x12B00] =	vst v6;
	s2 =	smov.u32 s0;
	s0 =	smov.u32 s14  }
.Ltmp3:
0x146: {  	v4 =	vld [tilespmem:s0+$0x11E80];
	v2 =	vadd.f32 v2, v5;
	(pc) =	sbr.rel @p1 .LBB2_8-.Ltmp3, $4  }
0x147: {  	v3 =	vadd.f32 v9, v3;
	v6 =	vld [tilespmem:s2+$0x12B00]  }
0x148: {  	v5 =	vld [tilespmem:s0+$0x12100];
	v9 =	vadd.f32 v7, v2  }
0x149: {  	s14 =	sshra.s32 s17, $0x2;
	v7 =	vadd.f32 v8, v3;
	v2 =	vld [tilespmem:s0+$0x12380]  }
0x14a: {  	s17 =	sadd.s32 $0x40, s17;
	v3 =	vld [tilespmem:s14+$0x11700];
	v8 =	vadd.f32 v10, v9  }
0x14b: {  	v9 =	vld [tilespmem:s14+$0x11980]  }
0x14c: {  	v10 =	vld [tilespmem:s0+$0x12600];
	v4 =	vadd.f32 v4, v7;
	v6 =	vadd.f32 v8, v6  }
0x14d: {  	v7 =	vld [tilespmem:s14+$0x11C00]  }
0x14e: {  	v8 =	vld [tilespmem:s0+$0x12880];
	v4 =	vadd.f32 v5, v4;
	[tilespmem:s2+$0x12B00] =	vst v6  }
0x14f: {  	v5 =	vld [tilespmem:s14+$0x11E80]  }
0x150: {  	v2 =	vadd.f32 v2, v4;
	v4 =	vld [tilespmem:s0+$0x12B00];
	v3 =	vadd.f32 v9, v3  }
0x151: {  	v6 =	vld [tilespmem:s14+$0x12100]  }
0x152: {  	v2 =	vadd.f32 v10, v2;
	v3 =	vadd.f32 v7, v3  }
0x153: {  	v7 =	vld [tilespmem:s14+$0x12380]  }
0x154: {  	v2 =	vadd.f32 v8, v2;
	v3 =	vadd.f32 v5, v3  }
0x155: {  	v5 =	vld [tilespmem:s14+$0x12600]  }
0x156: {  	v2 =	vadd.f32 v2, v4;
	v3 =	vadd.f32 v6, v3  }
0x157: {  	v4 =	vld [tilespmem:s14+$0x12880]  }
0x158: {  	[tilespmem:s0+$0x12B00] =	vst v2;
	v2 =	vadd.f32 v7, v3  }
0x159: {  	v3 =	vld [tilespmem:s14+$0x12B00]  }
0x15a: {  	v2 =	vadd.f32 v5, v2;
	_ =	sdelay $0x1  }
0x15b: {  	v2 =	vadd.f32 v4, v2;
	_ =	sdelay $0x1  }
0x15c: {  	v2 =	vadd.f32 v2, v3;
	_ =	sdelay $0x1  }
0x15d: {  	s2 =	rddreg [dreg:$0x19];
	[tilespmem:s14+$0x12B00] =	vst v2  }
0x15e: {  	[tilespmem:s10], [sflag:$0x5] =	stream.linear.gather [spmem:s2], $0x280, $0x38;
	[tilespmem:$0x1F580] =	vst v63  }
0x15f: {  	_ =	swait.ge [sflag:s19], $0x280  }
0x160: {  	[sflag:s19] =	ssyncset.done $0x0  }
0x161: {  	s10 =	rddreg [dreg:$0x1a];
	[sflag:s19] =	ssyncadd.s32 $0xFFFFFD80  }
0x162: {  	[tilespmem:s11], [sflag:$0x5] =	stream.linear.gather [spmem:s10], $0x280, $0x38;
	[tilespmem:$0x1F580] =	vst v63  }
0x163: {  	_ =	swait.ge [sflag:s19], $0x280  }
0x164: {  	[sflag:s19] =	ssyncset.done $0x0  }
0x165: {  	s14 =	rddreg [dreg:$0x1b];
	[sflag:s19] =	ssyncadd.s32 $0xFFFFFD80  }
0x166: {  	[tilespmem:s25], [sflag:$0x5] =	stream.linear.gather [spmem:s14], $0x280, $0x38;
	[tilespmem:$0x1F580] =	vst v63  }
0x167: {  	_ =	swait.ge [sflag:s19], $0x280  }
0x168: {  	[sflag:s19] =	ssyncset.done $0x0  }
0x169: {  	s17 =	rddreg [dreg:$0x1c];
	[sflag:s19] =	ssyncadd.s32 $0xFFFFFD80  }
0x16a: {  	[tilespmem:s30], [sflag:$0x5] =	stream.linear.gather [spmem:s17], $0x280, $0x38;
	[tilespmem:$0x1F580] =	vst v63  }
0x16b: {  	_ =	swait.ge [sflag:s19], $0x280  }
0x16c: {  	[sflag:s19] =	ssyncset.done $0x0  }
0x16d: {  	s30 =	simm.s32 $0x12100;
	s25 =	rddreg [dreg:$0x1d];
	[sflag:s19] =	ssyncadd.s32 $0xFFFFFD80  }
0x16e: {  	[tilespmem:s30], [sflag:$0x5] =	stream.linear.gather [spmem:s25], $0x280, $0x38;
	[tilespmem:$0x1F580] =	vst v63  }
0x16f: {  	_ =	swait.ge [sflag:s19], $0x280  }
0x170: {  	[sflag:s19] =	ssyncset.done $0x0  }
0x171: {  	s11 =	simm.s32 $0x12380;
	s10 =	rddreg [dreg:$0x1e];
	[sflag:s19] =	ssyncadd.s32 $0xFFFFFD80  }
0x172: {  	[tilespmem:s11], [sflag:$0x5] =	stream.linear.gather [spmem:s10], $0x280, $0x38;
	[tilespmem:$0x1F580] =	vst v63  }
0x173: {  	_ =	swait.ge [sflag:s19], $0x280  }
0x174: {  	[sflag:s19] =	ssyncset.done $0x0  }
0x175: {  	s17 =	simm.s32 $0x12600;
	s14 =	rddreg [dreg:$0x1f];
	[sflag:s19] =	ssyncadd.s32 $0xFFFFFD80  }
0x176: {  	[tilespmem:s17], [sflag:$0x5] =	stream.linear.gather [spmem:s14], $0x280, $0x38;
	[tilespmem:$0x1F580] =	vst v63  }
0x177: {  	_ =	swait.ge [sflag:s19], $0x280  }
0x178: {  	s25 =	sld [smem:$0x7FD]  }
0x179: {  	[sflag:s19] =	ssyncset.done $0x0  }
0x17a: {  	s30 =	simm.s32 $0x12880;
	[sflag:s19] =	ssyncadd.s32 $0xFFFFFD80  }
0x17b: {  	[tilespmem:s30], [sflag:$0x5] =	stream.linear.gather [spmem:s25], $0x280, $0x38;
	[tilespmem:$0x1F580] =	vst v63  }
0x17c: {  	_ =	swait.ge [sflag:s19], $0x280  }
0x17d: {  	[sflag:s19] =	ssyncset.done $0x0  }
0x17e: {  	s2 =	simm.s32 $0x0;
	[sflag:s19] =	ssyncadd.s32 $0xFFFFFD80  }
0x17f: {  	v2 =	vld [tilespmem:s2+$0x11700]  }
0x180: {  	v3 =	vld [tilespmem:s2+$0x11980];
	_ =	sdelay $0x1  }
0x181: {  	v4 =	vld [tilespmem:s2+$0x11C00];
	_ =	sdelay $0x1  }
0x182: {  	v5 =	vld [tilespmem:s2+$0x11E80]  }
0x183: {  	v2 =	vadd.f32 v3, v2  }
0x184: {  	v3 =	vld [tilespmem:s2+$0x12100]  }
0x185: {  	s0 =	simm.s32 $0x10;
	v6 =	vld [tilespmem:s2+$0x12380];
	v2 =	vadd.f32 v4, v2  }
0x186: {  	v7 =	vld [tilespmem:s0+$0x11700]  }
0x187: {  	v8 =	vld [tilespmem:s0+$0x11980];
	v2 =	vadd.f32 v5, v2  }
0x188: {  	v9 =	vld [tilespmem:s2+$0x12600]  }
0x189: {  	v10 =	vld [tilespmem:s0+$0x11C00];
	v2 =	vadd.f32 v3, v2  }
0x18a: {  	v11 =	vld [tilespmem:s2+$0x12880]  }
0x18b: {  	v4 =	vld [tilespmem:s0+$0x11E80];
	v2 =	vadd.f32 v6, v2  }
0x18c: {  	v3 =	vadd.f32 v8, v7;
	v6 =	vld [tilespmem:s2+$0x12B00]  }
0x18d: {  	s14 =	simm.s32 $0x20;
	v5 =	vld [tilespmem:s0+$0x12100];
	v8 =	vadd.f32 v9, v2  }
0x18e: {  	v7 =	vadd.f32 v10, v3;
	v3 =	vld [tilespmem:s14+$0x11700]  }
0x18f: {  	s17 =	simm.s32 $0xC0;
	v2 =	vld [tilespmem:s0+$0x12380];
	v8 =	vadd.f32 v11, v8  }
.LBB2_10:
0x190: {  	p1 =	sne.s32 s17, $0x9C0;
	v9 =	vld [tilespmem:s14+$0x11980];
	v4 =	vadd.f32 v4, v7  }
0x191: {  	v7 =	vld [tilespmem:s0+$0x12600];
	v6 =	vadd.f32 v8, v6  }
0x192: {  	v8 =	vld [tilespmem:s14+$0x11C00];
	v5 =	vadd.f32 v5, v4  }
0x193: {  	v10 =	vld [tilespmem:s0+$0x12880];
	[tilespmem:s2+$0x12B00] =	vst v6;
	s2 =	smov.u32 s0;
	s0 =	smov.u32 s14  }
.Ltmp4:
0x194: {  	v4 =	vld [tilespmem:s0+$0x11E80];
	v2 =	vadd.f32 v2, v5;
	(pc) =	sbr.rel @p1 .LBB2_10-.Ltmp4, $4  }
0x195: {  	v3 =	vadd.f32 v9, v3;
	v6 =	vld [tilespmem:s2+$0x12B00]  }
0x196: {  	v5 =	vld [tilespmem:s0+$0x12100];
	v9 =	vadd.f32 v7, v2  }
0x197: {  	s14 =	sshra.s32 s17, $0x2;
	v7 =	vadd.f32 v8, v3;
	v2 =	vld [tilespmem:s0+$0x12380]  }
0x198: {  	s17 =	sadd.s32 $0x40, s17;
	v3 =	vld [tilespmem:s14+$0x11700];
	v8 =	vadd.f32 v10, v9  }
0x199: {  	v9 =	vld [tilespmem:s14+$0x11980]  }
0x19a: {  	v10 =	vld [tilespmem:s0+$0x12600];
	v4 =	vadd.f32 v4, v7;
	v6 =	vadd.f32 v8, v6  }
0x19b: {  	v7 =	vld [tilespmem:s14+$0x11C00]  }
0x19c: {  	v8 =	vld [tilespmem:s0+$0x12880];
	v4 =	vadd.f32 v5, v4;
	[tilespmem:s2+$0x12B00] =	vst v6  }
0x19d: {  	v5 =	vld [tilespmem:s14+$0x11E80]  }
0x19e: {  	v2 =	vadd.f32 v2, v4;
	v4 =	vld [tilespmem:s0+$0x12B00];
	v3 =	vadd.f32 v9, v3  }
0x19f: {  	v6 =	vld [tilespmem:s14+$0x12100]  }
0x1a0: {  	v2 =	vadd.f32 v10, v2;
	v3 =	vadd.f32 v7, v3  }
0x1a1: {  	v7 =	vld [tilespmem:s14+$0x12380]  }
0x1a2: {  	v2 =	vadd.f32 v8, v2;
	v3 =	vadd.f32 v5, v3  }
0x1a3: {  	v5 =	vld [tilespmem:s14+$0x12600]  }
0x1a4: {  	v2 =	vadd.f32 v2, v4;
	v3 =	vadd.f32 v6, v3  }
0x1a5: {  	v4 =	vld [tilespmem:s14+$0x12880]  }
0x1a6: {  	[tilespmem:s0+$0x12B00] =	vst v2;
	v2 =	vadd.f32 v7, v3  }
0x1a7: {  	v3 =	vld [tilespmem:s14+$0x12B00]  }
0x1a8: {  	v2 =	vadd.f32 v5, v2;
	_ =	sdelay $0x1  }
0x1a9: {  	v2 =	vadd.f32 v4, v2;
	_ =	sdelay $0x1  }
0x1aa: {  	v2 =	vadd.f32 v2, v3  }
0x1ab: {  	s25 =	simm.s32 $0x0  }
0x1ac: {  	[tilespmem:s14+$0x12B00] =	vst v2;
	v2 =	vmov s25  }
0x1ad: {  	[tilespmem:s18], [sflag:$0x5] =	stream.linear.gather [spmem:s5], $0x2000, $0x38;
	[tilespmem:$0x1F580] =	vst v63  }
0x1ae: {  	_ =	swait.ge [sflag:s19], $0x2000  }
0x1af: {  	[sflag:s19] =	ssyncset.done $0x0  }
0x1b0: {  	[sflag:s19] =	ssyncadd.s32 $0xFFFFE000  }
0x1b1: {  	v2 =	vld.idx.msk [tilespmem:v2+s13+$0x0], $0xffff;
	_ =	sdelay $0x4  }
0x1b2: {  	v2 =	vmax.f32 v2, $1.000000000e+00  }
0x1b3: {  	(erf) = vrcp.f32 v2;
	_ =	sdelay $0x1  }
0x1b4: {  	s0 =	simm.s32 $0xCF20  }
0x1b5: {  	v5 =	vld [tilespmem:s0+$0x10]  }
0x1b6: {  	v3 =	vld [tilespmem:s0+$0xFFFFFFE0]  }
0x1b7: {  	v2 =	vld [tilespmem:s0+$0xFFFFFFF0]  }
0x1b8: {  	v6 =	vld [tilespmem:s0+$0x0];
	_ =	sdelay $0x2  }
0x1b9: {  	v7 =	vpop (erf)  }
0x1ba: {  	s30 =	simm.s32 $0x1;
	v4 =	vmul.f32 v3, v7;
	v3 =	vmul.f32 v2, v7  }
0x1bb: {  	s2 =	simm.s32 $0x2;
	v2 =	vmov s30;
	v6 =	vmul.f32 v6, v7;
	v5 =	vmul.f32 v5, v7  }
.LBB2_12:
0x1bc: {  	p1 =	sne.s32 s2, $0x7F;
	[tilespmem:s0+$0xFFFFFFE0] =	vst v4  }
0x1bd: {  	[tilespmem:s0+$0xFFFFFFF0] =	vst v3  }
0x1be: {  	[tilespmem:s0+$0x0] =	vst v6  }
0x1bf: {  	[tilespmem:s0+$0x10] =	vst v5  }
0x1c0: {  	v2 =	vld.idx.msk [tilespmem:v2+s13+$0x0], $0xffff;
	_ =	sdelay $0x5  }
0x1c1: {  	v2 =	vmax.f32 v2, $1.000000000e+00  }
0x1c2: {  	(erf) = vrcp.f32 v2;
	_ =	sdelay $0x1  }
0x1c3: {  	s0 =	sadd.s32 $0x40, s0  }
0x1c4: {  	v2 =	vld [tilespmem:s0+$0xFFFFFFF0]  }
0x1c5: {  	v5 =	vld [tilespmem:s0+$0x10]  }
0x1c6: {  	v3 =	vld [tilespmem:s0+$0xFFFFFFE0]  }
0x1c7: {  	v6 =	vld [tilespmem:s0+$0x0]  }
.Ltmp5:
0x1c8: {  	(pc) =	sbr.rel @p1 .LBB2_12-.Ltmp5, $4  }
0x1c9: {  	_ = 	snop  }
0x1ca: {  	v7 =	vpop (erf)  }
0x1cb: {  	v4 =	vmul.f32 v3, v7;
	v3 =	vmul.f32 v2, v7  }
0x1cc: {  	v2 =	vmov s2;
	s2 =	sadd.s32 $0x1, s2;
	v5 =	vmul.f32 v5, v7;
	v6 =	vmul.f32 v6, v7  }
0x1cd: {  	[tilespmem:s0+$0xFFFFFFE0] =	vst v4  }
0x1ce: {  	[tilespmem:s0+$0xFFFFFFF0] =	vst v3  }
0x1cf: {  	[tilespmem:s0+$0x0] =	vst v6  }
0x1d0: {  	[tilespmem:s0+$0x10] =	vst v5  }
0x1d1: {  	v2 =	vld.idx.msk [tilespmem:v2+s13+$0x0], $0xffff;
	_ =	sdelay $0x4  }
0x1d2: {  	v2 =	vmax.f32 v2, $1.000000000e+00  }
0x1d3: {  	(erf) = vrcp.f32 v2;
	_ =	sdelay $0x3  }
0x1d4: {  	s17 =	sadd.s32 $0x40, s0  }
0x1d5: {  	v2 =	vld [tilespmem:s17+$0xFFFFFFE0]  }
0x1d6: {  	v3 =	vld [tilespmem:s17+$0xFFFFFFF0]  }
0x1d7: {  	v4 =	vld [tilespmem:s17+$0x0]  }
0x1d8: {  	v5 =	vld [tilespmem:s17+$0x10]  }
0x1d9: {  	v6 =	vpop (erf)  }
0x1da: {  	v2 =	vmul.f32 v2, v6  }
0x1db: {  	v3 =	vmul.f32 v3, v6  }
0x1dc: {  	v4 =	vmul.f32 v4, v6;
	[tilespmem:s17+$0xFFFFFFE0] =	vst v2  }
0x1dd: {  	v2 =	vmul.f32 v5, v6;
	[tilespmem:s17+$0xFFFFFFF0] =	vst v3  }
0x1de: {  	[tilespmem:s17+$0x0] =	vst v4  }
0x1df: {  	s25 =	simm.s32 $0x0;
	s2 =	rddreg [dreg:$0xd];
	[tilespmem:s17+$0x10] =	vst v2  }
0x1e0: {  	v2 =	vmov s25;
	[hbm4b:s2+s20] =	stream.strided.scatter [tilespmem:s18], [sflag:$0x5], $0x2000, s21, s20, $0x38;
	[tilespmem:$0x1F580] =	vst v63  }
0x1e1: {  	v2 =	vadd.s32 $0x80, v2;
	_ =	swait.ge [sflag:s19], $0x2000  }
0x1e2: {  	v2 =	vbroadcast v2, $0x0;
	[sflag:s19] =	ssyncset.done $0x0  }
0x1e3: {  	[sflag:s19] =	ssyncadd.s32 $0xFFFFE000  }
0x1e4: {  	[tilespmem:s18], [sflag:$0x5] =	stream.linear.gather [spmem:s6], $0x2000, $0x38;
	[tilespmem:$0x1F580] =	vst v63  }
0x1e5: {  	_ =	swait.ge [sflag:s19], $0x2000  }
0x1e6: {  	[sflag:s19] =	ssyncset.done $0x0  }
0x1e7: {  	[sflag:s19] =	ssyncadd.s32 $0xFFFFE000  }
0x1e8: {  	v4 =	vld.idx.msk [tilespmem:v2+s13+$0x0], $0xffff;
	_ =	sdelay $0x4  }
0x1e9: {  	v5 =	vmax.f32 v4, $1.000000000e+00  }
0x1ea: {  	(erf) = vrcp.f32 v5;
	_ =	sdelay $0x1  }
0x1eb: {  	s0 =	simm.s32 $0xCF20  }
0x1ec: {  	v3 =	vld [tilespmem:s0+$0xFFFFFFF0]  }
0x1ed: {  	v2 =	vld [tilespmem:s0+$0x10]  }
0x1ee: {  	v4 =	vld [tilespmem:s0+$0xFFFFFFE0]  }
0x1ef: {  	s30 =	simm.s32 $0x1;
	v5 =	vld [tilespmem:s0+$0x0]  }
0x1f0: {  	v6 =	vmov s30  }
0x1f1: {  	v6 =	vadd.s32 $0x80, v6;
	s2 =	simm.s32 $0x2  }
.LBB2_14:
0x1f2: {  	p1 =	sne.s32 s2, $0x7F;
	v6 =	vbroadcast v6, $0x0;
	v7 =	vpop (erf)  }
0x1f3: {  	v4 =	vmul.f32 v4, v7;
	v3 =	vmul.f32 v3, v7  }
0x1f4: {  	v2 =	vmul.f32 v2, v7;
	v5 =	vmul.f32 v5, v7  }
0x1f5: {  	[tilespmem:s0+$0xFFFFFFE0] =	vst v4  }
0x1f6: {  	[tilespmem:s0+$0xFFFFFFF0] =	vst v3  }
0x1f7: {  	[tilespmem:s0+$0x0] =	vst v5  }
0x1f8: {  	[tilespmem:s0+$0x10] =	vst v2  }
0x1f9: {  	v2 =	vld.idx.msk [tilespmem:v6+s13+$0x0], $0xffff;
	_ =	sdelay $0x5  }
0x1fa: {  	v2 =	vmax.f32 v2, $1.000000000e+00  }
0x1fb: {  	(erf) = vrcp.f32 v2;
	_ =	sdelay $0x1  }
0x1fc: {  	s0 =	sadd.s32 $0x40, s0  }
0x1fd: {  	v3 =	vld [tilespmem:s0+$0xFFFFFFF0]  }
.Ltmp6:
0x1fe: {  	v2 =	vld [tilespmem:s0+$0x10];
	(pc) =	sbr.rel @p1 .LBB2_14-.Ltmp6, $4  }
0x1ff: {  	v4 =	vld [tilespmem:s0+$0xFFFFFFE0]  }
0x200: {  	v5 =	vld [tilespmem:s0+$0x0]  }
0x201: {  	v6 =	vmov s2  }
0x202: {  	s2 =	sadd.s32 $0x1, s2;
	v6 =	vadd.s32 $0x80, v6  }
0x203: {  	v7 =	vpop (erf)  }
0x204: {  	v6 =	vbroadcast v6, $0x0;
	v4 =	vmul.f32 v4, v7  }
0x205: {  	v3 =	vmul.f32 v3, v7  }
0x206: {  	v2 =	vmul.f32 v2, v7;
	[tilespmem:s0+$0xFFFFFFE0] =	vst v4  }
0x207: {  	v5 =	vmul.f32 v5, v7;
	[tilespmem:s0+$0xFFFFFFF0] =	vst v3  }
0x208: {  	[tilespmem:s0+$0x10] =	vst v2  }
0x209: {  	[tilespmem:s0+$0x0] =	vst v5  }
0x20a: {  	v2 =	vld.idx.msk [tilespmem:v6+s13+$0x0], $0xffff;
	_ =	sdelay $0x4  }
0x20b: {  	v2 =	vmax.f32 v2, $1.000000000e+00  }
0x20c: {  	(erf) = vrcp.f32 v2;
	_ =	sdelay $0x3  }
0x20d: {  	s17 =	sadd.s32 $0x40, s0  }
0x20e: {  	v2 =	vld [tilespmem:s17+$0xFFFFFFE0]  }
0x20f: {  	v3 =	vld [tilespmem:s17+$0xFFFFFFF0]  }
0x210: {  	v4 =	vld [tilespmem:s17+$0x0]  }
0x211: {  	v5 =	vld [tilespmem:s17+$0x10]  }
0x212: {  	v6 =	vpop (erf)  }
0x213: {  	v2 =	vmul.f32 v2, v6  }
0x214: {  	v3 =	vmul.f32 v3, v6  }
0x215: {  	v4 =	vmul.f32 v4, v6;
	[tilespmem:s17+$0xFFFFFFE0] =	vst v2  }
0x216: {  	v2 =	vmul.f32 v5, v6;
	[tilespmem:s17+$0xFFFFFFF0] =	vst v3  }
0x217: {  	[tilespmem:s17+$0x0] =	vst v4  }
0x218: {  	s25 =	simm.s32 $0x0;
	s2 =	rddreg [dreg:$0xe];
	[tilespmem:s17+$0x10] =	vst v2  }
0x219: {  	v2 =	vmov s25;
	[hbm4b:s2+s20] =	stream.strided.scatter [tilespmem:s18], [sflag:$0x5], $0x2000, s21, s20, $0x38;
	[tilespmem:$0x1F580] =	vst v63  }
0x21a: {  	v2 =	vadd.s32 $0x100, v2;
	_ =	swait.ge [sflag:s19], $0x2000  }
0x21b: {  	v2 =	vbroadcast v2, $0x0;
	[sflag:s19] =	ssyncset.done $0x0  }
0x21c: {  	[sflag:s19] =	ssyncadd.s32 $0xFFFFE000  }
0x21d: {  	[tilespmem:s18], [sflag:$0x5] =	stream.linear.gather [spmem:s7], $0x2000, $0x38;
	[tilespmem:$0x1F580] =	vst v63  }
0x21e: {  	_ =	swait.ge [sflag:s19], $0x2000  }
0x21f: {  	[sflag:s19] =	ssyncset.done $0x0  }
0x220: {  	[sflag:s19] =	ssyncadd.s32 $0xFFFFE000  }
0x221: {  	v4 =	vld.idx.msk [tilespmem:v2+s13+$0x0], $0xffff;
	_ =	sdelay $0x4  }
0x222: {  	v5 =	vmax.f32 v4, $1.000000000e+00  }
0x223: {  	(erf) = vrcp.f32 v5;
	_ =	sdelay $0x1  }
0x224: {  	s0 =	simm.s32 $0xCF20  }
0x225: {  	v3 =	vld [tilespmem:s0+$0xFFFFFFF0]  }
0x226: {  	v2 =	vld [tilespmem:s0+$0x10]  }
0x227: {  	v4 =	vld [tilespmem:s0+$0xFFFFFFE0]  }
0x228: {  	s30 =	simm.s32 $0x1;
	v5 =	vld [tilespmem:s0+$0x0]  }
0x229: {  	v6 =	vmov s30  }
0x22a: {  	v6 =	vadd.s32 $0x100, v6;
	s2 =	simm.s32 $0x2  }
.LBB2_16:
0x22b: {  	p1 =	sne.s32 s2, $0x7F;
	v6 =	vbroadcast v6, $0x0;
	v7 =	vpop (erf)  }
0x22c: {  	v4 =	vmul.f32 v4, v7;
	v3 =	vmul.f32 v3, v7  }
0x22d: {  	v2 =	vmul.f32 v2, v7;
	v5 =	vmul.f32 v5, v7  }
0x22e: {  	[tilespmem:s0+$0xFFFFFFE0] =	vst v4  }
0x22f: {  	[tilespmem:s0+$0xFFFFFFF0] =	vst v3  }
0x230: {  	[tilespmem:s0+$0x0] =	vst v5  }
0x231: {  	[tilespmem:s0+$0x10] =	vst v2  }
0x232: {  	v2 =	vld.idx.msk [tilespmem:v6+s13+$0x0], $0xffff;
	_ =	sdelay $0x5  }
0x233: {  	v2 =	vmax.f32 v2, $1.000000000e+00  }
0x234: {  	(erf) = vrcp.f32 v2;
	_ =	sdelay $0x1  }
0x235: {  	s0 =	sadd.s32 $0x40, s0  }
0x236: {  	v3 =	vld [tilespmem:s0+$0xFFFFFFF0]  }
.Ltmp7:
0x237: {  	v2 =	vld [tilespmem:s0+$0x10];
	(pc) =	sbr.rel @p1 .LBB2_16-.Ltmp7, $4  }
0x238: {  	v4 =	vld [tilespmem:s0+$0xFFFFFFE0]  }
0x239: {  	v5 =	vld [tilespmem:s0+$0x0]  }
0x23a: {  	v6 =	vmov s2  }
0x23b: {  	s2 =	sadd.s32 $0x1, s2;
	v6 =	vadd.s32 $0x100, v6  }
0x23c: {  	v7 =	vpop (erf)  }
0x23d: {  	v6 =	vbroadcast v6, $0x0;
	v4 =	vmul.f32 v4, v7  }
0x23e: {  	v3 =	vmul.f32 v3, v7  }
0x23f: {  	v2 =	vmul.f32 v2, v7;
	[tilespmem:s0+$0xFFFFFFE0] =	vst v4  }
0x240: {  	v5 =	vmul.f32 v5, v7;
	[tilespmem:s0+$0xFFFFFFF0] =	vst v3  }
0x241: {  	[tilespmem:s0+$0x10] =	vst v2  }
0x242: {  	[tilespmem:s0+$0x0] =	vst v5  }
0x243: {  	v2 =	vld.idx.msk [tilespmem:v6+s13+$0x0], $0xffff;
	_ =	sdelay $0x4  }
0x244: {  	v2 =	vmax.f32 v2, $1.000000000e+00  }
0x245: {  	(erf) = vrcp.f32 v2;
	_ =	sdelay $0x3  }
0x246: {  	s17 =	sadd.s32 $0x40, s0  }
0x247: {  	v2 =	vld [tilespmem:s17+$0xFFFFFFE0]  }
0x248: {  	v3 =	vld [tilespmem:s17+$0xFFFFFFF0]  }
0x249: {  	v4 =	vld [tilespmem:s17+$0x0]  }
0x24a: {  	v5 =	vld [tilespmem:s17+$0x10]  }
0x24b: {  	v6 =	vpop (erf)  }
0x24c: {  	v2 =	vmul.f32 v2, v6  }
0x24d: {  	v3 =	vmul.f32 v3, v6  }
0x24e: {  	v4 =	vmul.f32 v4, v6;
	[tilespmem:s17+$0xFFFFFFE0] =	vst v2  }
0x24f: {  	v2 =	vmul.f32 v5, v6;
	[tilespmem:s17+$0xFFFFFFF0] =	vst v3  }
0x250: {  	[tilespmem:s17+$0x0] =	vst v4  }
0x251: {  	s25 =	simm.s32 $0x0;
	s2 =	rddreg [dreg:$0xf];
	[tilespmem:s17+$0x10] =	vst v2  }
0x252: {  	v2 =	vmov s25;
	[hbm4b:s2+s20] =	stream.strided.scatter [tilespmem:s18], [sflag:$0x5], $0x2000, s21, s20, $0x38;
	[tilespmem:$0x1F580] =	vst v63  }
0x253: {  	v2 =	vadd.s32 $0x180, v2;
	_ =	swait.ge [sflag:s19], $0x2000  }
0x254: {  	v2 =	vbroadcast v2, $0x0;
	[sflag:s19] =	ssyncset.done $0x0  }
0x255: {  	[sflag:s19] =	ssyncadd.s32 $0xFFFFE000  }
0x256: {  	[tilespmem:s18], [sflag:$0x5] =	stream.linear.gather [spmem:s8], $0x2000, $0x38;
	[tilespmem:$0x1F580] =	vst v63  }
0x257: {  	_ =	swait.ge [sflag:s19], $0x2000  }
0x258: {  	[sflag:s19] =	ssyncset.done $0x0  }
0x259: {  	[sflag:s19] =	ssyncadd.s32 $0xFFFFE000  }
0x25a: {  	v4 =	vld.idx.msk [tilespmem:v2+s13+$0x0], $0xffff;
	_ =	sdelay $0x4  }
0x25b: {  	v5 =	vmax.f32 v4, $1.000000000e+00  }
0x25c: {  	(erf) = vrcp.f32 v5;
	_ =	sdelay $0x1  }
0x25d: {  	s0 =	simm.s32 $0xCF20  }
0x25e: {  	v3 =	vld [tilespmem:s0+$0xFFFFFFF0]  }
0x25f: {  	v2 =	vld [tilespmem:s0+$0x10]  }
0x260: {  	v4 =	vld [tilespmem:s0+$0xFFFFFFE0]  }
0x261: {  	s30 =	simm.s32 $0x1;
	v5 =	vld [tilespmem:s0+$0x0]  }
0x262: {  	v6 =	vmov s30  }
0x263: {  	v6 =	vadd.s32 $0x180, v6;
	s2 =	simm.s32 $0x2  }
.LBB2_18:
0x264: {  	p1 =	sne.s32 s2, $0x7F;
	v6 =	vbroadcast v6, $0x0;
	v7 =	vpop (erf)  }
0x265: {  	v4 =	vmul.f32 v4, v7;
	v3 =	vmul.f32 v3, v7  }
0x266: {  	v2 =	vmul.f32 v2, v7;
	v5 =	vmul.f32 v5, v7  }
0x267: {  	[tilespmem:s0+$0xFFFFFFE0] =	vst v4  }
0x268: {  	[tilespmem:s0+$0xFFFFFFF0] =	vst v3  }
0x269: {  	[tilespmem:s0+$0x0] =	vst v5  }
0x26a: {  	[tilespmem:s0+$0x10] =	vst v2  }
0x26b: {  	v2 =	vld.idx.msk [tilespmem:v6+s13+$0x0], $0xffff;
	_ =	sdelay $0x5  }
0x26c: {  	v2 =	vmax.f32 v2, $1.000000000e+00  }
0x26d: {  	(erf) = vrcp.f32 v2;
	_ =	sdelay $0x1  }
0x26e: {  	s0 =	sadd.s32 $0x40, s0  }
0x26f: {  	v3 =	vld [tilespmem:s0+$0xFFFFFFF0]  }
.Ltmp8:
0x270: {  	v2 =	vld [tilespmem:s0+$0x10];
	(pc) =	sbr.rel @p1 .LBB2_18-.Ltmp8, $4  }
0x271: {  	v4 =	vld [tilespmem:s0+$0xFFFFFFE0]  }
0x272: {  	v5 =	vld [tilespmem:s0+$0x0]  }
0x273: {  	v6 =	vmov s2  }
0x274: {  	s2 =	sadd.s32 $0x1, s2;
	v6 =	vadd.s32 $0x180, v6  }
0x275: {  	v7 =	vpop (erf)  }
0x276: {  	v6 =	vbroadcast v6, $0x0;
	v4 =	vmul.f32 v4, v7  }
0x277: {  	v3 =	vmul.f32 v3, v7  }
0x278: {  	v2 =	vmul.f32 v2, v7;
	[tilespmem:s0+$0xFFFFFFE0] =	vst v4  }
0x279: {  	v5 =	vmul.f32 v5, v7;
	[tilespmem:s0+$0xFFFFFFF0] =	vst v3  }
0x27a: {  	[tilespmem:s0+$0x10] =	vst v2  }
0x27b: {  	[tilespmem:s0+$0x0] =	vst v5  }
0x27c: {  	v2 =	vld.idx.msk [tilespmem:v6+s13+$0x0], $0xffff;
	_ =	sdelay $0x4  }
0x27d: {  	v2 =	vmax.f32 v2, $1.000000000e+00  }
0x27e: {  	(erf) = vrcp.f32 v2;
	_ =	sdelay $0x3  }
0x27f: {  	s17 =	sadd.s32 $0x40, s0  }
0x280: {  	v2 =	vld [tilespmem:s17+$0xFFFFFFE0]  }
0x281: {  	v3 =	vld [tilespmem:s17+$0xFFFFFFF0]  }
0x282: {  	v4 =	vld [tilespmem:s17+$0x0]  }
0x283: {  	v5 =	vld [tilespmem:s17+$0x10]  }
0x284: {  	v6 =	vpop (erf)  }
0x285: {  	v2 =	vmul.f32 v2, v6  }
0x286: {  	v3 =	vmul.f32 v3, v6  }
0x287: {  	v4 =	vmul.f32 v4, v6;
	[tilespmem:s17+$0xFFFFFFE0] =	vst v2  }
0x288: {  	v2 =	vmul.f32 v5, v6;
	[tilespmem:s17+$0xFFFFFFF0] =	vst v3  }
0x289: {  	[tilespmem:s17+$0x0] =	vst v4  }
0x28a: {  	s25 =	simm.s32 $0x0;
	s2 =	rddreg [dreg:$0x10];
	[tilespmem:s17+$0x10] =	vst v2  }
0x28b: {  	v2 =	vmov s25;
	[hbm4b:s2+s20] =	stream.strided.scatter [tilespmem:s18], [sflag:$0x5], $0x2000, s21, s20, $0x38;
	[tilespmem:$0x1F580] =	vst v63  }
0x28c: {  	v2 =	vadd.s32 $0x200, v2;
	_ =	swait.ge [sflag:s19], $0x2000  }
0x28d: {  	v2 =	vbroadcast v2, $0x0;
	[sflag:s19] =	ssyncset.done $0x0  }
0x28e: {  	[sflag:s19] =	ssyncadd.s32 $0xFFFFE000  }
0x28f: {  	[tilespmem:s18], [sflag:$0x5] =	stream.linear.gather [spmem:s9], $0x2000, $0x38;
	[tilespmem:$0x1F580] =	vst v63  }
0x290: {  	_ =	swait.ge [sflag:s19], $0x2000  }
0x291: {  	[sflag:s19] =	ssyncset.done $0x0  }
0x292: {  	[sflag:s19] =	ssyncadd.s32 $0xFFFFE000  }
0x293: {  	v4 =	vld.idx.msk [tilespmem:v2+s13+$0x0], $0xffff;
	_ =	sdelay $0x4  }
0x294: {  	v5 =	vmax.f32 v4, $1.000000000e+00  }
0x295: {  	(erf) = vrcp.f32 v5;
	_ =	sdelay $0x1  }
0x296: {  	s0 =	simm.s32 $0xCF20  }
0x297: {  	v3 =	vld [tilespmem:s0+$0xFFFFFFF0]  }
0x298: {  	v2 =	vld [tilespmem:s0+$0x10]  }
0x299: {  	v4 =	vld [tilespmem:s0+$0xFFFFFFE0]  }
0x29a: {  	s30 =	simm.s32 $0x1;
	v5 =	vld [tilespmem:s0+$0x0]  }
0x29b: {  	v6 =	vmov s30  }
0x29c: {  	v6 =	vadd.s32 $0x200, v6;
	s2 =	simm.s32 $0x2  }
.LBB2_20:
0x29d: {  	p1 =	sne.s32 s2, $0x7F;
	v6 =	vbroadcast v6, $0x0;
	v7 =	vpop (erf)  }
0x29e: {  	v4 =	vmul.f32 v4, v7;
	v3 =	vmul.f32 v3, v7  }
0x29f: {  	v2 =	vmul.f32 v2, v7;
	v5 =	vmul.f32 v5, v7  }
0x2a0: {  	[tilespmem:s0+$0xFFFFFFE0] =	vst v4  }
0x2a1: {  	[tilespmem:s0+$0xFFFFFFF0] =	vst v3  }
0x2a2: {  	[tilespmem:s0+$0x0] =	vst v5  }
0x2a3: {  	[tilespmem:s0+$0x10] =	vst v2  }
0x2a4: {  	v2 =	vld.idx.msk [tilespmem:v6+s13+$0x0], $0xffff;
	_ =	sdelay $0x5  }
0x2a5: {  	v2 =	vmax.f32 v2, $1.000000000e+00  }
0x2a6: {  	(erf) = vrcp.f32 v2;
	_ =	sdelay $0x1  }
0x2a7: {  	s0 =	sadd.s32 $0x40, s0  }
0x2a8: {  	v3 =	vld [tilespmem:s0+$0xFFFFFFF0]  }
.Ltmp9:
0x2a9: {  	v2 =	vld [tilespmem:s0+$0x10];
	(pc) =	sbr.rel @p1 .LBB2_20-.Ltmp9, $4  }
0x2aa: {  	v4 =	vld [tilespmem:s0+$0xFFFFFFE0]  }
0x2ab: {  	v5 =	vld [tilespmem:s0+$0x0]  }
0x2ac: {  	v6 =	vmov s2  }
0x2ad: {  	s2 =	sadd.s32 $0x1, s2;
	v6 =	vadd.s32 $0x200, v6  }
0x2ae: {  	v7 =	vpop (erf)  }
0x2af: {  	v6 =	vbroadcast v6, $0x0;
	v4 =	vmul.f32 v4, v7  }
0x2b0: {  	v3 =	vmul.f32 v3, v7  }
0x2b1: {  	v2 =	vmul.f32 v2, v7;
	[tilespmem:s0+$0xFFFFFFE0] =	vst v4  }
0x2b2: {  	v5 =	vmul.f32 v5, v7;
	[tilespmem:s0+$0xFFFFFFF0] =	vst v3  }
0x2b3: {  	[tilespmem:s0+$0x10] =	vst v2  }
0x2b4: {  	[tilespmem:s0+$0x0] =	vst v5  }
0x2b5: {  	v2 =	vld.idx.msk [tilespmem:v6+s13+$0x0], $0xffff;
	_ =	sdelay $0x4  }
0x2b6: {  	v2 =	vmax.f32 v2, $1.000000000e+00  }
0x2b7: {  	(erf) = vrcp.f32 v2;
	_ =	sdelay $0x3  }
0x2b8: {  	s17 =	sadd.s32 $0x40, s0  }
0x2b9: {  	v2 =	vld [tilespmem:s17+$0xFFFFFFE0]  }
0x2ba: {  	v3 =	vld [tilespmem:s17+$0xFFFFFFF0]  }
0x2bb: {  	v4 =	vld [tilespmem:s17+$0x0]  }
0x2bc: {  	v5 =	vld [tilespmem:s17+$0x10]  }
0x2bd: {  	v63 =	vpop (erf)  }
0x2be: {  	v2 =	vmul.f32 v2, v63  }
0x2bf: {  	v3 =	vmul.f32 v3, v63  }
0x2c0: {  	v4 =	vmul.f32 v4, v63;
	[tilespmem:s17+$0xFFFFFFE0] =	vst v2  }
0x2c1: {  	v2 =	vmul.f32 v5, v63;
	[tilespmem:s17+$0xFFFFFFF0] =	vst v3  }
0x2c2: {  	[tilespmem:s17+$0x0] =	vst v4  }
0x2c3: {  	s25 =	rddreg [dreg:$0x11];
	[tilespmem:s17+$0x10] =	vst v2  }
0x2c4: {  	[hbm4b:s25+s20] =	stream.strided.scatter [tilespmem:s18], [sflag:$0x5], $0x2000, s21, s20, $0x38;
	[tilespmem:$0x1F580] =	vst v63  }
0x2c5: {  	_ =	swait.ge [sflag:s19], $0x2000  }
0x2c6: {  	s31 =	sadd.s32 $0x1, s31;
	s30 =	rddreg [dreg:$0x13]  }
0x2c7: {  	p1 =	sne.s32 s31, s30  }
.Ltmp10:
0x2c8: {  	_ = 	snop;
	(pc) =	sbr.rel @p1 .LBB2_1-.Ltmp10, $3  }
0x2c9: {  	_ =	sdelay $0x1  }
0x2ca: {  	[sflag:s19] =	ssyncset.done $0x0  }
0x2cb: {  	[sflag:s19] =	ssyncadd.s32 $0xFFFFE000  }
0x2cc: {  	_ =	sfence.sel $0x180000  }
0x2cd: {  	[bflag:$0x0] =	sbarrier.arrive $0xFFFF  }
0x2ce: {  	_ =	strace $0x90000047  }
0x2cf: {  	s0 =	stileid.u32;
	[bflag:$0x2] =	sbarrier.arrive $0xFFFF  }
0x2d0: {  	p0 =	sne.s32 s0, $0x0;
	s0 =	rddreg [dreg:$0x5]  }
0x2d1: {  	s0 =	sadd.s32 @!p0 $0x100000, s0  }
0x2d2: {  	[sflag:s0] =	ssyncadd.tile.s32 @!p0 $0x1;
	_ =	shalt  }
.Lfunc_end2:
_tile_overlayer_lowered:
.L_overlay_start_2:
0x2d3: {  	(tag) =	ssettag $0x2  }
0x2d4: {  	s0 =	rddreg [dreg:$0x0];
	s2 =	stileid.u32  }
0x2d5: {  	s1 =	rddreg [dreg:$0x1];
	p0 =	sne.s32 s2, $0x0  }
0x2d6: {  	s3 =	rddreg [dreg:$0x2];
	[bflag:$0x3] =	sbarrier.arrive $0xFFFF;
	s2 =	simm.s32 @!p0 $0x1C05  }
0x2d7: {  	[timem:s3], [sflag:s2] =	dma.local @!p0 [hbm:s0], s1  }
0x2d8: {  	s0 =	simm.s32 @!p0 $0x5  }
0x2d9: {  	_ =	swait.ge @!p0 [sflag:s0], s1  }
0x2da: {  	s1 =	ssub.s32 @!p0 $0x0, s1;
	[sflag:s0] =	ssyncset.done @!p0 $0x0  }
0x2db: {  	[sflag:s0] =	ssyncadd.s32 @!p0 s1  }
0x2dc: {  	[bflag:$0x3] =	sbarrier.arrive $0xFFFF  }
0x2dd: {  	_ =	shalt  }

</sc_bundles>
